<compile_context>
chip_gen: v7x
topology: tpu7x:2x2x1
jax: 0.10.2.dev20260603
libtpu: 0.0.44.dev20260713+nightly
codegen_flags: <defaults>
</compile_context>

<pallas_src>
import jax
import jax.numpy as jnp
from jax import lax
from jax.experimental import pallas as pl
from jax.experimental.pallas import tpu as pltpu
from jax.experimental.pallas import tpu_sc as plsc

_info = plsc.get_sparse_core_info()
_NC, _NS, _L = _info.num_cores, _info.num_subcores, _info.num_lanes
_NW = _NC * _NS
_B = 16384
_V = 1000000
_D = 64
_BPW = _B // _NW
_CHUNK = 128
_NH = 2
_HPW = _BPW // _NH
_NG = _HPW // _L
_BITREV = [0, 8, 4, 12, 2, 10, 6, 14, 1, 9, 5, 13, 3, 11, 7, 15]


def _glove_body(cw_hbm, tw_hbm, cooc_hbm, wt_hbm, embv_hbm, embu_hbm,
                vbt_hbm,
                out_hbm,
                cw_v, tw_v, cooc_v, wt_v, cb_v, tb_v, cemb, temb,
                rbuf, acc_v, sem):
    wid = lax.axis_index("s") * _NC + lax.axis_index("c")
    base = pl.multiple_of(wid * _BPW, _BPW)

    pltpu.sync_copy(cw_hbm.at[pl.ds(base, _BPW)], cw_v)
    pltpu.sync_copy(tw_hbm.at[pl.ds(base, _BPW)], tw_v)
    pltpu.sync_copy(cooc_hbm.at[pl.ds(base, _BPW)], cooc_v)
    pltpu.sync_copy(wt_hbm.at[pl.ds(base, _BPW)], wt_v)

    vb1 = vbt_hbm.at[0]
    bias_copies = []
    for c in range(_BPW // _CHUNK):
        s = pl.ds(c * _CHUNK, _CHUNK)
        bias_copies.append(pltpu.async_copy(vb1.at[cw_v.at[s]], cb_v.at[s], sem))
        bias_copies.append(pltpu.async_copy(vb1.at[tw_v.at[s]], tb_v.at[s], sem))

    lane = lax.iota(jnp.int32, _L)
    masks = {h: (lane & h) == 0 for h in (8, 4, 2, 1)}

    acc = jnp.zeros((_L,), jnp.float32)
    for half in range(_NH):
        emb_copies = []
        for c in range(_HPW // _CHUNK):
            si = pl.ds(half * _HPW + c * _CHUNK, _CHUNK)
            so = pl.ds(c * _CHUNK, _CHUNK)
            emb_copies.append(pltpu.async_copy(embv_hbm.at[cw_v.at[si]], cemb.at[so], sem))
            emb_copies.append(pltpu.async_copy(embu_hbm.at[tw_v.at[si]], temb.at[so], sem))
        for cp in emb_copies:
            cp.wait()
        if half == 0:
            for cp in bias_copies:
                cp.wait()

        def group(g, acc):
            b0 = pl.multiple_of(g * _L, _L)
            vals = []
            for i, j in enumerate(_BITREV):
                b = b0 + j
                p = cemb[b, pl.ds(0, _L)] * temb[b, pl.ds(0, _L)]
                for k in range(1, _D // _L):
                    p = p + cemb[b, pl.ds(k * _L, _L)] * temb[b, pl.ds(k * _L, _L)]
                sb = 8 + 32 * i
                rbuf[pl.ds(sb, _L)] = p
                vals.append((p, sb))
            slot = _L
            for h in (8, 4, 2, 1):
                m = masks[h]
                nxt = []
                for t in range(len(vals) // 2):
                    (av, ab), (bv, bb) = vals[2 * t], vals[2 * t + 1]
                    a_rot = rbuf[pl.ds(ab + h, _L)]
                    b_rot = rbuf[pl.ds(bb - h, _L)]
                    cv = jnp.where(m, av + a_rot, bv + b_rot)
                    sb2 = -1
                    if h > 1:
                        sb2 = 8 + 32 * slot
                        slot += 1
                        rbuf[pl.ds(sb2, _L)] = cv
                    nxt.append((cv, sb2))
                vals = nxt
            dotv = vals[0][0]
            e0 = pl.multiple_of(half * _HPW + g * _L, _L)
            cb = cb_v[pl.ds(e0, _L)]
            tb = tb_v[pl.ds(e0, _L)]
            cooc = cooc_v[pl.ds(e0, _L)]
            wt = wt_v[pl.ds(e0, _L)]
            err = dotv + cb + tb - cooc
            return acc + wt * err * err

        acc = lax.fori_loop(0, _NG, group, acc)

    acc_v[...] = acc
    pltpu.sync_copy(acc_v, out_hbm.at[wid])


_glove_partials = pl.kernel(
    _glove_body,
    out_type=jax.ShapeDtypeStruct((_NW, _L), jnp.float32),
    mesh=plsc.VectorSubcoreMesh(core_axis_name="c", subcore_axis_name="s"),
    compiler_params=pltpu.CompilerParams(use_tc_tiling_on_sc=False),
    scratch_types=[
        pltpu.VMEM((_BPW,), jnp.int32),
        pltpu.VMEM((_BPW,), jnp.int32),
        pltpu.VMEM((_BPW,), jnp.float32),
        pltpu.VMEM((_BPW,), jnp.float32),
        pltpu.VMEM((_BPW,), jnp.float32),
        pltpu.VMEM((_BPW,), jnp.float32),
        pltpu.VMEM((_HPW, _D), jnp.float32),
        pltpu.VMEM((_HPW, _D), jnp.float32),
        pltpu.VMEM((1024,), jnp.float32),
        pltpu.VMEM((_L,), jnp.float32),
        pltpu.SemaphoreType.DMA,
    ],
)


def _sum_body(x_ref, o_ref):
    o_ref[...] = jnp.sum(x_ref[...], keepdims=True)


def kernel(center_words, target_words, coocs, weights, emb_v, emb_u, v_bias,
           u_bias):
    del u_bias
    cw = center_words.reshape(_B)
    tw = target_words.reshape(_B)
    cooc = coocs.reshape(_B)
    wt = weights.reshape(_B)
    partials = _glove_partials(cw, tw, cooc, wt, emb_v, emb_u, v_bias.T)
    total = pl.pallas_call(
        _sum_body,
        out_shape=jax.ShapeDtypeStruct((1, 1), jnp.float32),
    )(partials)
    return total[0, 0]

# --- scband reference (transcript-rebuilt; emitter-appended) ---
"""Pipeline reference for scband-glove-83992380440764 (READ-ONLY COPY).

The authoritative reference and input builder live on the scoring server;
editing this copy changes nothing except your own understanding.
"""

import jax, jax.numpy as jnp
import numpy as np

VOCAB = 1000000
DIM = 64
B = 16384


def setup_inputs(seed: int = 0) -> dict:
    key = jax.random.key(seed)
    k0, k1, k2, k3, k4, k5, k6, k7 = jax.random.split(key, 8)
    initrange = (2.0 / (VOCAB + DIM)) ** 0.5
    center_words = jax.random.randint(k0, (B, 1), 0, VOCAB, dtype=jnp.int32)
    target_words = jax.random.randint(k1, (B, 1), 0, VOCAB, dtype=jnp.int32)
    coocs = jax.random.uniform(k2, (B, 1), dtype=jnp.float32)
    weights = jax.random.uniform(k3, (B, 1), dtype=jnp.float32)
    emb_v = jax.random.uniform(k4, (VOCAB, DIM), dtype=jnp.float32, minval=-initrange, maxval=initrange)
    emb_u = jax.random.uniform(k5, (VOCAB, DIM), dtype=jnp.float32, minval=-initrange, maxval=initrange)
    v_bias = jax.random.uniform(k6, (VOCAB, 1), dtype=jnp.float32, minval=-initrange, maxval=initrange)
    u_bias = jax.random.uniform(k7, (VOCAB, 1), dtype=jnp.float32, minval=-initrange, maxval=initrange)
    return {
        "center_words": center_words,
        "target_words": target_words,
        "coocs": coocs,
        "weights": weights,
        "emb_v": emb_v,
        "emb_u": emb_u,
        "v_bias": v_bias,
        "u_bias": u_bias,
    }


def reference(center_words, target_words, coocs, weights, emb_v, emb_u, v_bias, u_bias):
    # embedding lookups (gathers)
    center_embeds = jnp.take(emb_v, center_words, axis=0)   # [B, 1, D]
    target_embeds = jnp.take(emb_u, target_words, axis=0)   # [B, 1, D]
    # NOTE: original torch code uses v_bias for BOTH center and target biases;
    # we replicate that faithfully (u_bias is a parameter but unused in forward).
    center_bias = jnp.squeeze(jnp.take(v_bias, center_words, axis=0), axis=1)  # [B, 1]
    target_bias = jnp.squeeze(jnp.take(v_bias, target_words, axis=0), axis=1)  # [B, 1]
    # bmm: [B,1,D] @ [B,D,1] -> [B,1,1] -> squeeze(2) -> [B,1]
    inner_product = jnp.squeeze(
        jnp.einsum('bij,bkj->bik', target_embeds, center_embeds), axis=2
    )  # [B, 1]
    loss = weights * jnp.power(inner_product + center_bias + target_bias - coocs, 2)
    return jnp.sum(loss)

if __name__ == "__main__":
    import jax
    _d = setup_inputs()
    print(jax.jit(kernel)(*tuple(_d.values())))

</pallas_src>

<mosaic_0001>
#map = affine_map<(d0, d1) -> (0)>
#map1 = affine_map<(d0, d1) -> (0, 0)>
module attributes {stable_mosaic.version = 14 : i64} {
  func.func @_glove_body(%arg0: i32, %arg1: i32, %arg2: memref<16384xi32, #tpu.memory_space<hbm>>, %arg3: memref<16384xi32, #tpu.memory_space<hbm>>, %arg4: memref<16384xf32, #tpu.memory_space<hbm>>, %arg5: memref<16384xf32, #tpu.memory_space<hbm>>, %arg6: memref<1000000x64xf32, #tpu.memory_space<hbm>>, %arg7: memref<1000000x64xf32, #tpu.memory_space<hbm>>, %arg8: memref<1x1000000xf32, #tpu.memory_space<hbm>>, %arg9: memref<32x16xf32, #tpu.memory_space<hbm>>, %arg10: memref<512xi32, #tpu.memory_space<vmem>>, %arg11: memref<512xi32, #tpu.memory_space<vmem>>, %arg12: memref<512xf32, #tpu.memory_space<vmem>>, %arg13: memref<512xf32, #tpu.memory_space<vmem>>, %arg14: memref<512xf32, #tpu.memory_space<vmem>>, %arg15: memref<512xf32, #tpu.memory_space<vmem>>, %arg16: memref<256x64xf32, #tpu.memory_space<vmem>>, %arg17: memref<256x64xf32, #tpu.memory_space<vmem>>, %arg18: memref<1024xf32, #tpu.memory_space<vmem>>, %arg19: memref<16xf32, #tpu.memory_space<vmem>>, %arg20: memref<!tpu.dma_semaphore, #tpu.memory_space<semaphore_mem>>) attributes {dimension_semantics = [#tpu.dimension_semantics<core_parallel>, #tpu.dimension_semantics<subcore_parallel>], iteration_bounds = array<i64: 2, 16>, scalar_prefetch = 0 : i64, scratch_operands = 11 : i64, tpu.core_type = #tpu.core_type<sc_vector_subcore>, window_params = [{transform_indices = #map}, {transform_indices = #map}, {transform_indices = #map}, {transform_indices = #map}, {transform_indices = #map1}, {transform_indices = #map1}, {transform_indices = #map1}, {transform_indices = #map1}]} {
    %mul3A = arith.constant 2 : i32
    %mul3A_0 = arith.muli %arg1, %mul3A : i32
    %add3A = arith.addi %mul3A_0, %arg0 : i32
    %mul3A_1 = arith.constant 512 : i32
    %mul3A_2 = arith.muli %add3A, %mul3A_1 : i32
    %multiple_of3A = tpu.assume_multiple %mul3A_2, 512 : i32
    "tpu.region"() ({
      %run_scoped3A = tpu.sem_alloc : memref<!tpu.dma_semaphore, #tpu.memory_space<semaphore_mem>>
      %dma_start3A_326 = tpu.memref_slice %arg2[%multiple_of3A] : memref<16384xi32, #tpu.memory_space<hbm>> -> memref<512xi32, #tpu.memory_space<hbm>>
      %dma_start3A_327 = tpu.memref_slice %arg2[%multiple_of3A] : memref<16384xi32, #tpu.memory_space<hbm>> -> memref<512xi32, #tpu.memory_space<hbm>>
      tpu.enqueue_dma source(%dma_start3A_327 : memref<512xi32, #tpu.memory_space<hbm>>) target(%arg10 : memref<512xi32, #tpu.memory_space<vmem>>) target_semaphore(%run_scoped3A : memref<!tpu.dma_semaphore, #tpu.memory_space<semaphore_mem>>)
      %dma_wait3A_328 = tpu.memref_slice %arg2[%multiple_of3A] : memref<16384xi32, #tpu.memory_space<hbm>> -> memref<512xi32, #tpu.memory_space<hbm>>
      %dma_wait3A_329 = tpu.memref_slice %arg2[%multiple_of3A] : memref<16384xi32, #tpu.memory_space<hbm>> -> memref<512xi32, #tpu.memory_space<hbm>>
      tpu.wait_dma2 semaphore(%run_scoped3A : memref<!tpu.dma_semaphore, #tpu.memory_space<semaphore_mem>>) src(%dma_wait3A_329 : memref<512xi32, #tpu.memory_space<hbm>>) dst(%arg10 : memref<512xi32, #tpu.memory_space<vmem>>)
      tpu.yield
    }) : () -> ()
    "tpu.region"() ({
      %run_scoped3A = tpu.sem_alloc : memref<!tpu.dma_semaphore, #tpu.memory_space<semaphore_mem>>
      %dma_start3A_326 = tpu.memref_slice %arg3[%multiple_of3A] : memref<16384xi32, #tpu.memory_space<hbm>> -> memref<512xi32, #tpu.memory_space<hbm>>
      %dma_start3A_327 = tpu.memref_slice %arg3[%multiple_of3A] : memref<16384xi32, #tpu.memory_space<hbm>> -> memref<512xi32, #tpu.memory_space<hbm>>
      tpu.enqueue_dma source(%dma_start3A_327 : memref<512xi32, #tpu.memory_space<hbm>>) target(%arg11 : memref<512xi32, #tpu.memory_space<vmem>>) target_semaphore(%run_scoped3A : memref<!tpu.dma_semaphore, #tpu.memory_space<semaphore_mem>>)
      %dma_wait3A_328 = tpu.memref_slice %arg3[%multiple_of3A] : memref<16384xi32, #tpu.memory_space<hbm>> -> memref<512xi32, #tpu.memory_space<hbm>>
      %dma_wait3A_329 = tpu.memref_slice %arg3[%multiple_of3A] : memref<16384xi32, #tpu.memory_space<hbm>> -> memref<512xi32, #tpu.memory_space<hbm>>
      tpu.wait_dma2 semaphore(%run_scoped3A : memref<!tpu.dma_semaphore, #tpu.memory_space<semaphore_mem>>) src(%dma_wait3A_329 : memref<512xi32, #tpu.memory_space<hbm>>) dst(%arg11 : memref<512xi32, #tpu.memory_space<vmem>>)
      tpu.yield
    }) : () -> ()
    "tpu.region"() ({
      %run_scoped3A = tpu.sem_alloc : memref<!tpu.dma_semaphore, #tpu.memory_space<semaphore_mem>>
      %dma_start3A_326 = tpu.memref_slice %arg4[%multiple_of3A] : memref<16384xf32, #tpu.memory_space<hbm>> -> memref<512xf32, #tpu.memory_space<hbm>>
      %dma_start3A_327 = tpu.memref_slice %arg4[%multiple_of3A] : memref<16384xf32, #tpu.memory_space<hbm>> -> memref<512xf32, #tpu.memory_space<hbm>>
      tpu.enqueue_dma source(%dma_start3A_327 : memref<512xf32, #tpu.memory_space<hbm>>) target(%arg12 : memref<512xf32, #tpu.memory_space<vmem>>) target_semaphore(%run_scoped3A : memref<!tpu.dma_semaphore, #tpu.memory_space<semaphore_mem>>)
      %dma_wait3A_328 = tpu.memref_slice %arg4[%multiple_of3A] : memref<16384xf32, #tpu.memory_space<hbm>> -> memref<512xf32, #tpu.memory_space<hbm>>
      %dma_wait3A_329 = tpu.memref_slice %arg4[%multiple_of3A] : memref<16384xf32, #tpu.memory_space<hbm>> -> memref<512xf32, #tpu.memory_space<hbm>>
      tpu.wait_dma2 semaphore(%run_scoped3A : memref<!tpu.dma_semaphore, #tpu.memory_space<semaphore_mem>>) src(%dma_wait3A_329 : memref<512xf32, #tpu.memory_space<hbm>>) dst(%arg12 : memref<512xf32, #tpu.memory_space<vmem>>)
      tpu.yield
    }) : () -> ()
    "tpu.region"() ({
      %run_scoped3A = tpu.sem_alloc : memref<!tpu.dma_semaphore, #tpu.memory_space<semaphore_mem>>
      %dma_start3A_326 = tpu.memref_slice %arg5[%multiple_of3A] : memref<16384xf32, #tpu.memory_space<hbm>> -> memref<512xf32, #tpu.memory_space<hbm>>
      %dma_start3A_327 = tpu.memref_slice %arg5[%multiple_of3A] : memref<16384xf32, #tpu.memory_space<hbm>> -> memref<512xf32, #tpu.memory_space<hbm>>
      tpu.enqueue_dma source(%dma_start3A_327 : memref<512xf32, #tpu.memory_space<hbm>>) target(%arg13 : memref<512xf32, #tpu.memory_space<vmem>>) target_semaphore(%run_scoped3A : memref<!tpu.dma_semaphore, #tpu.memory_space<semaphore_mem>>)
      %dma_wait3A_328 = tpu.memref_slice %arg5[%multiple_of3A] : memref<16384xf32, #tpu.memory_space<hbm>> -> memref<512xf32, #tpu.memory_space<hbm>>
      %dma_wait3A_329 = tpu.memref_slice %arg5[%multiple_of3A] : memref<16384xf32, #tpu.memory_space<hbm>> -> memref<512xf32, #tpu.memory_space<hbm>>
      tpu.wait_dma2 semaphore(%run_scoped3A : memref<!tpu.dma_semaphore, #tpu.memory_space<semaphore_mem>>) src(%dma_wait3A_329 : memref<512xf32, #tpu.memory_space<hbm>>) dst(%arg13 : memref<512xf32, #tpu.memory_space<vmem>>)
      tpu.yield
    }) : () -> ()
    %dma_start3A = arith.constant 0 : i32
    %dma_start3A_3 = arith.constant 0 : i32
    %dma_start3A_4 = tpu.memref_slice %arg14[%dma_start3A_3] : memref<512xf32, #tpu.memory_space<vmem>> -> memref<128xf32, #tpu.memory_space<vmem>>
    %dma_start3A_5 = arith.constant 0 : i32
    %dma_start3A_6 = tpu.memref_slice %arg10[%dma_start3A_5] : memref<512xi32, #tpu.memory_space<vmem>> -> memref<128xi32, #tpu.memory_space<vmem>>
    %dma_start3A_7 = arith.constant 0 : i32
    %dma_start3A_8 = tpu.memref_slice %arg8[%dma_start3A, %dma_start3A_7] : memref<1x1000000xf32, #tpu.memory_space<hbm>> -> memref<1x1000000xf32, #tpu.memory_space<hbm>>
    %dma_start3A_9 = tpu.memref_squeeze %dma_start3A_8 : memref<1x1000000xf32, #tpu.memory_space<hbm>> -> memref<1000000xf32, #tpu.memory_space<hbm>>
    %dma_start3A_10 = arith.constant 0 : i32
    %dma_start3A_11 = tpu.memref_slice %dma_start3A_9[%dma_start3A_10] : memref<1000000xf32, #tpu.memory_space<hbm>> -> memref<1000000xf32, #tpu.memory_space<hbm>>
    tpu.enqueue_indirect_dma source(%dma_start3A_11 : memref<1000000xf32, #tpu.memory_space<hbm>>) target(%dma_start3A_4 : memref<128xf32, #tpu.memory_space<vmem>>) offsets(%dma_start3A_6 : memref<128xi32, #tpu.memory_space<vmem>>) semaphore(%arg20 : memref<!tpu.dma_semaphore, #tpu.memory_space<semaphore_mem>>)
    %dma_start3A_12 = arith.constant 0 : i32
    %dma_start3A_13 = arith.constant 0 : i32
    %dma_start3A_14 = tpu.memref_slice %arg15[%dma_start3A_13] : memref<512xf32, #tpu.memory_space<vmem>> -> memref<128xf32, #tpu.memory_space<vmem>>
    %dma_start3A_15 = arith.constant 0 : i32
    %dma_start3A_16 = tpu.memref_slice %arg11[%dma_start3A_15] : memref<512xi32, #tpu.memory_space<vmem>> -> memref<128xi32, #tpu.memory_space<vmem>>
    %dma_start3A_17 = arith.constant 0 : i32
    %dma_start3A_18 = tpu.memref_slice %arg8[%dma_start3A_12, %dma_start3A_17] : memref<1x1000000xf32, #tpu.memory_space<hbm>> -> memref<1x1000000xf32, #tpu.memory_space<hbm>>
    %dma_start3A_19 = tpu.memref_squeeze %dma_start3A_18 : memref<1x1000000xf32, #tpu.memory_space<hbm>> -> memref<1000000xf32, #tpu.memory_space<hbm>>
    %dma_start3A_20 = arith.constant 0 : i32
    %dma_start3A_21 = tpu.memref_slice %dma_start3A_19[%dma_start3A_20] : memref<1000000xf32, #tpu.memory_space<hbm>> -> memref<1000000xf32, #tpu.memory_space<hbm>>
    tpu.enqueue_indirect_dma source(%dma_start3A_21 : memref<1000000xf32, #tpu.memory_space<hbm>>) target(%dma_start3A_14 : memref<128xf32, #tpu.memory_space<vmem>>) offsets(%dma_start3A_16 : memref<128xi32, #tpu.memory_space<vmem>>) semaphore(%arg20 : memref<!tpu.dma_semaphore, #tpu.memory_space<semaphore_mem>>)
    %dma_start3A_22 = arith.constant 0 : i32
    %dma_start3A_23 = arith.constant 128 : i32
    %dma_start3A_24 = tpu.memref_slice %arg14[%dma_start3A_23] : memref<512xf32, #tpu.memory_space<vmem>> -> memref<128xf32, #tpu.memory_space<vmem>>
    %dma_start3A_25 = arith.constant 128 : i32
    %dma_start3A_26 = tpu.memref_slice %arg10[%dma_start3A_25] : memref<512xi32, #tpu.memory_space<vmem>> -> memref<128xi32, #tpu.memory_space<vmem>>
    %dma_start3A_27 = arith.constant 0 : i32
    %dma_start3A_28 = tpu.memref_slice %arg8[%dma_start3A_22, %dma_start3A_27] : memref<1x1000000xf32, #tpu.memory_space<hbm>> -> memref<1x1000000xf32, #tpu.memory_space<hbm>>
    %dma_start3A_29 = tpu.memref_squeeze %dma_start3A_28 : memref<1x1000000xf32, #tpu.memory_space<hbm>> -> memref<1000000xf32, #tpu.memory_space<hbm>>
    %dma_start3A_30 = arith.constant 0 : i32
    %dma_start3A_31 = tpu.memref_slice %dma_start3A_29[%dma_start3A_30] : memref<1000000xf32, #tpu.memory_space<hbm>> -> memref<1000000xf32, #tpu.memory_space<hbm>>
    tpu.enqueue_indirect_dma source(%dma_start3A_31 : memref<1000000xf32, #tpu.memory_space<hbm>>) target(%dma_start3A_24 : memref<128xf32, #tpu.memory_space<vmem>>) offsets(%dma_start3A_26 : memref<128xi32, #tpu.memory_space<vmem>>) semaphore(%arg20 : memref<!tpu.dma_semaphore, #tpu.memory_space<semaphore_mem>>)
    %dma_start3A_32 = arith.constant 0 : i32
    %dma_start3A_33 = arith.constant 128 : i32
    %dma_start3A_34 = tpu.memref_slice %arg15[%dma_start3A_33] : memref<512xf32, #tpu.memory_space<vmem>> -> memref<128xf32, #tpu.memory_space<vmem>>
    %dma_start3A_35 = arith.constant 128 : i32
    %dma_start3A_36 = tpu.memref_slice %arg11[%dma_start3A_35] : memref<512xi32, #tpu.memory_space<vmem>> -> memref<128xi32, #tpu.memory_space<vmem>>
    %dma_start3A_37 = arith.constant 0 : i32
    %dma_start3A_38 = tpu.memref_slice %arg8[%dma_start3A_32, %dma_start3A_37] : memref<1x1000000xf32, #tpu.memory_space<hbm>> -> memref<1x1000000xf32, #tpu.memory_space<hbm>>
    %dma_start3A_39 = tpu.memref_squeeze %dma_start3A_38 : memref<1x1000000xf32, #tpu.memory_space<hbm>> -> memref<1000000xf32, #tpu.memory_space<hbm>>
    %dma_start3A_40 = arith.constant 0 : i32
    %dma_start3A_41 = tpu.memref_slice %dma_start3A_39[%dma_start3A_40] : memref<1000000xf32, #tpu.memory_space<hbm>> -> memref<1000000xf32, #tpu.memory_space<hbm>>
    tpu.enqueue_indirect_dma source(%dma_start3A_41 : memref<1000000xf32, #tpu.memory_space<hbm>>) target(%dma_start3A_34 : memref<128xf32, #tpu.memory_space<vmem>>) offsets(%dma_start3A_36 : memref<128xi32, #tpu.memory_space<vmem>>) semaphore(%arg20 : memref<!tpu.dma_semaphore, #tpu.memory_space<semaphore_mem>>)
    %dma_start3A_42 = arith.constant 0 : i32
    %dma_start3A_43 = arith.constant 256 : i32
    %dma_start3A_44 = tpu.memref_slice %arg14[%dma_start3A_43] : memref<512xf32, #tpu.memory_space<vmem>> -> memref<128xf32, #tpu.memory_space<vmem>>
    %dma_start3A_45 = arith.constant 256 : i32
    %dma_start3A_46 = tpu.memref_slice %arg10[%dma_start3A_45] : memref<512xi32, #tpu.memory_space<vmem>> -> memref<128xi32, #tpu.memory_space<vmem>>
    %dma_start3A_47 = arith.constant 0 : i32
    %dma_start3A_48 = tpu.memref_slice %arg8[%dma_start3A_42, %dma_start3A_47] : memref<1x1000000xf32, #tpu.memory_space<hbm>> -> memref<1x1000000xf32, #tpu.memory_space<hbm>>
    %dma_start3A_49 = tpu.memref_squeeze %dma_start3A_48 : memref<1x1000000xf32, #tpu.memory_space<hbm>> -> memref<1000000xf32, #tpu.memory_space<hbm>>
    %dma_start3A_50 = arith.constant 0 : i32
    %dma_start3A_51 = tpu.memref_slice %dma_start3A_49[%dma_start3A_50] : memref<1000000xf32, #tpu.memory_space<hbm>> -> memref<1000000xf32, #tpu.memory_space<hbm>>
    tpu.enqueue_indirect_dma source(%dma_start3A_51 : memref<1000000xf32, #tpu.memory_space<hbm>>) target(%dma_start3A_44 : memref<128xf32, #tpu.memory_space<vmem>>) offsets(%dma_start3A_46 : memref<128xi32, #tpu.memory_space<vmem>>) semaphore(%arg20 : memref<!tpu.dma_semaphore, #tpu.memory_space<semaphore_mem>>)
    %dma_start3A_52 = arith.constant 0 : i32
    %dma_start3A_53 = arith.constant 256 : i32
    %dma_start3A_54 = tpu.memref_slice %arg15[%dma_start3A_53] : memref<512xf32, #tpu.memory_space<vmem>> -> memref<128xf32, #tpu.memory_space<vmem>>
    %dma_start3A_55 = arith.constant 256 : i32
    %dma_start3A_56 = tpu.memref_slice %arg11[%dma_start3A_55] : memref<512xi32, #tpu.memory_space<vmem>> -> memref<128xi32, #tpu.memory_space<vmem>>
    %dma_start3A_57 = arith.constant 0 : i32
    %dma_start3A_58 = tpu.memref_slice %arg8[%dma_start3A_52, %dma_start3A_57] : memref<1x1000000xf32, #tpu.memory_space<hbm>> -> memref<1x1000000xf32, #tpu.memory_space<hbm>>
    %dma_start3A_59 = tpu.memref_squeeze %dma_start3A_58 : memref<1x1000000xf32, #tpu.memory_space<hbm>> -> memref<1000000xf32, #tpu.memory_space<hbm>>
    %dma_start3A_60 = arith.constant 0 : i32
    %dma_start3A_61 = tpu.memref_slice %dma_start3A_59[%dma_start3A_60] : memref<1000000xf32, #tpu.memory_space<hbm>> -> memref<1000000xf32, #tpu.memory_space<hbm>>
    tpu.enqueue_indirect_dma source(%dma_start3A_61 : memref<1000000xf32, #tpu.memory_space<hbm>>) target(%dma_start3A_54 : memref<128xf32, #tpu.memory_space<vmem>>) offsets(%dma_start3A_56 : memref<128xi32, #tpu.memory_space<vmem>>) semaphore(%arg20 : memref<!tpu.dma_semaphore, #tpu.memory_space<semaphore_mem>>)
    %dma_start3A_62 = arith.constant 0 : i32
    %dma_start3A_63 = arith.constant 384 : i32
    %dma_start3A_64 = tpu.memref_slice %arg14[%dma_start3A_63] : memref<512xf32, #tpu.memory_space<vmem>> -> memref<128xf32, #tpu.memory_space<vmem>>
    %dma_start3A_65 = arith.constant 384 : i32
    %dma_start3A_66 = tpu.memref_slice %arg10[%dma_start3A_65] : memref<512xi32, #tpu.memory_space<vmem>> -> memref<128xi32, #tpu.memory_space<vmem>>
    %dma_start3A_67 = arith.constant 0 : i32
    %dma_start3A_68 = tpu.memref_slice %arg8[%dma_start3A_62, %dma_start3A_67] : memref<1x1000000xf32, #tpu.memory_space<hbm>> -> memref<1x1000000xf32, #tpu.memory_space<hbm>>
    %dma_start3A_69 = tpu.memref_squeeze %dma_start3A_68 : memref<1x1000000xf32, #tpu.memory_space<hbm>> -> memref<1000000xf32, #tpu.memory_space<hbm>>
    %dma_start3A_70 = arith.constant 0 : i32
    %dma_start3A_71 = tpu.memref_slice %dma_start3A_69[%dma_start3A_70] : memref<1000000xf32, #tpu.memory_space<hbm>> -> memref<1000000xf32, #tpu.memory_space<hbm>>
    tpu.enqueue_indirect_dma source(%dma_start3A_71 : memref<1000000xf32, #tpu.memory_space<hbm>>) target(%dma_start3A_64 : memref<128xf32, #tpu.memory_space<vmem>>) offsets(%dma_start3A_66 : memref<128xi32, #tpu.memory_space<vmem>>) semaphore(%arg20 : memref<!tpu.dma_semaphore, #tpu.memory_space<semaphore_mem>>)
    %dma_start3A_72 = arith.constant 0 : i32
    %dma_start3A_73 = arith.constant 384 : i32
    %dma_start3A_74 = tpu.memref_slice %arg15[%dma_start3A_73] : memref<512xf32, #tpu.memory_space<vmem>> -> memref<128xf32, #tpu.memory_space<vmem>>
    %dma_start3A_75 = arith.constant 384 : i32
    %dma_start3A_76 = tpu.memref_slice %arg11[%dma_start3A_75] : memref<512xi32, #tpu.memory_space<vmem>> -> memref<128xi32, #tpu.memory_space<vmem>>
    %dma_start3A_77 = arith.constant 0 : i32
    %dma_start3A_78 = tpu.memref_slice %arg8[%dma_start3A_72, %dma_start3A_77] : memref<1x1000000xf32, #tpu.memory_space<hbm>> -> memref<1x1000000xf32, #tpu.memory_space<hbm>>
    %dma_start3A_79 = tpu.memref_squeeze %dma_start3A_78 : memref<1x1000000xf32, #tpu.memory_space<hbm>> -> memref<1000000xf32, #tpu.memory_space<hbm>>
    %dma_start3A_80 = arith.constant 0 : i32
    %dma_start3A_81 = tpu.memref_slice %dma_start3A_79[%dma_start3A_80] : memref<1000000xf32, #tpu.memory_space<hbm>> -> memref<1000000xf32, #tpu.memory_space<hbm>>
    tpu.enqueue_indirect_dma source(%dma_start3A_81 : memref<1000000xf32, #tpu.memory_space<hbm>>) target(%dma_start3A_74 : memref<128xf32, #tpu.memory_space<vmem>>) offsets(%dma_start3A_76 : memref<128xi32, #tpu.memory_space<vmem>>) semaphore(%arg20 : memref<!tpu.dma_semaphore, #tpu.memory_space<semaphore_mem>>)
    %iota3A = tpu.iota {dimensions = array<i32: 0>} : vector<16xi32>
    %and3A = arith.constant 8 : i32
    %and3A_82 = vector.broadcast %and3A : i32 to vector<16xi32>
    %and3A_83 = arith.andi %iota3A, %and3A_82 : vector<16xi32>
    %eq3A = arith.constant 0 : i32
    %eq3A_84 = vector.broadcast %eq3A : i32 to vector<16xi32>
    %eq3A_85 = arith.cmpi eq, %and3A_83, %eq3A_84 : vector<16xi32>
    %and3A_86 = arith.constant 4 : i32
    %and3A_87 = vector.broadcast %and3A_86 : i32 to vector<16xi32>
    %and3A_88 = arith.andi %iota3A, %and3A_87 : vector<16xi32>
    %eq3A_89 = arith.constant 0 : i32
    %eq3A_90 = vector.broadcast %eq3A_89 : i32 to vector<16xi32>
    %eq3A_91 = arith.cmpi eq, %and3A_88, %eq3A_90 : vector<16xi32>
    %and3A_92 = arith.constant 2 : i32
    %and3A_93 = vector.broadcast %and3A_92 : i32 to vector<16xi32>
    %and3A_94 = arith.andi %iota3A, %and3A_93 : vector<16xi32>
    %eq3A_95 = arith.constant 0 : i32
    %eq3A_96 = vector.broadcast %eq3A_95 : i32 to vector<16xi32>
    %eq3A_97 = arith.cmpi eq, %and3A_94, %eq3A_96 : vector<16xi32>
    %and3A_98 = arith.constant 1 : i32
    %and3A_99 = vector.broadcast %and3A_98 : i32 to vector<16xi32>
    %and3A_100 = arith.andi %iota3A, %and3A_99 : vector<16xi32>
    %eq3A_101 = arith.constant 0 : i32
    %eq3A_102 = vector.broadcast %eq3A_101 : i32 to vector<16xi32>
    %eq3A_103 = arith.cmpi eq, %and3A_100, %eq3A_102 : vector<16xi32>
    %broadcast_in_dim3A = arith.constant 0.000000e+00 : f32
    %broadcast_in_dim3A_104 = vector.broadcast %broadcast_in_dim3A : f32 to vector<16xf32>
    %dma_start3A_105 = arith.constant 0 : i32
    %dma_start3A_106 = arith.constant 0 : i32
    %dma_start3A_107 = tpu.memref_slice %arg16[%dma_start3A_105, %dma_start3A_106] : memref<256x64xf32, #tpu.memory_space<vmem>> -> memref<128x64xf32, #tpu.memory_space<vmem>>
    %dma_start3A_108 = arith.constant 0 : i32
    %dma_start3A_109 = tpu.memref_slice %arg10[%dma_start3A_108] : memref<512xi32, #tpu.memory_space<vmem>> -> memref<128xi32, #tpu.memory_space<vmem>>
    %dma_start3A_110 = arith.constant 0 : i32
    %dma_start3A_111 = arith.constant 0 : i32
    %dma_start3A_112 = tpu.memref_slice %arg6[%dma_start3A_110, %dma_start3A_111] : memref<1000000x64xf32, #tpu.memory_space<hbm>> -> memref<1000000x64xf32, #tpu.memory_space<hbm>>
    tpu.enqueue_indirect_dma source(%dma_start3A_112 : memref<1000000x64xf32, #tpu.memory_space<hbm>>) target(%dma_start3A_107 : memref<128x64xf32, #tpu.memory_space<vmem>>) offsets(%dma_start3A_109 : memref<128xi32, #tpu.memory_space<vmem>>) semaphore(%arg20 : memref<!tpu.dma_semaphore, #tpu.memory_space<semaphore_mem>>)
    %dma_start3A_113 = arith.constant 0 : i32
    %dma_start3A_114 = arith.constant 0 : i32
    %dma_start3A_115 = tpu.memref_slice %arg17[%dma_start3A_113, %dma_start3A_114] : memref<256x64xf32, #tpu.memory_space<vmem>> -> memref<128x64xf32, #tpu.memory_space<vmem>>
    %dma_start3A_116 = arith.constant 0 : i32
    %dma_start3A_117 = tpu.memref_slice %arg11[%dma_start3A_116] : memref<512xi32, #tpu.memory_space<vmem>> -> memref<128xi32, #tpu.memory_space<vmem>>
    %dma_start3A_118 = arith.constant 0 : i32
    %dma_start3A_119 = arith.constant 0 : i32
    %dma_start3A_120 = tpu.memref_slice %arg7[%dma_start3A_118, %dma_start3A_119] : memref<1000000x64xf32, #tpu.memory_space<hbm>> -> memref<1000000x64xf32, #tpu.memory_space<hbm>>
    tpu.enqueue_indirect_dma source(%dma_start3A_120 : memref<1000000x64xf32, #tpu.memory_space<hbm>>) target(%dma_start3A_115 : memref<128x64xf32, #tpu.memory_space<vmem>>) offsets(%dma_start3A_117 : memref<128xi32, #tpu.memory_space<vmem>>) semaphore(%arg20 : memref<!tpu.dma_semaphore, #tpu.memory_space<semaphore_mem>>)
    %dma_start3A_121 = arith.constant 128 : i32
    %dma_start3A_122 = arith.constant 0 : i32
    %dma_start3A_123 = tpu.memref_slice %arg16[%dma_start3A_121, %dma_start3A_122] : memref<256x64xf32, #tpu.memory_space<vmem>> -> memref<128x64xf32, #tpu.memory_space<vmem>>
    %dma_start3A_124 = arith.constant 128 : i32
    %dma_start3A_125 = tpu.memref_slice %arg10[%dma_start3A_124] : memref<512xi32, #tpu.memory_space<vmem>> -> memref<128xi32, #tpu.memory_space<vmem>>
    %dma_start3A_126 = arith.constant 0 : i32
    %dma_start3A_127 = arith.constant 0 : i32
    %dma_start3A_128 = tpu.memref_slice %arg6[%dma_start3A_126, %dma_start3A_127] : memref<1000000x64xf32, #tpu.memory_space<hbm>> -> memref<1000000x64xf32, #tpu.memory_space<hbm>>
    tpu.enqueue_indirect_dma source(%dma_start3A_128 : memref<1000000x64xf32, #tpu.memory_space<hbm>>) target(%dma_start3A_123 : memref<128x64xf32, #tpu.memory_space<vmem>>) offsets(%dma_start3A_125 : memref<128xi32, #tpu.memory_space<vmem>>) semaphore(%arg20 : memref<!tpu.dma_semaphore, #tpu.memory_space<semaphore_mem>>)
    %dma_start3A_129 = arith.constant 128 : i32
    %dma_start3A_130 = arith.constant 0 : i32
    %dma_start3A_131 = tpu.memref_slice %arg17[%dma_start3A_129, %dma_start3A_130] : memref<256x64xf32, #tpu.memory_space<vmem>> -> memref<128x64xf32, #tpu.memory_space<vmem>>
    %dma_start3A_132 = arith.constant 128 : i32
    %dma_start3A_133 = tpu.memref_slice %arg11[%dma_start3A_132] : memref<512xi32, #tpu.memory_space<vmem>> -> memref<128xi32, #tpu.memory_space<vmem>>
    %dma_start3A_134 = arith.constant 0 : i32
    %dma_start3A_135 = arith.constant 0 : i32
    %dma_start3A_136 = tpu.memref_slice %arg7[%dma_start3A_134, %dma_start3A_135] : memref<1000000x64xf32, #tpu.memory_space<hbm>> -> memref<1000000x64xf32, #tpu.memory_space<hbm>>
    tpu.enqueue_indirect_dma source(%dma_start3A_136 : memref<1000000x64xf32, #tpu.memory_space<hbm>>) target(%dma_start3A_131 : memref<128x64xf32, #tpu.memory_space<vmem>>) offsets(%dma_start3A_133 : memref<128xi32, #tpu.memory_space<vmem>>) semaphore(%arg20 : memref<!tpu.dma_semaphore, #tpu.memory_space<semaphore_mem>>)
    %dma_wait3A = arith.constant 0 : i32
    %dma_wait3A_137 = arith.constant 0 : i32
    %dma_wait3A_138 = tpu.memref_slice %arg16[%dma_wait3A, %dma_wait3A_137] : memref<256x64xf32, #tpu.memory_space<vmem>> -> memref<128x64xf32, #tpu.memory_space<vmem>>
    %dma_wait3A_139 = arith.constant 0 : i32
    %dma_wait3A_140 = tpu.memref_slice %arg10[%dma_wait3A_139] : memref<512xi32, #tpu.memory_space<vmem>> -> memref<128xi32, #tpu.memory_space<vmem>>
    %dma_wait3A_141 = arith.constant 0 : i32
    %dma_wait3A_142 = arith.constant 0 : i32
    %dma_wait3A_143 = tpu.memref_slice %arg6[%dma_wait3A_141, %dma_wait3A_142] : memref<1000000x64xf32, #tpu.memory_space<hbm>> -> memref<1000000x64xf32, #tpu.memory_space<hbm>>
    tpu.wait_indirect_dma semaphore(%arg20 : memref<!tpu.dma_semaphore, #tpu.memory_space<semaphore_mem>>) src(%dma_wait3A_143 : memref<1000000x64xf32, #tpu.memory_space<hbm>>) dst(%dma_wait3A_138 : memref<128x64xf32, #tpu.memory_space<vmem>>)
    %dma_wait3A_144 = arith.constant 0 : i32
    %dma_wait3A_145 = arith.constant 0 : i32
    %dma_wait3A_146 = tpu.memref_slice %arg17[%dma_wait3A_144, %dma_wait3A_145] : memref<256x64xf32, #tpu.memory_space<vmem>> -> memref<128x64xf32, #tpu.memory_space<vmem>>
    %dma_wait3A_147 = arith.constant 0 : i32
    %dma_wait3A_148 = tpu.memref_slice %arg11[%dma_wait3A_147] : memref<512xi32, #tpu.memory_space<vmem>> -> memref<128xi32, #tpu.memory_space<vmem>>
    %dma_wait3A_149 = arith.constant 0 : i32
    %dma_wait3A_150 = arith.constant 0 : i32
    %dma_wait3A_151 = tpu.memref_slice %arg7[%dma_wait3A_149, %dma_wait3A_150] : memref<1000000x64xf32, #tpu.memory_space<hbm>> -> memref<1000000x64xf32, #tpu.memory_space<hbm>>
    tpu.wait_indirect_dma semaphore(%arg20 : memref<!tpu.dma_semaphore, #tpu.memory_space<semaphore_mem>>) src(%dma_wait3A_151 : memref<1000000x64xf32, #tpu.memory_space<hbm>>) dst(%dma_wait3A_146 : memref<128x64xf32, #tpu.memory_space<vmem>>)
    %dma_wait3A_152 = arith.constant 128 : i32
    %dma_wait3A_153 = arith.constant 0 : i32
    %dma_wait3A_154 = tpu.memref_slice %arg16[%dma_wait3A_152, %dma_wait3A_153] : memref<256x64xf32, #tpu.memory_space<vmem>> -> memref<128x64xf32, #tpu.memory_space<vmem>>
    %dma_wait3A_155 = arith.constant 128 : i32
    %dma_wait3A_156 = tpu.memref_slice %arg10[%dma_wait3A_155] : memref<512xi32, #tpu.memory_space<vmem>> -> memref<128xi32, #tpu.memory_space<vmem>>
    %dma_wait3A_157 = arith.constant 0 : i32
    %dma_wait3A_158 = arith.constant 0 : i32
    %dma_wait3A_159 = tpu.memref_slice %arg6[%dma_wait3A_157, %dma_wait3A_158] : memref<1000000x64xf32, #tpu.memory_space<hbm>> -> memref<1000000x64xf32, #tpu.memory_space<hbm>>
    tpu.wait_indirect_dma semaphore(%arg20 : memref<!tpu.dma_semaphore, #tpu.memory_space<semaphore_mem>>) src(%dma_wait3A_159 : memref<1000000x64xf32, #tpu.memory_space<hbm>>) dst(%dma_wait3A_154 : memref<128x64xf32, #tpu.memory_space<vmem>>)
    %dma_wait3A_160 = arith.constant 128 : i32
    %dma_wait3A_161 = arith.constant 0 : i32
    %dma_wait3A_162 = tpu.memref_slice %arg17[%dma_wait3A_160, %dma_wait3A_161] : memref<256x64xf32, #tpu.memory_space<vmem>> -> memref<128x64xf32, #tpu.memory_space<vmem>>
    %dma_wait3A_163 = arith.constant 128 : i32
    %dma_wait3A_164 = tpu.memref_slice %arg11[%dma_wait3A_163] : memref<512xi32, #tpu.memory_space<vmem>> -> memref<128xi32, #tpu.memory_space<vmem>>
    %dma_wait3A_165 = arith.constant 0 : i32
    %dma_wait3A_166 = arith.constant 0 : i32
    %dma_wait3A_167 = tpu.memref_slice %arg7[%dma_wait3A_165, %dma_wait3A_166] : memref<1000000x64xf32, #tpu.memory_space<hbm>> -> memref<1000000x64xf32, #tpu.memory_space<hbm>>
    tpu.wait_indirect_dma semaphore(%arg20 : memref<!tpu.dma_semaphore, #tpu.memory_space<semaphore_mem>>) src(%dma_wait3A_167 : memref<1000000x64xf32, #tpu.memory_space<hbm>>) dst(%dma_wait3A_162 : memref<128x64xf32, #tpu.memory_space<vmem>>)
    %dma_wait3A_168 = arith.constant 0 : i32
    %dma_wait3A_169 = arith.constant 0 : i32
    %dma_wait3A_170 = tpu.memref_slice %arg14[%dma_wait3A_169] : memref<512xf32, #tpu.memory_space<vmem>> -> memref<128xf32, #tpu.memory_space<vmem>>
    %dma_wait3A_171 = arith.constant 0 : i32
    %dma_wait3A_172 = tpu.memref_slice %arg10[%dma_wait3A_171] : memref<512xi32, #tpu.memory_space<vmem>> -> memref<128xi32, #tpu.memory_space<vmem>>
    %dma_wait3A_173 = arith.constant 0 : i32
    %dma_wait3A_174 = tpu.memref_slice %arg8[%dma_wait3A_168, %dma_wait3A_173] : memref<1x1000000xf32, #tpu.memory_space<hbm>> -> memref<1x1000000xf32, #tpu.memory_space<hbm>>
    %dma_wait3A_175 = tpu.memref_squeeze %dma_wait3A_174 : memref<1x1000000xf32, #tpu.memory_space<hbm>> -> memref<1000000xf32, #tpu.memory_space<hbm>>
    %dma_wait3A_176 = arith.constant 0 : i32
    %dma_wait3A_177 = tpu.memref_slice %dma_wait3A_175[%dma_wait3A_176] : memref<1000000xf32, #tpu.memory_space<hbm>> -> memref<1000000xf32, #tpu.memory_space<hbm>>
    tpu.wait_indirect_dma semaphore(%arg20 : memref<!tpu.dma_semaphore, #tpu.memory_space<semaphore_mem>>) src(%dma_wait3A_177 : memref<1000000xf32, #tpu.memory_space<hbm>>) dst(%dma_wait3A_170 : memref<128xf32, #tpu.memory_space<vmem>>)
    %dma_wait3A_178 = arith.constant 0 : i32
    %dma_wait3A_179 = arith.constant 0 : i32
    %dma_wait3A_180 = tpu.memref_slice %arg15[%dma_wait3A_179] : memref<512xf32, #tpu.memory_space<vmem>> -> memref<128xf32, #tpu.memory_space<vmem>>
    %dma_wait3A_181 = arith.constant 0 : i32
    %dma_wait3A_182 = tpu.memref_slice %arg11[%dma_wait3A_181] : memref<512xi32, #tpu.memory_space<vmem>> -> memref<128xi32, #tpu.memory_space<vmem>>
    %dma_wait3A_183 = arith.constant 0 : i32
    %dma_wait3A_184 = tpu.memref_slice %arg8[%dma_wait3A_178, %dma_wait3A_183] : memref<1x1000000xf32, #tpu.memory_space<hbm>> -> memref<1x1000000xf32, #tpu.memory_space<hbm>>
    %dma_wait3A_185 = tpu.memref_squeeze %dma_wait3A_184 : memref<1x1000000xf32, #tpu.memory_space<hbm>> -> memref<1000000xf32, #tpu.memory_space<hbm>>
    %dma_wait3A_186 = arith.constant 0 : i32
    %dma_wait3A_187 = tpu.memref_slice %dma_wait3A_185[%dma_wait3A_186] : memref<1000000xf32, #tpu.memory_space<hbm>> -> memref<1000000xf32, #tpu.memory_space<hbm>>
    tpu.wait_indirect_dma semaphore(%arg20 : memref<!tpu.dma_semaphore, #tpu.memory_space<semaphore_mem>>) src(%dma_wait3A_187 : memref<1000000xf32, #tpu.memory_space<hbm>>) dst(%dma_wait3A_180 : memref<128xf32, #tpu.memory_space<vmem>>)
    %dma_wait3A_188 = arith.constant 0 : i32
    %dma_wait3A_189 = arith.constant 128 : i32
    %dma_wait3A_190 = tpu.memref_slice %arg14[%dma_wait3A_189] : memref<512xf32, #tpu.memory_space<vmem>> -> memref<128xf32, #tpu.memory_space<vmem>>
    %dma_wait3A_191 = arith.constant 128 : i32
    %dma_wait3A_192 = tpu.memref_slice %arg10[%dma_wait3A_191] : memref<512xi32, #tpu.memory_space<vmem>> -> memref<128xi32, #tpu.memory_space<vmem>>
    %dma_wait3A_193 = arith.constant 0 : i32
    %dma_wait3A_194 = tpu.memref_slice %arg8[%dma_wait3A_188, %dma_wait3A_193] : memref<1x1000000xf32, #tpu.memory_space<hbm>> -> memref<1x1000000xf32, #tpu.memory_space<hbm>>
    %dma_wait3A_195 = tpu.memref_squeeze %dma_wait3A_194 : memref<1x1000000xf32, #tpu.memory_space<hbm>> -> memref<1000000xf32, #tpu.memory_space<hbm>>
    %dma_wait3A_196 = arith.constant 0 : i32
    %dma_wait3A_197 = tpu.memref_slice %dma_wait3A_195[%dma_wait3A_196] : memref<1000000xf32, #tpu.memory_space<hbm>> -> memref<1000000xf32, #tpu.memory_space<hbm>>
    tpu.wait_indirect_dma semaphore(%arg20 : memref<!tpu.dma_semaphore, #tpu.memory_space<semaphore_mem>>) src(%dma_wait3A_197 : memref<1000000xf32, #tpu.memory_space<hbm>>) dst(%dma_wait3A_190 : memref<128xf32, #tpu.memory_space<vmem>>)
    %dma_wait3A_198 = arith.constant 0 : i32
    %dma_wait3A_199 = arith.constant 128 : i32
    %dma_wait3A_200 = tpu.memref_slice %arg15[%dma_wait3A_199] : memref<512xf32, #tpu.memory_space<vmem>> -> memref<128xf32, #tpu.memory_space<vmem>>
    %dma_wait3A_201 = arith.constant 128 : i32
    %dma_wait3A_202 = tpu.memref_slice %arg11[%dma_wait3A_201] : memref<512xi32, #tpu.memory_space<vmem>> -> memref<128xi32, #tpu.memory_space<vmem>>
    %dma_wait3A_203 = arith.constant 0 : i32
    %dma_wait3A_204 = tpu.memref_slice %arg8[%dma_wait3A_198, %dma_wait3A_203] : memref<1x1000000xf32, #tpu.memory_space<hbm>> -> memref<1x1000000xf32, #tpu.memory_space<hbm>>
    %dma_wait3A_205 = tpu.memref_squeeze %dma_wait3A_204 : memref<1x1000000xf32, #tpu.memory_space<hbm>> -> memref<1000000xf32, #tpu.memory_space<hbm>>
    %dma_wait3A_206 = arith.constant 0 : i32
    %dma_wait3A_207 = tpu.memref_slice %dma_wait3A_205[%dma_wait3A_206] : memref<1000000xf32, #tpu.memory_space<hbm>> -> memref<1000000xf32, #tpu.memory_space<hbm>>
    tpu.wait_indirect_dma semaphore(%arg20 : memref<!tpu.dma_semaphore, #tpu.memory_space<semaphore_mem>>) src(%dma_wait3A_207 : memref<1000000xf32, #tpu.memory_space<hbm>>) dst(%dma_wait3A_200 : memref<128xf32, #tpu.memory_space<vmem>>)
    %dma_wait3A_208 = arith.constant 0 : i32
    %dma_wait3A_209 = arith.constant 256 : i32
    %dma_wait3A_210 = tpu.memref_slice %arg14[%dma_wait3A_209] : memref<512xf32, #tpu.memory_space<vmem>> -> memref<128xf32, #tpu.memory_space<vmem>>
    %dma_wait3A_211 = arith.constant 256 : i32
    %dma_wait3A_212 = tpu.memref_slice %arg10[%dma_wait3A_211] : memref<512xi32, #tpu.memory_space<vmem>> -> memref<128xi32, #tpu.memory_space<vmem>>
    %dma_wait3A_213 = arith.constant 0 : i32
    %dma_wait3A_214 = tpu.memref_slice %arg8[%dma_wait3A_208, %dma_wait3A_213] : memref<1x1000000xf32, #tpu.memory_space<hbm>> -> memref<1x1000000xf32, #tpu.memory_space<hbm>>
    %dma_wait3A_215 = tpu.memref_squeeze %dma_wait3A_214 : memref<1x1000000xf32, #tpu.memory_space<hbm>> -> memref<1000000xf32, #tpu.memory_space<hbm>>
    %dma_wait3A_216 = arith.constant 0 : i32
    %dma_wait3A_217 = tpu.memref_slice %dma_wait3A_215[%dma_wait3A_216] : memref<1000000xf32, #tpu.memory_space<hbm>> -> memref<1000000xf32, #tpu.memory_space<hbm>>
    tpu.wait_indirect_dma semaphore(%arg20 : memref<!tpu.dma_semaphore, #tpu.memory_space<semaphore_mem>>) src(%dma_wait3A_217 : memref<1000000xf32, #tpu.memory_space<hbm>>) dst(%dma_wait3A_210 : memref<128xf32, #tpu.memory_space<vmem>>)
    %dma_wait3A_218 = arith.constant 0 : i32
    %dma_wait3A_219 = arith.constant 256 : i32
    %dma_wait3A_220 = tpu.memref_slice %arg15[%dma_wait3A_219] : memref<512xf32, #tpu.memory_space<vmem>> -> memref<128xf32, #tpu.memory_space<vmem>>
    %dma_wait3A_221 = arith.constant 256 : i32
    %dma_wait3A_222 = tpu.memref_slice %arg11[%dma_wait3A_221] : memref<512xi32, #tpu.memory_space<vmem>> -> memref<128xi32, #tpu.memory_space<vmem>>
    %dma_wait3A_223 = arith.constant 0 : i32
    %dma_wait3A_224 = tpu.memref_slice %arg8[%dma_wait3A_218, %dma_wait3A_223] : memref<1x1000000xf32, #tpu.memory_space<hbm>> -> memref<1x1000000xf32, #tpu.memory_space<hbm>>
    %dma_wait3A_225 = tpu.memref_squeeze %dma_wait3A_224 : memref<1x1000000xf32, #tpu.memory_space<hbm>> -> memref<1000000xf32, #tpu.memory_space<hbm>>
    %dma_wait3A_226 = arith.constant 0 : i32
    %dma_wait3A_227 = tpu.memref_slice %dma_wait3A_225[%dma_wait3A_226] : memref<1000000xf32, #tpu.memory_space<hbm>> -> memref<1000000xf32, #tpu.memory_space<hbm>>
    tpu.wait_indirect_dma semaphore(%arg20 : memref<!tpu.dma_semaphore, #tpu.memory_space<semaphore_mem>>) src(%dma_wait3A_227 : memref<1000000xf32, #tpu.memory_space<hbm>>) dst(%dma_wait3A_220 : memref<128xf32, #tpu.memory_space<vmem>>)
    %dma_wait3A_228 = arith.constant 0 : i32
    %dma_wait3A_229 = arith.constant 384 : i32
    %dma_wait3A_230 = tpu.memref_slice %arg14[%dma_wait3A_229] : memref<512xf32, #tpu.memory_space<vmem>> -> memref<128xf32, #tpu.memory_space<vmem>>
    %dma_wait3A_231 = arith.constant 384 : i32
    %dma_wait3A_232 = tpu.memref_slice %arg10[%dma_wait3A_231] : memref<512xi32, #tpu.memory_space<vmem>> -> memref<128xi32, #tpu.memory_space<vmem>>
    %dma_wait3A_233 = arith.constant 0 : i32
    %dma_wait3A_234 = tpu.memref_slice %arg8[%dma_wait3A_228, %dma_wait3A_233] : memref<1x1000000xf32, #tpu.memory_space<hbm>> -> memref<1x1000000xf32, #tpu.memory_space<hbm>>
    %dma_wait3A_235 = tpu.memref_squeeze %dma_wait3A_234 : memref<1x1000000xf32, #tpu.memory_space<hbm>> -> memref<1000000xf32, #tpu.memory_space<hbm>>
    %dma_wait3A_236 = arith.constant 0 : i32
    %dma_wait3A_237 = tpu.memref_slice %dma_wait3A_235[%dma_wait3A_236] : memref<1000000xf32, #tpu.memory_space<hbm>> -> memref<1000000xf32, #tpu.memory_space<hbm>>
    tpu.wait_indirect_dma semaphore(%arg20 : memref<!tpu.dma_semaphore, #tpu.memory_space<semaphore_mem>>) src(%dma_wait3A_237 : memref<1000000xf32, #tpu.memory_space<hbm>>) dst(%dma_wait3A_230 : memref<128xf32, #tpu.memory_space<vmem>>)
    %dma_wait3A_238 = arith.constant 0 : i32
    %dma_wait3A_239 = arith.constant 384 : i32
    %dma_wait3A_240 = tpu.memref_slice %arg15[%dma_wait3A_239] : memref<512xf32, #tpu.memory_space<vmem>> -> memref<128xf32, #tpu.memory_space<vmem>>
    %dma_wait3A_241 = arith.constant 384 : i32
    %dma_wait3A_242 = tpu.memref_slice %arg11[%dma_wait3A_241] : memref<512xi32, #tpu.memory_space<vmem>> -> memref<128xi32, #tpu.memory_space<vmem>>
    %dma_wait3A_243 = arith.constant 0 : i32
    %dma_wait3A_244 = tpu.memref_slice %arg8[%dma_wait3A_238, %dma_wait3A_243] : memref<1x1000000xf32, #tpu.memory_space<hbm>> -> memref<1x1000000xf32, #tpu.memory_space<hbm>>
    %dma_wait3A_245 = tpu.memref_squeeze %dma_wait3A_244 : memref<1x1000000xf32, #tpu.memory_space<hbm>> -> memref<1000000xf32, #tpu.memory_space<hbm>>
    %dma_wait3A_246 = arith.constant 0 : i32
    %dma_wait3A_247 = tpu.memref_slice %dma_wait3A_245[%dma_wait3A_246] : memref<1000000xf32, #tpu.memory_space<hbm>> -> memref<1000000xf32, #tpu.memory_space<hbm>>
    tpu.wait_indirect_dma semaphore(%arg20 : memref<!tpu.dma_semaphore, #tpu.memory_space<semaphore_mem>>) src(%dma_wait3A_247 : memref<1000000xf32, #tpu.memory_space<hbm>>) dst(%dma_wait3A_240 : memref<128xf32, #tpu.memory_space<vmem>>)
    %scan3A = arith.constant 0 : i32
    %scan3A_248 = arith.constant 16 : i32
    %scan3A_249 = arith.addi %scan3A, %scan3A_248 : i32
    %scan3A_250 = arith.constant 1 : i32
    %scan3A_251 = scf.for %scan3A_326 = %scan3A to %scan3A_249 step %scan3A_250 iter_args(%scan3A_327 = %broadcast_in_dim3A_104) -> (vector<16xf32>)  : i32 {
      %mul3A_328 = arith.constant 16 : i32
      %mul3A_329 = arith.muli %scan3A_326, %mul3A_328 : i32
      %multiple_of3A_330 = tpu.assume_multiple %mul3A_329, 16 : i32
      %add3A_331 = arith.constant 0 : i32
      %add3A_332 = arith.addi %multiple_of3A_330, %add3A_331 : i32
      %get3A = arith.index_cast %add3A_332 : i32 to index
      %get3A_333 = arith.constant 0 : index
      %get3A_334 = tpu.vector_load %arg16[%get3A, %get3A_333] {strides = array<i32>} : memref<256x64xf32, #tpu.memory_space<vmem>>, vector<1x16xf32>,
      %get3A_335 = vector.shape_cast %get3A_334 : vector<1x16xf32> to vector<16xf32>
      %get3A_336 = arith.index_cast %add3A_332 : i32 to index
      %get3A_337 = arith.constant 0 : index
      %get3A_338 = tpu.vector_load %arg17[%get3A_336, %get3A_337] {strides = array<i32>} : memref<256x64xf32, #tpu.memory_space<vmem>>, vector<1x16xf32>,
      %get3A_339 = vector.shape_cast %get3A_338 : vector<1x16xf32> to vector<16xf32>
      %mul3A_340 = arith.mulf %get3A_335, %get3A_339 : vector<16xf32>
      %get3A_341 = arith.index_cast %add3A_332 : i32 to index
      %get3A_342 = arith.constant 16 : index
      %get3A_343 = tpu.vector_load %arg16[%get3A_341, %get3A_342] {strides = array<i32>} : memref<256x64xf32, #tpu.memory_space<vmem>>, vector<1x16xf32>,
      %get3A_344 = vector.shape_cast %get3A_343 : vector<1x16xf32> to vector<16xf32>
      %get3A_345 = arith.index_cast %add3A_332 : i32 to index
      %get3A_346 = arith.constant 16 : index
      %get3A_347 = tpu.vector_load %arg17[%get3A_345, %get3A_346] {strides = array<i32>} : memref<256x64xf32, #tpu.memory_space<vmem>>, vector<1x16xf32>,
      %get3A_348 = vector.shape_cast %get3A_347 : vector<1x16xf32> to vector<16xf32>
      %mul3A_349 = arith.mulf %get3A_344, %get3A_348 : vector<16xf32>
      %add3A_350 = arith.addf %mul3A_340, %mul3A_349 : vector<16xf32>
      %get3A_351 = arith.index_cast %add3A_332 : i32 to index
      %get3A_352 = arith.constant 32 : index
      %get3A_353 = tpu.vector_load %arg16[%get3A_351, %get3A_352] {strides = array<i32>} : memref<256x64xf32, #tpu.memory_space<vmem>>, vector<1x16xf32>,
      %get3A_354 = vector.shape_cast %get3A_353 : vector<1x16xf32> to vector<16xf32>
      %get3A_355 = arith.index_cast %add3A_332 : i32 to index
      %get3A_356 = arith.constant 32 : index
      %get3A_357 = tpu.vector_load %arg17[%get3A_355, %get3A_356] {strides = array<i32>} : memref<256x64xf32, #tpu.memory_space<vmem>>, vector<1x16xf32>,
      %get3A_358 = vector.shape_cast %get3A_357 : vector<1x16xf32> to vector<16xf32>
      %mul3A_359 = arith.mulf %get3A_354, %get3A_358 : vector<16xf32>
      %add3A_360 = arith.addf %add3A_350, %mul3A_359 : vector<16xf32>
      %get3A_361 = arith.index_cast %add3A_332 : i32 to index
      %get3A_362 = arith.constant 48 : index
      %get3A_363 = tpu.vector_load %arg16[%get3A_361, %get3A_362] {strides = array<i32>} : memref<256x64xf32, #tpu.memory_space<vmem>>, vector<1x16xf32>,
      %get3A_364 = vector.shape_cast %get3A_363 : vector<1x16xf32> to vector<16xf32>
      %get3A_365 = arith.index_cast %add3A_332 : i32 to index
      %get3A_366 = arith.constant 48 : index
      %get3A_367 = tpu.vector_load %arg17[%get3A_365, %get3A_366] {strides = array<i32>} : memref<256x64xf32, #tpu.memory_space<vmem>>, vector<1x16xf32>,
      %get3A_368 = vector.shape_cast %get3A_367 : vector<1x16xf32> to vector<16xf32>
      %mul3A_369 = arith.mulf %get3A_364, %get3A_368 : vector<16xf32>
      %add3A_370 = arith.addf %add3A_360, %mul3A_369 : vector<16xf32>
      %swap3A_371 = arith.constant 8 : index
      %swap3A_372 = tpu.vector_load %arg18[%swap3A_371] {strides = array<i32>} : memref<1024xf32, #tpu.memory_space<vmem>>, vector<16xf32>,
      %swap3A_373 = vector.shape_cast %swap3A_372 : vector<16xf32> to vector<16xf32>
      %swap3A_374 = vector.shape_cast %add3A_370 : vector<16xf32> to vector<16xf32>
      tpu.vector_store %arg18[%swap3A_371], %swap3A_374 {strides = array<i32>} : memref<1024xf32, #tpu.memory_space<vmem>>, vector<16xf32>,
      %add3A_375 = arith.constant 8 : i32
      %add3A_376 = arith.addi %multiple_of3A_330, %add3A_375 : i32
      %get3A_377 = arith.index_cast %add3A_376 : i32 to index
      %get3A_378 = arith.constant 0 : index
      %get3A_379 = tpu.vector_load %arg16[%get3A_377, %get3A_378] {strides = array<i32>} : memref<256x64xf32, #tpu.memory_space<vmem>>, vector<1x16xf32>,
      %get3A_380 = vector.shape_cast %get3A_379 : vector<1x16xf32> to vector<16xf32>
      %get3A_381 = arith.index_cast %add3A_376 : i32 to index
      %get3A_382 = arith.constant 0 : index
      %get3A_383 = tpu.vector_load %arg17[%get3A_381, %get3A_382] {strides = array<i32>} : memref<256x64xf32, #tpu.memory_space<vmem>>, vector<1x16xf32>,
      %get3A_384 = vector.shape_cast %get3A_383 : vector<1x16xf32> to vector<16xf32>
      %mul3A_385 = arith.mulf %get3A_380, %get3A_384 : vector<16xf32>
      %get3A_386 = arith.index_cast %add3A_376 : i32 to index
      %get3A_387 = arith.constant 16 : index
      %get3A_388 = tpu.vector_load %arg16[%get3A_386, %get3A_387] {strides = array<i32>} : memref<256x64xf32, #tpu.memory_space<vmem>>, vector<1x16xf32>,
      %get3A_389 = vector.shape_cast %get3A_388 : vector<1x16xf32> to vector<16xf32>
      %get3A_390 = arith.index_cast %add3A_376 : i32 to index
      %get3A_391 = arith.constant 16 : index
      %get3A_392 = tpu.vector_load %arg17[%get3A_390, %get3A_391] {strides = array<i32>} : memref<256x64xf32, #tpu.memory_space<vmem>>, vector<1x16xf32>,
      %get3A_393 = vector.shape_cast %get3A_392 : vector<1x16xf32> to vector<16xf32>
      %mul3A_394 = arith.mulf %get3A_389, %get3A_393 : vector<16xf32>
      %add3A_395 = arith.addf %mul3A_385, %mul3A_394 : vector<16xf32>
      %get3A_396 = arith.index_cast %add3A_376 : i32 to index
      %get3A_397 = arith.constant 32 : index
      %get3A_398 = tpu.vector_load %arg16[%get3A_396, %get3A_397] {strides = array<i32>} : memref<256x64xf32, #tpu.memory_space<vmem>>, vector<1x16xf32>,
      %get3A_399 = vector.shape_cast %get3A_398 : vector<1x16xf32> to vector<16xf32>
      %get3A_400 = arith.index_cast %add3A_376 : i32 to index
      %get3A_401 = arith.constant 32 : index
      %get3A_402 = tpu.vector_load %arg17[%get3A_400, %get3A_401] {strides = array<i32>} : memref<256x64xf32, #tpu.memory_space<vmem>>, vector<1x16xf32>,
      %get3A_403 = vector.shape_cast %get3A_402 : vector<1x16xf32> to vector<16xf32>
      %mul3A_404 = arith.mulf %get3A_399, %get3A_403 : vector<16xf32>
      %add3A_405 = arith.addf %add3A_395, %mul3A_404 : vector<16xf32>
      %get3A_406 = arith.index_cast %add3A_376 : i32 to index
      %get3A_407 = arith.constant 48 : index
      %get3A_408 = tpu.vector_load %arg16[%get3A_406, %get3A_407] {strides = array<i32>} : memref<256x64xf32, #tpu.memory_space<vmem>>, vector<1x16xf32>,
      %get3A_409 = vector.shape_cast %get3A_408 : vector<1x16xf32> to vector<16xf32>
      %get3A_410 = arith.index_cast %add3A_376 : i32 to index
      %get3A_411 = arith.constant 48 : index
      %get3A_412 = tpu.vector_load %arg17[%get3A_410, %get3A_411] {strides = array<i32>} : memref<256x64xf32, #tpu.memory_space<vmem>>, vector<1x16xf32>,
      %get3A_413 = vector.shape_cast %get3A_412 : vector<1x16xf32> to vector<16xf32>
      %mul3A_414 = arith.mulf %get3A_409, %get3A_413 : vector<16xf32>
      %add3A_415 = arith.addf %add3A_405, %mul3A_414 : vector<16xf32>
      %swap3A_416 = arith.constant 40 : index
      %swap3A_417 = tpu.vector_load %arg18[%swap3A_416] {strides = array<i32>} : memref<1024xf32, #tpu.memory_space<vmem>>, vector<16xf32>,
      %swap3A_418 = vector.shape_cast %swap3A_417 : vector<16xf32> to vector<16xf32>
      %swap3A_419 = vector.shape_cast %add3A_415 : vector<16xf32> to vector<16xf32>
      tpu.vector_store %arg18[%swap3A_416], %swap3A_419 {strides = array<i32>} : memref<1024xf32, #tpu.memory_space<vmem>>, vector<16xf32>,
      %add3A_420 = arith.constant 4 : i32
      %add3A_421 = arith.addi %multiple_of3A_330, %add3A_420 : i32
      %get3A_422 = arith.index_cast %add3A_421 : i32 to index
      %get3A_423 = arith.constant 0 : index
      %get3A_424 = tpu.vector_load %arg16[%get3A_422, %get3A_423] {strides = array<i32>} : memref<256x64xf32, #tpu.memory_space<vmem>>, vector<1x16xf32>,
      %get3A_425 = vector.shape_cast %get3A_424 : vector<1x16xf32> to vector<16xf32>
      %get3A_426 = arith.index_cast %add3A_421 : i32 to index
      %get3A_427 = arith.constant 0 : index
      %get3A_428 = tpu.vector_load %arg17[%get3A_426, %get3A_427] {strides = array<i32>} : memref<256x64xf32, #tpu.memory_space<vmem>>, vector<1x16xf32>,
      %get3A_429 = vector.shape_cast %get3A_428 : vector<1x16xf32> to vector<16xf32>
      %mul3A_430 = arith.mulf %get3A_425, %get3A_429 : vector<16xf32>
      %get3A_431 = arith.index_cast %add3A_421 : i32 to index
      %get3A_432 = arith.constant 16 : index
      %get3A_433 = tpu.vector_load %arg16[%get3A_431, %get3A_432] {strides = array<i32>} : memref<256x64xf32, #tpu.memory_space<vmem>>, vector<1x16xf32>,
      %get3A_434 = vector.shape_cast %get3A_433 : vector<1x16xf32> to vector<16xf32>
      %get3A_435 = arith.index_cast %add3A_421 : i32 to index
      %get3A_436 = arith.constant 16 : index
      %get3A_437 = tpu.vector_load %arg17[%get3A_435, %get3A_436] {strides = array<i32>} : memref<256x64xf32, #tpu.memory_space<vmem>>, vector<1x16xf32>,
      %get3A_438 = vector.shape_cast %get3A_437 : vector<1x16xf32> to vector<16xf32>
      %mul3A_439 = arith.mulf %get3A_434, %get3A_438 : vector<16xf32>
      %add3A_440 = arith.addf %mul3A_430, %mul3A_439 : vector<16xf32>
      %get3A_441 = arith.index_cast %add3A_421 : i32 to index
      %get3A_442 = arith.constant 32 : index
      %get3A_443 = tpu.vector_load %arg16[%get3A_441, %get3A_442] {strides = array<i32>} : memref<256x64xf32, #tpu.memory_space<vmem>>, vector<1x16xf32>,
      %get3A_444 = vector.shape_cast %get3A_443 : vector<1x16xf32> to vector<16xf32>
      %get3A_445 = arith.index_cast %add3A_421 : i32 to index
      %get3A_446 = arith.constant 32 : index
      %get3A_447 = tpu.vector_load %arg17[%get3A_445, %get3A_446] {strides = array<i32>} : memref<256x64xf32, #tpu.memory_space<vmem>>, vector<1x16xf32>,
      %get3A_448 = vector.shape_cast %get3A_447 : vector<1x16xf32> to vector<16xf32>
      %mul3A_449 = arith.mulf %get3A_444, %get3A_448 : vector<16xf32>
      %add3A_450 = arith.addf %add3A_440, %mul3A_449 : vector<16xf32>
      %get3A_451 = arith.index_cast %add3A_421 : i32 to index
      %get3A_452 = arith.constant 48 : index
      %get3A_453 = tpu.vector_load %arg16[%get3A_451, %get3A_452] {strides = array<i32>} : memref<256x64xf32, #tpu.memory_space<vmem>>, vector<1x16xf32>,
      %get3A_454 = vector.shape_cast %get3A_453 : vector<1x16xf32> to vector<16xf32>
      %get3A_455 = arith.index_cast %add3A_421 : i32 to index
      %get3A_456 = arith.constant 48 : index
      %get3A_457 = tpu.vector_load %arg17[%get3A_455, %get3A_456] {strides = array<i32>} : memref<256x64xf32, #tpu.memory_space<vmem>>, vector<1x16xf32>,
      %get3A_458 = vector.shape_cast %get3A_457 : vector<1x16xf32> to vector<16xf32>
      %mul3A_459 = arith.mulf %get3A_454, %get3A_458 : vector<16xf32>
      %add3A_460 = arith.addf %add3A_450, %mul3A_459 : vector<16xf32>
      %swap3A_461 = arith.constant 72 : index
      %swap3A_462 = tpu.vector_load %arg18[%swap3A_461] {strides = array<i32>} : memref<1024xf32, #tpu.memory_space<vmem>>, vector<16xf32>,
      %swap3A_463 = vector.shape_cast %swap3A_462 : vector<16xf32> to vector<16xf32>
      %swap3A_464 = vector.shape_cast %add3A_460 : vector<16xf32> to vector<16xf32>
      tpu.vector_store %arg18[%swap3A_461], %swap3A_464 {strides = array<i32>} : memref<1024xf32, #tpu.memory_space<vmem>>, vector<16xf32>,
      %add3A_465 = arith.constant 12 : i32
      %add3A_466 = arith.addi %multiple_of3A_330, %add3A_465 : i32
      %get3A_467 = arith.index_cast %add3A_466 : i32 to index
      %get3A_468 = arith.constant 0 : index
      %get3A_469 = tpu.vector_load %arg16[%get3A_467, %get3A_468] {strides = array<i32>} : memref<256x64xf32, #tpu.memory_space<vmem>>, vector<1x16xf32>,
      %get3A_470 = vector.shape_cast %get3A_469 : vector<1x16xf32> to vector<16xf32>
      %get3A_471 = arith.index_cast %add3A_466 : i32 to index
      %get3A_472 = arith.constant 0 : index
      %get3A_473 = tpu.vector_load %arg17[%get3A_471, %get3A_472] {strides = array<i32>} : memref<256x64xf32, #tpu.memory_space<vmem>>, vector<1x16xf32>,
      %get3A_474 = vector.shape_cast %get3A_473 : vector<1x16xf32> to vector<16xf32>
      %mul3A_475 = arith.mulf %get3A_470, %get3A_474 : vector<16xf32>
      %get3A_476 = arith.index_cast %add3A_466 : i32 to index
      %get3A_477 = arith.constant 16 : index
      %get3A_478 = tpu.vector_load %arg16[%get3A_476, %get3A_477] {strides = array<i32>} : memref<256x64xf32, #tpu.memory_space<vmem>>, vector<1x16xf32>,
      %get3A_479 = vector.shape_cast %get3A_478 : vector<1x16xf32> to vector<16xf32>
      %get3A_480 = arith.index_cast %add3A_466 : i32 to index
      %get3A_481 = arith.constant 16 : index
      %get3A_482 = tpu.vector_load %arg17[%get3A_480, %get3A_481] {strides = array<i32>} : memref<256x64xf32, #tpu.memory_space<vmem>>, vector<1x16xf32>,
      %get3A_483 = vector.shape_cast %get3A_482 : vector<1x16xf32> to vector<16xf32>
      %mul3A_484 = arith.mulf %get3A_479, %get3A_483 : vector<16xf32>
      %add3A_485 = arith.addf %mul3A_475, %mul3A_484 : vector<16xf32>
      %get3A_486 = arith.index_cast %add3A_466 : i32 to index
      %get3A_487 = arith.constant 32 : index
      %get3A_488 = tpu.vector_load %arg16[%get3A_486, %get3A_487] {strides = array<i32>} : memref<256x64xf32, #tpu.memory_space<vmem>>, vector<1x16xf32>,
      %get3A_489 = vector.shape_cast %get3A_488 : vector<1x16xf32> to vector<16xf32>
      %get3A_490 = arith.index_cast %add3A_466 : i32 to index
      %get3A_491 = arith.constant 32 : index
      %get3A_492 = tpu.vector_load %arg17[%get3A_490, %get3A_491] {strides = array<i32>} : memref<256x64xf32, #tpu.memory_space<vmem>>, vector<1x16xf32>,
      %get3A_493 = vector.shape_cast %get3A_492 : vector<1x16xf32> to vector<16xf32>
      %mul3A_494 = arith.mulf %get3A_489, %get3A_493 : vector<16xf32>
      %add3A_495 = arith.addf %add3A_485, %mul3A_494 : vector<16xf32>
      %get3A_496 = arith.index_cast %add3A_466 : i32 to index
      %get3A_497 = arith.constant 48 : index
      %get3A_498 = tpu.vector_load %arg16[%get3A_496, %get3A_497] {strides = array<i32>} : memref<256x64xf32, #tpu.memory_space<vmem>>, vector<1x16xf32>,
      %get3A_499 = vector.shape_cast %get3A_498 : vector<1x16xf32> to vector<16xf32>
      %get3A_500 = arith.index_cast %add3A_466 : i32 to index
      %get3A_501 = arith.constant 48 : index
      %get3A_502 = tpu.vector_load %arg17[%get3A_500, %get3A_501] {strides = array<i32>} : memref<256x64xf32, #tpu.memory_space<vmem>>, vector<1x16xf32>,
      %get3A_503 = vector.shape_cast %get3A_502 : vector<1x16xf32> to vector<16xf32>
      %mul3A_504 = arith.mulf %get3A_499, %get3A_503 : vector<16xf32>
      %add3A_505 = arith.addf %add3A_495, %mul3A_504 : vector<16xf32>
      %swap3A_506 = arith.constant 104 : index
      %swap3A_507 = tpu.vector_load %arg18[%swap3A_506] {strides = array<i32>} : memref<1024xf32, #tpu.memory_space<vmem>>, vector<16xf32>,
      %swap3A_508 = vector.shape_cast %swap3A_507 : vector<16xf32> to vector<16xf32>
      %swap3A_509 = vector.shape_cast %add3A_505 : vector<16xf32> to vector<16xf32>
      tpu.vector_store %arg18[%swap3A_506], %swap3A_509 {strides = array<i32>} : memref<1024xf32, #tpu.memory_space<vmem>>, vector<16xf32>,
      %add3A_510 = arith.constant 2 : i32
      %add3A_511 = arith.addi %multiple_of3A_330, %add3A_510 : i32
      %get3A_512 = arith.index_cast %add3A_511 : i32 to index
      %get3A_513 = arith.constant 0 : index
      %get3A_514 = tpu.vector_load %arg16[%get3A_512, %get3A_513] {strides = array<i32>} : memref<256x64xf32, #tpu.memory_space<vmem>>, vector<1x16xf32>,
      %get3A_515 = vector.shape_cast %get3A_514 : vector<1x16xf32> to vector<16xf32>
      %get3A_516 = arith.index_cast %add3A_511 : i32 to index
      %get3A_517 = arith.constant 0 : index
      %get3A_518 = tpu.vector_load %arg17[%get3A_516, %get3A_517] {strides = array<i32>} : memref<256x64xf32, #tpu.memory_space<vmem>>, vector<1x16xf32>,
      %get3A_519 = vector.shape_cast %get3A_518 : vector<1x16xf32> to vector<16xf32>
      %mul3A_520 = arith.mulf %get3A_515, %get3A_519 : vector<16xf32>
      %get3A_521 = arith.index_cast %add3A_511 : i32 to index
      %get3A_522 = arith.constant 16 : index
      %get3A_523 = tpu.vector_load %arg16[%get3A_521, %get3A_522] {strides = array<i32>} : memref<256x64xf32, #tpu.memory_space<vmem>>, vector<1x16xf32>,
      %get3A_524 = vector.shape_cast %get3A_523 : vector<1x16xf32> to vector<16xf32>
      %get3A_525 = arith.index_cast %add3A_511 : i32 to index
      %get3A_526 = arith.constant 16 : index
      %get3A_527 = tpu.vector_load %arg17[%get3A_525, %get3A_526] {strides = array<i32>} : memref<256x64xf32, #tpu.memory_space<vmem>>, vector<1x16xf32>,
      %get3A_528 = vector.shape_cast %get3A_527 : vector<1x16xf32> to vector<16xf32>
      %mul3A_529 = arith.mulf %get3A_524, %get3A_528 : vector<16xf32>
      %add3A_530 = arith.addf %mul3A_520, %mul3A_529 : vector<16xf32>
      %get3A_531 = arith.index_cast %add3A_511 : i32 to index
      %get3A_532 = arith.constant 32 : index
      %get3A_533 = tpu.vector_load %arg16[%get3A_531, %get3A_532] {strides = array<i32>} : memref<256x64xf32, #tpu.memory_space<vmem>>, vector<1x16xf32>,
      %get3A_534 = vector.shape_cast %get3A_533 : vector<1x16xf32> to vector<16xf32>
      %get3A_535 = arith.index_cast %add3A_511 : i32 to index
      %get3A_536 = arith.constant 32 : index
      %get3A_537 = tpu.vector_load %arg17[%get3A_535, %get3A_536] {strides = array<i32>} : memref<256x64xf32, #tpu.memory_space<vmem>>, vector<1x16xf32>,
      %get3A_538 = vector.shape_cast %get3A_537 : vector<1x16xf32> to vector<16xf32>
      %mul3A_539 = arith.mulf %get3A_534, %get3A_538 : vector<16xf32>
      %add3A_540 = arith.addf %add3A_530, %mul3A_539 : vector<16xf32>
      %get3A_541 = arith.index_cast %add3A_511 : i32 to index
      %get3A_542 = arith.constant 48 : index
      %get3A_543 = tpu.vector_load %arg16[%get3A_541, %get3A_542] {strides = array<i32>} : memref<256x64xf32, #tpu.memory_space<vmem>>, vector<1x16xf32>,
      %get3A_544 = vector.shape_cast %get3A_543 : vector<1x16xf32> to vector<16xf32>
      %get3A_545 = arith.index_cast %add3A_511 : i32 to index
      %get3A_546 = arith.constant 48 : index
      %get3A_547 = tpu.vector_load %arg17[%get3A_545, %get3A_546] {strides = array<i32>} : memref<256x64xf32, #tpu.memory_space<vmem>>, vector<1x16xf32>,
      %get3A_548 = vector.shape_cast %get3A_547 : vector<1x16xf32> to vector<16xf32>
      %mul3A_549 = arith.mulf %get3A_544, %get3A_548 : vector<16xf32>
      %add3A_550 = arith.addf %add3A_540, %mul3A_549 : vector<16xf32>
      %swap3A_551 = arith.constant 136 : index
      %swap3A_552 = tpu.vector_load %arg18[%swap3A_551] {strides = array<i32>} : memref<1024xf32, #tpu.memory_space<vmem>>, vector<16xf32>,
      %swap3A_553 = vector.shape_cast %swap3A_552 : vector<16xf32> to vector<16xf32>
      %swap3A_554 = vector.shape_cast %add3A_550 : vector<16xf32> to vector<16xf32>
      tpu.vector_store %arg18[%swap3A_551], %swap3A_554 {strides = array<i32>} : memref<1024xf32, #tpu.memory_space<vmem>>, vector<16xf32>,
      %add3A_555 = arith.constant 10 : i32
      %add3A_556 = arith.addi %multiple_of3A_330, %add3A_555 : i32
      %get3A_557 = arith.index_cast %add3A_556 : i32 to index
      %get3A_558 = arith.constant 0 : index
      %get3A_559 = tpu.vector_load %arg16[%get3A_557, %get3A_558] {strides = array<i32>} : memref<256x64xf32, #tpu.memory_space<vmem>>, vector<1x16xf32>,
      %get3A_560 = vector.shape_cast %get3A_559 : vector<1x16xf32> to vector<16xf32>
      %get3A_561 = arith.index_cast %add3A_556 : i32 to index
      %get3A_562 = arith.constant 0 : index
      %get3A_563 = tpu.vector_load %arg17[%get3A_561, %get3A_562] {strides = array<i32>} : memref<256x64xf32, #tpu.memory_space<vmem>>, vector<1x16xf32>,
      %get3A_564 = vector.shape_cast %get3A_563 : vector<1x16xf32> to vector<16xf32>
      %mul3A_565 = arith.mulf %get3A_560, %get3A_564 : vector<16xf32>
      %get3A_566 = arith.index_cast %add3A_556 : i32 to index
      %get3A_567 = arith.constant 16 : index
      %get3A_568 = tpu.vector_load %arg16[%get3A_566, %get3A_567] {strides = array<i32>} : memref<256x64xf32, #tpu.memory_space<vmem>>, vector<1x16xf32>,
      %get3A_569 = vector.shape_cast %get3A_568 : vector<1x16xf32> to vector<16xf32>
      %get3A_570 = arith.index_cast %add3A_556 : i32 to index
      %get3A_571 = arith.constant 16 : index
      %get3A_572 = tpu.vector_load %arg17[%get3A_570, %get3A_571] {strides = array<i32>} : memref<256x64xf32, #tpu.memory_space<vmem>>, vector<1x16xf32>,
      %get3A_573 = vector.shape_cast %get3A_572 : vector<1x16xf32> to vector<16xf32>
      %mul3A_574 = arith.mulf %get3A_569, %get3A_573 : vector<16xf32>
      %add3A_575 = arith.addf %mul3A_565, %mul3A_574 : vector<16xf32>
      %get3A_576 = arith.index_cast %add3A_556 : i32 to index
      %get3A_577 = arith.constant 32 : index
      %get3A_578 = tpu.vector_load %arg16[%get3A_576, %get3A_577] {strides = array<i32>} : memref<256x64xf32, #tpu.memory_space<vmem>>, vector<1x16xf32>,
      %get3A_579 = vector.shape_cast %get3A_578 : vector<1x16xf32> to vector<16xf32>
      %get3A_580 = arith.index_cast %add3A_556 : i32 to index
      %get3A_581 = arith.constant 32 : index
      %get3A_582 = tpu.vector_load %arg17[%get3A_580, %get3A_581] {strides = array<i32>} : memref<256x64xf32, #tpu.memory_space<vmem>>, vector<1x16xf32>,
      %get3A_583 = vector.shape_cast %get3A_582 : vector<1x16xf32> to vector<16xf32>
      %mul3A_584 = arith.mulf %get3A_579, %get3A_583 : vector<16xf32>
      %add3A_585 = arith.addf %add3A_575, %mul3A_584 : vector<16xf32>
      %get3A_586 = arith.index_cast %add3A_556 : i32 to index
      %get3A_587 = arith.constant 48 : index
      %get3A_588 = tpu.vector_load %arg16[%get3A_586, %get3A_587] {strides = array<i32>} : memref<256x64xf32, #tpu.memory_space<vmem>>, vector<1x16xf32>,
      %get3A_589 = vector.shape_cast %get3A_588 : vector<1x16xf32> to vector<16xf32>
      %get3A_590 = arith.index_cast %add3A_556 : i32 to index
      %get3A_591 = arith.constant 48 : index
      %get3A_592 = tpu.vector_load %arg17[%get3A_590, %get3A_591] {strides = array<i32>} : memref<256x64xf32, #tpu.memory_space<vmem>>, vector<1x16xf32>,
      %get3A_593 = vector.shape_cast %get3A_592 : vector<1x16xf32> to vector<16xf32>
      %mul3A_594 = arith.mulf %get3A_589, %get3A_593 : vector<16xf32>
      %add3A_595 = arith.addf %add3A_585, %mul3A_594 : vector<16xf32>
      %swap3A_596 = arith.constant 168 : index
      %swap3A_597 = tpu.vector_load %arg18[%swap3A_596] {strides = array<i32>} : memref<1024xf32, #tpu.memory_space<vmem>>, vector<16xf32>,
      %swap3A_598 = vector.shape_cast %swap3A_597 : vector<16xf32> to vector<16xf32>
      %swap3A_599 = vector.shape_cast %add3A_595 : vector<16xf32> to vector<16xf32>
      tpu.vector_store %arg18[%swap3A_596], %swap3A_599 {strides = array<i32>} : memref<1024xf32, #tpu.memory_space<vmem>>, vector<16xf32>,
      %add3A_600 = arith.constant 6 : i32
      %add3A_601 = arith.addi %multiple_of3A_330, %add3A_600 : i32
      %get3A_602 = arith.index_cast %add3A_601 : i32 to index
      %get3A_603 = arith.constant 0 : index
      %get3A_604 = tpu.vector_load %arg16[%get3A_602, %get3A_603] {strides = array<i32>} : memref<256x64xf32, #tpu.memory_space<vmem>>, vector<1x16xf32>,
      %get3A_605 = vector.shape_cast %get3A_604 : vector<1x16xf32> to vector<16xf32>
      %get3A_606 = arith.index_cast %add3A_601 : i32 to index
      %get3A_607 = arith.constant 0 : index
      %get3A_608 = tpu.vector_load %arg17[%get3A_606, %get3A_607] {strides = array<i32>} : memref<256x64xf32, #tpu.memory_space<vmem>>, vector<1x16xf32>,
      %get3A_609 = vector.shape_cast %get3A_608 : vector<1x16xf32> to vector<16xf32>
      %mul3A_610 = arith.mulf %get3A_605, %get3A_609 : vector<16xf32>
      %get3A_611 = arith.index_cast %add3A_601 : i32 to index
      %get3A_612 = arith.constant 16 : index
      %get3A_613 = tpu.vector_load %arg16[%get3A_611, %get3A_612] {strides = array<i32>} : memref<256x64xf32, #tpu.memory_space<vmem>>, vector<1x16xf32>,
      %get3A_614 = vector.shape_cast %get3A_613 : vector<1x16xf32> to vector<16xf32>
      %get3A_615 = arith.index_cast %add3A_601 : i32 to index
      %get3A_616 = arith.constant 16 : index
      %get3A_617 = tpu.vector_load %arg17[%get3A_615, %get3A_616] {strides = array<i32>} : memref<256x64xf32, #tpu.memory_space<vmem>>, vector<1x16xf32>,
      %get3A_618 = vector.shape_cast %get3A_617 : vector<1x16xf32> to vector<16xf32>
      %mul3A_619 = arith.mulf %get3A_614, %get3A_618 : vector<16xf32>
      %add3A_620 = arith.addf %mul3A_610, %mul3A_619 : vector<16xf32>
      %get3A_621 = arith.index_cast %add3A_601 : i32 to index
      %get3A_622 = arith.constant 32 : index
      %get3A_623 = tpu.vector_load %arg16[%get3A_621, %get3A_622] {strides = array<i32>} : memref<256x64xf32, #tpu.memory_space<vmem>>, vector<1x16xf32>,
      %get3A_624 = vector.shape_cast %get3A_623 : vector<1x16xf32> to vector<16xf32>
      %get3A_625 = arith.index_cast %add3A_601 : i32 to index
      %get3A_626 = arith.constant 32 : index
      %get3A_627 = tpu.vector_load %arg17[%get3A_625, %get3A_626] {strides = array<i32>} : memref<256x64xf32, #tpu.memory_space<vmem>>, vector<1x16xf32>,
      %get3A_628 = vector.shape_cast %get3A_627 : vector<1x16xf32> to vector<16xf32>
      %mul3A_629 = arith.mulf %get3A_624, %get3A_628 : vector<16xf32>
      %add3A_630 = arith.addf %add3A_620, %mul3A_629 : vector<16xf32>
      %get3A_631 = arith.index_cast %add3A_601 : i32 to index
      %get3A_632 = arith.constant 48 : index
      %get3A_633 = tpu.vector_load %arg16[%get3A_631, %get3A_632] {strides = array<i32>} : memref<256x64xf32, #tpu.memory_space<vmem>>, vector<1x16xf32>,
      %get3A_634 = vector.shape_cast %get3A_633 : vector<1x16xf32> to vector<16xf32>
      %get3A_635 = arith.index_cast %add3A_601 : i32 to index
      %get3A_636 = arith.constant 48 : index
      %get3A_637 = tpu.vector_load %arg17[%get3A_635, %get3A_636] {strides = array<i32>} : memref<256x64xf32, #tpu.memory_space<vmem>>, vector<1x16xf32>,
      %get3A_638 = vector.shape_cast %get3A_637 : vector<1x16xf32> to vector<16xf32>
      %mul3A_639 = arith.mulf %get3A_634, %get3A_638 : vector<16xf32>
      %add3A_640 = arith.addf %add3A_630, %mul3A_639 : vector<16xf32>
      %swap3A_641 = arith.constant 200 : index
      %swap3A_642 = tpu.vector_load %arg18[%swap3A_641] {strides = array<i32>} : memref<1024xf32, #tpu.memory_space<vmem>>, vector<16xf32>,
      %swap3A_643 = vector.shape_cast %swap3A_642 : vector<16xf32> to vector<16xf32>
      %swap3A_644 = vector.shape_cast %add3A_640 : vector<16xf32> to vector<16xf32>
      tpu.vector_store %arg18[%swap3A_641], %swap3A_644 {strides = array<i32>} : memref<1024xf32, #tpu.memory_space<vmem>>, vector<16xf32>,
      %add3A_645 = arith.constant 14 : i32
      %add3A_646 = arith.addi %multiple_of3A_330, %add3A_645 : i32
      %get3A_647 = arith.index_cast %add3A_646 : i32 to index
      %get3A_648 = arith.constant 0 : index
      %get3A_649 = tpu.vector_load %arg16[%get3A_647, %get3A_648] {strides = array<i32>} : memref<256x64xf32, #tpu.memory_space<vmem>>, vector<1x16xf32>,
      %get3A_650 = vector.shape_cast %get3A_649 : vector<1x16xf32> to vector<16xf32>
      %get3A_651 = arith.index_cast %add3A_646 : i32 to index
      %get3A_652 = arith.constant 0 : index
      %get3A_653 = tpu.vector_load %arg17[%get3A_651, %get3A_652] {strides = array<i32>} : memref<256x64xf32, #tpu.memory_space<vmem>>, vector<1x16xf32>,
      %get3A_654 = vector.shape_cast %get3A_653 : vector<1x16xf32> to vector<16xf32>
      %mul3A_655 = arith.mulf %get3A_650, %get3A_654 : vector<16xf32>
      %get3A_656 = arith.index_cast %add3A_646 : i32 to index
      %get3A_657 = arith.constant 16 : index
      %get3A_658 = tpu.vector_load %arg16[%get3A_656, %get3A_657] {strides = array<i32>} : memref<256x64xf32, #tpu.memory_space<vmem>>, vector<1x16xf32>,
      %get3A_659 = vector.shape_cast %get3A_658 : vector<1x16xf32> to vector<16xf32>
      %get3A_660 = arith.index_cast %add3A_646 : i32 to index
      %get3A_661 = arith.constant 16 : index
      %get3A_662 = tpu.vector_load %arg17[%get3A_660, %get3A_661] {strides = array<i32>} : memref<256x64xf32, #tpu.memory_space<vmem>>, vector<1x16xf32>,
      %get3A_663 = vector.shape_cast %get3A_662 : vector<1x16xf32> to vector<16xf32>
      %mul3A_664 = arith.mulf %get3A_659, %get3A_663 : vector<16xf32>
      %add3A_665 = arith.addf %mul3A_655, %mul3A_664 : vector<16xf32>
      %get3A_666 = arith.index_cast %add3A_646 : i32 to index
      %get3A_667 = arith.constant 32 : index
      %get3A_668 = tpu.vector_load %arg16[%get3A_666, %get3A_667] {strides = array<i32>} : memref<256x64xf32, #tpu.memory_space<vmem>>, vector<1x16xf32>,
      %get3A_669 = vector.shape_cast %get3A_668 : vector<1x16xf32> to vector<16xf32>
      %get3A_670 = arith.index_cast %add3A_646 : i32 to index
      %get3A_671 = arith.constant 32 : index
      %get3A_672 = tpu.vector_load %arg17[%get3A_670, %get3A_671] {strides = array<i32>} : memref<256x64xf32, #tpu.memory_space<vmem>>, vector<1x16xf32>,
      %get3A_673 = vector.shape_cast %get3A_672 : vector<1x16xf32> to vector<16xf32>
      %mul3A_674 = arith.mulf %get3A_669, %get3A_673 : vector<16xf32>
      %add3A_675 = arith.addf %add3A_665, %mul3A_674 : vector<16xf32>
      %get3A_676 = arith.index_cast %add3A_646 : i32 to index
      %get3A_677 = arith.constant 48 : index
      %get3A_678 = tpu.vector_load %arg16[%get3A_676, %get3A_677] {strides = array<i32>} : memref<256x64xf32, #tpu.memory_space<vmem>>, vector<1x16xf32>,
      %get3A_679 = vector.shape_cast %get3A_678 : vector<1x16xf32> to vector<16xf32>
      %get3A_680 = arith.index_cast %add3A_646 : i32 to index
      %get3A_681 = arith.constant 48 : index
      %get3A_682 = tpu.vector_load %arg17[%get3A_680, %get3A_681] {strides = array<i32>} : memref<256x64xf32, #tpu.memory_space<vmem>>, vector<1x16xf32>,
      %get3A_683 = vector.shape_cast %get3A_682 : vector<1x16xf32> to vector<16xf32>
      %mul3A_684 = arith.mulf %get3A_679, %get3A_683 : vector<16xf32>
      %add3A_685 = arith.addf %add3A_675, %mul3A_684 : vector<16xf32>
      %swap3A_686 = arith.constant 232 : index
      %swap3A_687 = tpu.vector_load %arg18[%swap3A_686] {strides = array<i32>} : memref<1024xf32, #tpu.memory_space<vmem>>, vector<16xf32>,
      %swap3A_688 = vector.shape_cast %swap3A_687 : vector<16xf32> to vector<16xf32>
      %swap3A_689 = vector.shape_cast %add3A_685 : vector<16xf32> to vector<16xf32>
      tpu.vector_store %arg18[%swap3A_686], %swap3A_689 {strides = array<i32>} : memref<1024xf32, #tpu.memory_space<vmem>>, vector<16xf32>,
      %add3A_690 = arith.constant 1 : i32
      %add3A_691 = arith.addi %multiple_of3A_330, %add3A_690 : i32
      %get3A_692 = arith.index_cast %add3A_691 : i32 to index
      %get3A_693 = arith.constant 0 : index
      %get3A_694 = tpu.vector_load %arg16[%get3A_692, %get3A_693] {strides = array<i32>} : memref<256x64xf32, #tpu.memory_space<vmem>>, vector<1x16xf32>,
      %get3A_695 = vector.shape_cast %get3A_694 : vector<1x16xf32> to vector<16xf32>
      %get3A_696 = arith.index_cast %add3A_691 : i32 to index
      %get3A_697 = arith.constant 0 : index
      %get3A_698 = tpu.vector_load %arg17[%get3A_696, %get3A_697] {strides = array<i32>} : memref<256x64xf32, #tpu.memory_space<vmem>>, vector<1x16xf32>,
      %get3A_699 = vector.shape_cast %get3A_698 : vector<1x16xf32> to vector<16xf32>
      %mul3A_700 = arith.mulf %get3A_695, %get3A_699 : vector<16xf32>
      %get3A_701 = arith.index_cast %add3A_691 : i32 to index
      %get3A_702 = arith.constant 16 : index
      %get3A_703 = tpu.vector_load %arg16[%get3A_701, %get3A_702] {strides = array<i32>} : memref<256x64xf32, #tpu.memory_space<vmem>>, vector<1x16xf32>,
      %get3A_704 = vector.shape_cast %get3A_703 : vector<1x16xf32> to vector<16xf32>
      %get3A_705 = arith.index_cast %add3A_691 : i32 to index
      %get3A_706 = arith.constant 16 : index
      %get3A_707 = tpu.vector_load %arg17[%get3A_705, %get3A_706] {strides = array<i32>} : memref<256x64xf32, #tpu.memory_space<vmem>>, vector<1x16xf32>,
      %get3A_708 = vector.shape_cast %get3A_707 : vector<1x16xf32> to vector<16xf32>
      %mul3A_709 = arith.mulf %get3A_704, %get3A_708 : vector<16xf32>
      %add3A_710 = arith.addf %mul3A_700, %mul3A_709 : vector<16xf32>
      %get3A_711 = arith.index_cast %add3A_691 : i32 to index
      %get3A_712 = arith.constant 32 : index
      %get3A_713 = tpu.vector_load %arg16[%get3A_711, %get3A_712] {strides = array<i32>} : memref<256x64xf32, #tpu.memory_space<vmem>>, vector<1x16xf32>,
      %get3A_714 = vector.shape_cast %get3A_713 : vector<1x16xf32> to vector<16xf32>
      %get3A_715 = arith.index_cast %add3A_691 : i32 to index
      %get3A_716 = arith.constant 32 : index
      %get3A_717 = tpu.vector_load %arg17[%get3A_715, %get3A_716] {strides = array<i32>} : memref<256x64xf32, #tpu.memory_space<vmem>>, vector<1x16xf32>,
      %get3A_718 = vector.shape_cast %get3A_717 : vector<1x16xf32> to vector<16xf32>
      %mul3A_719 = arith.mulf %get3A_714, %get3A_718 : vector<16xf32>
      %add3A_720 = arith.addf %add3A_710, %mul3A_719 : vector<16xf32>
      %get3A_721 = arith.index_cast %add3A_691 : i32 to index
      %get3A_722 = arith.constant 48 : index
      %get3A_723 = tpu.vector_load %arg16[%get3A_721, %get3A_722] {strides = array<i32>} : memref<256x64xf32, #tpu.memory_space<vmem>>, vector<1x16xf32>,
      %get3A_724 = vector.shape_cast %get3A_723 : vector<1x16xf32> to vector<16xf32>
      %get3A_725 = arith.index_cast %add3A_691 : i32 to index
      %get3A_726 = arith.constant 48 : index
      %get3A_727 = tpu.vector_load %arg17[%get3A_725, %get3A_726] {strides = array<i32>} : memref<256x64xf32, #tpu.memory_space<vmem>>, vector<1x16xf32>,
      %get3A_728 = vector.shape_cast %get3A_727 : vector<1x16xf32> to vector<16xf32>
      %mul3A_729 = arith.mulf %get3A_724, %get3A_728 : vector<16xf32>
      %add3A_730 = arith.addf %add3A_720, %mul3A_729 : vector<16xf32>
      %swap3A_731 = arith.constant 264 : index
      %swap3A_732 = tpu.vector_load %arg18[%swap3A_731] {strides = array<i32>} : memref<1024xf32, #tpu.memory_space<vmem>>, vector<16xf32>,
      %swap3A_733 = vector.shape_cast %swap3A_732 : vector<16xf32> to vector<16xf32>
      %swap3A_734 = vector.shape_cast %add3A_730 : vector<16xf32> to vector<16xf32>
      tpu.vector_store %arg18[%swap3A_731], %swap3A_734 {strides = array<i32>} : memref<1024xf32, #tpu.memory_space<vmem>>, vector<16xf32>,
      %add3A_735 = arith.constant 9 : i32
      %add3A_736 = arith.addi %multiple_of3A_330, %add3A_735 : i32
      %get3A_737 = arith.index_cast %add3A_736 : i32 to index
      %get3A_738 = arith.constant 0 : index
      %get3A_739 = tpu.vector_load %arg16[%get3A_737, %get3A_738] {strides = array<i32>} : memref<256x64xf32, #tpu.memory_space<vmem>>, vector<1x16xf32>,
      %get3A_740 = vector.shape_cast %get3A_739 : vector<1x16xf32> to vector<16xf32>
      %get3A_741 = arith.index_cast %add3A_736 : i32 to index
      %get3A_742 = arith.constant 0 : index
      %get3A_743 = tpu.vector_load %arg17[%get3A_741, %get3A_742] {strides = array<i32>} : memref<256x64xf32, #tpu.memory_space<vmem>>, vector<1x16xf32>,
      %get3A_744 = vector.shape_cast %get3A_743 : vector<1x16xf32> to vector<16xf32>
      %mul3A_745 = arith.mulf %get3A_740, %get3A_744 : vector<16xf32>
      %get3A_746 = arith.index_cast %add3A_736 : i32 to index
      %get3A_747 = arith.constant 16 : index
      %get3A_748 = tpu.vector_load %arg16[%get3A_746, %get3A_747] {strides = array<i32>} : memref<256x64xf32, #tpu.memory_space<vmem>>, vector<1x16xf32>,
      %get3A_749 = vector.shape_cast %get3A_748 : vector<1x16xf32> to vector<16xf32>
      %get3A_750 = arith.index_cast %add3A_736 : i32 to index
      %get3A_751 = arith.constant 16 : index
      %get3A_752 = tpu.vector_load %arg17[%get3A_750, %get3A_751] {strides = array<i32>} : memref<256x64xf32, #tpu.memory_space<vmem>>, vector<1x16xf32>,
      %get3A_753 = vector.shape_cast %get3A_752 : vector<1x16xf32> to vector<16xf32>
      %mul3A_754 = arith.mulf %get3A_749, %get3A_753 : vector<16xf32>
      %add3A_755 = arith.addf %mul3A_745, %mul3A_754 : vector<16xf32>
      %get3A_756 = arith.index_cast %add3A_736 : i32 to index
      %get3A_757 = arith.constant 32 : index
      %get3A_758 = tpu.vector_load %arg16[%get3A_756, %get3A_757] {strides = array<i32>} : memref<256x64xf32, #tpu.memory_space<vmem>>, vector<1x16xf32>,
      %get3A_759 = vector.shape_cast %get3A_758 : vector<1x16xf32> to vector<16xf32>
      %get3A_760 = arith.index_cast %add3A_736 : i32 to index
      %get3A_761 = arith.constant 32 : index
      %get3A_762 = tpu.vector_load %arg17[%get3A_760, %get3A_761] {strides = array<i32>} : memref<256x64xf32, #tpu.memory_space<vmem>>, vector<1x16xf32>,
      %get3A_763 = vector.shape_cast %get3A_762 : vector<1x16xf32> to vector<16xf32>
      %mul3A_764 = arith.mulf %get3A_759, %get3A_763 : vector<16xf32>
      %add3A_765 = arith.addf %add3A_755, %mul3A_764 : vector<16xf32>
      %get3A_766 = arith.index_cast %add3A_736 : i32 to index
      %get3A_767 = arith.constant 48 : index
      %get3A_768 = tpu.vector_load %arg16[%get3A_766, %get3A_767] {strides = array<i32>} : memref<256x64xf32, #tpu.memory_space<vmem>>, vector<1x16xf32>,
      %get3A_769 = vector.shape_cast %get3A_768 : vector<1x16xf32> to vector<16xf32>
      %get3A_770 = arith.index_cast %add3A_736 : i32 to index
      %get3A_771 = arith.constant 48 : index
      %get3A_772 = tpu.vector_load %arg17[%get3A_770, %get3A_771] {strides = array<i32>} : memref<256x64xf32, #tpu.memory_space<vmem>>, vector<1x16xf32>,
      %get3A_773 = vector.shape_cast %get3A_772 : vector<1x16xf32> to vector<16xf32>
      %mul3A_774 = arith.mulf %get3A_769, %get3A_773 : vector<16xf32>
      %add3A_775 = arith.addf %add3A_765, %mul3A_774 : vector<16xf32>
      %swap3A_776 = arith.constant 296 : index
      %swap3A_777 = tpu.vector_load %arg18[%swap3A_776] {strides = array<i32>} : memref<1024xf32, #tpu.memory_space<vmem>>, vector<16xf32>,
      %swap3A_778 = vector.shape_cast %swap3A_777 : vector<16xf32> to vector<16xf32>
      %swap3A_779 = vector.shape_cast %add3A_775 : vector<16xf32> to vector<16xf32>
      tpu.vector_store %arg18[%swap3A_776], %swap3A_779 {strides = array<i32>} : memref<1024xf32, #tpu.memory_space<vmem>>, vector<16xf32>,
      %add3A_780 = arith.constant 5 : i32
      %add3A_781 = arith.addi %multiple_of3A_330, %add3A_780 : i32
      %get3A_782 = arith.index_cast %add3A_781 : i32 to index
      %get3A_783 = arith.constant 0 : index
      %get3A_784 = tpu.vector_load %arg16[%get3A_782, %get3A_783] {strides = array<i32>} : memref<256x64xf32, #tpu.memory_space<vmem>>, vector<1x16xf32>,
      %get3A_785 = vector.shape_cast %get3A_784 : vector<1x16xf32> to vector<16xf32>
      %get3A_786 = arith.index_cast %add3A_781 : i32 to index
      %get3A_787 = arith.constant 0 : index
      %get3A_788 = tpu.vector_load %arg17[%get3A_786, %get3A_787] {strides = array<i32>} : memref<256x64xf32, #tpu.memory_space<vmem>>, vector<1x16xf32>,
      %get3A_789 = vector.shape_cast %get3A_788 : vector<1x16xf32> to vector<16xf32>
      %mul3A_790 = arith.mulf %get3A_785, %get3A_789 : vector<16xf32>
      %get3A_791 = arith.index_cast %add3A_781 : i32 to index
      %get3A_792 = arith.constant 16 : index
      %get3A_793 = tpu.vector_load %arg16[%get3A_791, %get3A_792] {strides = array<i32>} : memref<256x64xf32, #tpu.memory_space<vmem>>, vector<1x16xf32>,
      %get3A_794 = vector.shape_cast %get3A_793 : vector<1x16xf32> to vector<16xf32>
      %get3A_795 = arith.index_cast %add3A_781 : i32 to index
      %get3A_796 = arith.constant 16 : index
      %get3A_797 = tpu.vector_load %arg17[%get3A_795, %get3A_796] {strides = array<i32>} : memref<256x64xf32, #tpu.memory_space<vmem>>, vector<1x16xf32>,
      %get3A_798 = vector.shape_cast %get3A_797 : vector<1x16xf32> to vector<16xf32>
      %mul3A_799 = arith.mulf %get3A_794, %get3A_798 : vector<16xf32>
      %add3A_800 = arith.addf %mul3A_790, %mul3A_799 : vector<16xf32>
      %get3A_801 = arith.index_cast %add3A_781 : i32 to index
      %get3A_802 = arith.constant 32 : index
      %get3A_803 = tpu.vector_load %arg16[%get3A_801, %get3A_802] {strides = array<i32>} : memref<256x64xf32, #tpu.memory_space<vmem>>, vector<1x16xf32>,
      %get3A_804 = vector.shape_cast %get3A_803 : vector<1x16xf32> to vector<16xf32>
      %get3A_805 = arith.index_cast %add3A_781 : i32 to index
      %get3A_806 = arith.constant 32 : index
      %get3A_807 = tpu.vector_load %arg17[%get3A_805, %get3A_806] {strides = array<i32>} : memref<256x64xf32, #tpu.memory_space<vmem>>, vector<1x16xf32>,
      %get3A_808 = vector.shape_cast %get3A_807 : vector<1x16xf32> to vector<16xf32>
      %mul3A_809 = arith.mulf %get3A_804, %get3A_808 : vector<16xf32>
      %add3A_810 = arith.addf %add3A_800, %mul3A_809 : vector<16xf32>
      %get3A_811 = arith.index_cast %add3A_781 : i32 to index
      %get3A_812 = arith.constant 48 : index
      %get3A_813 = tpu.vector_load %arg16[%get3A_811, %get3A_812] {strides = array<i32>} : memref<256x64xf32, #tpu.memory_space<vmem>>, vector<1x16xf32>,
      %get3A_814 = vector.shape_cast %get3A_813 : vector<1x16xf32> to vector<16xf32>
      %get3A_815 = arith.index_cast %add3A_781 : i32 to index
      %get3A_816 = arith.constant 48 : index
      %get3A_817 = tpu.vector_load %arg17[%get3A_815, %get3A_816] {strides = array<i32>} : memref<256x64xf32, #tpu.memory_space<vmem>>, vector<1x16xf32>,
      %get3A_818 = vector.shape_cast %get3A_817 : vector<1x16xf32> to vector<16xf32>
      %mul3A_819 = arith.mulf %get3A_814, %get3A_818 : vector<16xf32>
      %add3A_820 = arith.addf %add3A_810, %mul3A_819 : vector<16xf32>
      %swap3A_821 = arith.constant 328 : index
      %swap3A_822 = tpu.vector_load %arg18[%swap3A_821] {strides = array<i32>} : memref<1024xf32, #tpu.memory_space<vmem>>, vector<16xf32>,
      %swap3A_823 = vector.shape_cast %swap3A_822 : vector<16xf32> to vector<16xf32>
      %swap3A_824 = vector.shape_cast %add3A_820 : vector<16xf32> to vector<16xf32>
      tpu.vector_store %arg18[%swap3A_821], %swap3A_824 {strides = array<i32>} : memref<1024xf32, #tpu.memory_space<vmem>>, vector<16xf32>,
      %add3A_825 = arith.constant 13 : i32
      %add3A_826 = arith.addi %multiple_of3A_330, %add3A_825 : i32
      %get3A_827 = arith.index_cast %add3A_826 : i32 to index
      %get3A_828 = arith.constant 0 : index
      %get3A_829 = tpu.vector_load %arg16[%get3A_827, %get3A_828] {strides = array<i32>} : memref<256x64xf32, #tpu.memory_space<vmem>>, vector<1x16xf32>,
      %get3A_830 = vector.shape_cast %get3A_829 : vector<1x16xf32> to vector<16xf32>
      %get3A_831 = arith.index_cast %add3A_826 : i32 to index
      %get3A_832 = arith.constant 0 : index
      %get3A_833 = tpu.vector_load %arg17[%get3A_831, %get3A_832] {strides = array<i32>} : memref<256x64xf32, #tpu.memory_space<vmem>>, vector<1x16xf32>,
      %get3A_834 = vector.shape_cast %get3A_833 : vector<1x16xf32> to vector<16xf32>
      %mul3A_835 = arith.mulf %get3A_830, %get3A_834 : vector<16xf32>
      %get3A_836 = arith.index_cast %add3A_826 : i32 to index
      %get3A_837 = arith.constant 16 : index
      %get3A_838 = tpu.vector_load %arg16[%get3A_836, %get3A_837] {strides = array<i32>} : memref<256x64xf32, #tpu.memory_space<vmem>>, vector<1x16xf32>,
      %get3A_839 = vector.shape_cast %get3A_838 : vector<1x16xf32> to vector<16xf32>
      %get3A_840 = arith.index_cast %add3A_826 : i32 to index
      %get3A_841 = arith.constant 16 : index
      %get3A_842 = tpu.vector_load %arg17[%get3A_840, %get3A_841] {strides = array<i32>} : memref<256x64xf32, #tpu.memory_space<vmem>>, vector<1x16xf32>,
      %get3A_843 = vector.shape_cast %get3A_842 : vector<1x16xf32> to vector<16xf32>
      %mul3A_844 = arith.mulf %get3A_839, %get3A_843 : vector<16xf32>
      %add3A_845 = arith.addf %mul3A_835, %mul3A_844 : vector<16xf32>
      %get3A_846 = arith.index_cast %add3A_826 : i32 to index
      %get3A_847 = arith.constant 32 : index
      %get3A_848 = tpu.vector_load %arg16[%get3A_846, %get3A_847] {strides = array<i32>} : memref<256x64xf32, #tpu.memory_space<vmem>>, vector<1x16xf32>,
      %get3A_849 = vector.shape_cast %get3A_848 : vector<1x16xf32> to vector<16xf32>
      %get3A_850 = arith.index_cast %add3A_826 : i32 to index
      %get3A_851 = arith.constant 32 : index
      %get3A_852 = tpu.vector_load %arg17[%get3A_850, %get3A_851] {strides = array<i32>} : memref<256x64xf32, #tpu.memory_space<vmem>>, vector<1x16xf32>,
      %get3A_853 = vector.shape_cast %get3A_852 : vector<1x16xf32> to vector<16xf32>
      %mul3A_854 = arith.mulf %get3A_849, %get3A_853 : vector<16xf32>
      %add3A_855 = arith.addf %add3A_845, %mul3A_854 : vector<16xf32>
      %get3A_856 = arith.index_cast %add3A_826 : i32 to index
      %get3A_857 = arith.constant 48 : index
      %get3A_858 = tpu.vector_load %arg16[%get3A_856, %get3A_857] {strides = array<i32>} : memref<256x64xf32, #tpu.memory_space<vmem>>, vector<1x16xf32>,
      %get3A_859 = vector.shape_cast %get3A_858 : vector<1x16xf32> to vector<16xf32>
      %get3A_860 = arith.index_cast %add3A_826 : i32 to index
      %get3A_861 = arith.constant 48 : index
      %get3A_862 = tpu.vector_load %arg17[%get3A_860, %get3A_861] {strides = array<i32>} : memref<256x64xf32, #tpu.memory_space<vmem>>, vector<1x16xf32>,
      %get3A_863 = vector.shape_cast %get3A_862 : vector<1x16xf32> to vector<16xf32>
      %mul3A_864 = arith.mulf %get3A_859, %get3A_863 : vector<16xf32>
      %add3A_865 = arith.addf %add3A_855, %mul3A_864 : vector<16xf32>
      %swap3A_866 = arith.constant 360 : index
      %swap3A_867 = tpu.vector_load %arg18[%swap3A_866] {strides = array<i32>} : memref<1024xf32, #tpu.memory_space<vmem>>, vector<16xf32>,
      %swap3A_868 = vector.shape_cast %swap3A_867 : vector<16xf32> to vector<16xf32>
      %swap3A_869 = vector.shape_cast %add3A_865 : vector<16xf32> to vector<16xf32>
      tpu.vector_store %arg18[%swap3A_866], %swap3A_869 {strides = array<i32>} : memref<1024xf32, #tpu.memory_space<vmem>>, vector<16xf32>,
      %add3A_870 = arith.constant 3 : i32
      %add3A_871 = arith.addi %multiple_of3A_330, %add3A_870 : i32
      %get3A_872 = arith.index_cast %add3A_871 : i32 to index
      %get3A_873 = arith.constant 0 : index
      %get3A_874 = tpu.vector_load %arg16[%get3A_872, %get3A_873] {strides = array<i32>} : memref<256x64xf32, #tpu.memory_space<vmem>>, vector<1x16xf32>,
      %get3A_875 = vector.shape_cast %get3A_874 : vector<1x16xf32> to vector<16xf32>
      %get3A_876 = arith.index_cast %add3A_871 : i32 to index
      %get3A_877 = arith.constant 0 : index
      %get3A_878 = tpu.vector_load %arg17[%get3A_876, %get3A_877] {strides = array<i32>} : memref<256x64xf32, #tpu.memory_space<vmem>>, vector<1x16xf32>,
      %get3A_879 = vector.shape_cast %get3A_878 : vector<1x16xf32> to vector<16xf32>
      %mul3A_880 = arith.mulf %get3A_875, %get3A_879 : vector<16xf32>
      %get3A_881 = arith.index_cast %add3A_871 : i32 to index
      %get3A_882 = arith.constant 16 : index
      %get3A_883 = tpu.vector_load %arg16[%get3A_881, %get3A_882] {strides = array<i32>} : memref<256x64xf32, #tpu.memory_space<vmem>>, vector<1x16xf32>,
      %get3A_884 = vector.shape_cast %get3A_883 : vector<1x16xf32> to vector<16xf32>
      %get3A_885 = arith.index_cast %add3A_871 : i32 to index
      %get3A_886 = arith.constant 16 : index
      %get3A_887 = tpu.vector_load %arg17[%get3A_885, %get3A_886] {strides = array<i32>} : memref<256x64xf32, #tpu.memory_space<vmem>>, vector<1x16xf32>,
      %get3A_888 = vector.shape_cast %get3A_887 : vector<1x16xf32> to vector<16xf32>
      %mul3A_889 = arith.mulf %get3A_884, %get3A_888 : vector<16xf32>
      %add3A_890 = arith.addf %mul3A_880, %mul3A_889 : vector<16xf32>
      %get3A_891 = arith.index_cast %add3A_871 : i32 to index
      %get3A_892 = arith.constant 32 : index
      %get3A_893 = tpu.vector_load %arg16[%get3A_891, %get3A_892] {strides = array<i32>} : memref<256x64xf32, #tpu.memory_space<vmem>>, vector<1x16xf32>,
      %get3A_894 = vector.shape_cast %get3A_893 : vector<1x16xf32> to vector<16xf32>
      %get3A_895 = arith.index_cast %add3A_871 : i32 to index
      %get3A_896 = arith.constant 32 : index
      %get3A_897 = tpu.vector_load %arg17[%get3A_895, %get3A_896] {strides = array<i32>} : memref<256x64xf32, #tpu.memory_space<vmem>>, vector<1x16xf32>,
      %get3A_898 = vector.shape_cast %get3A_897 : vector<1x16xf32> to vector<16xf32>
      %mul3A_899 = arith.mulf %get3A_894, %get3A_898 : vector<16xf32>
      %add3A_900 = arith.addf %add3A_890, %mul3A_899 : vector<16xf32>
      %get3A_901 = arith.index_cast %add3A_871 : i32 to index
      %get3A_902 = arith.constant 48 : index
      %get3A_903 = tpu.vector_load %arg16[%get3A_901, %get3A_902] {strides = array<i32>} : memref<256x64xf32, #tpu.memory_space<vmem>>, vector<1x16xf32>,
      %get3A_904 = vector.shape_cast %get3A_903 : vector<1x16xf32> to vector<16xf32>
      %get3A_905 = arith.index_cast %add3A_871 : i32 to index
      %get3A_906 = arith.constant 48 : index
      %get3A_907 = tpu.vector_load %arg17[%get3A_905, %get3A_906] {strides = array<i32>} : memref<256x64xf32, #tpu.memory_space<vmem>>, vector<1x16xf32>,
      %get3A_908 = vector.shape_cast %get3A_907 : vector<1x16xf32> to vector<16xf32>
      %mul3A_909 = arith.mulf %get3A_904, %get3A_908 : vector<16xf32>
      %add3A_910 = arith.addf %add3A_900, %mul3A_909 : vector<16xf32>
      %swap3A_911 = arith.constant 392 : index
      %swap3A_912 = tpu.vector_load %arg18[%swap3A_911] {strides = array<i32>} : memref<1024xf32, #tpu.memory_space<vmem>>, vector<16xf32>,
      %swap3A_913 = vector.shape_cast %swap3A_912 : vector<16xf32> to vector<16xf32>
      %swap3A_914 = vector.shape_cast %add3A_910 : vector<16xf32> to vector<16xf32>
      tpu.vector_store %arg18[%swap3A_911], %swap3A_914 {strides = array<i32>} : memref<1024xf32, #tpu.memory_space<vmem>>, vector<16xf32>,
      %add3A_915 = arith.constant 11 : i32
      %add3A_916 = arith.addi %multiple_of3A_330, %add3A_915 : i32
      %get3A_917 = arith.index_cast %add3A_916 : i32 to index
      %get3A_918 = arith.constant 0 : index
      %get3A_919 = tpu.vector_load %arg16[%get3A_917, %get3A_918] {strides = array<i32>} : memref<256x64xf32, #tpu.memory_space<vmem>>, vector<1x16xf32>,
      %get3A_920 = vector.shape_cast %get3A_919 : vector<1x16xf32> to vector<16xf32>
      %get3A_921 = arith.index_cast %add3A_916 : i32 to index
      %get3A_922 = arith.constant 0 : index
      %get3A_923 = tpu.vector_load %arg17[%get3A_921, %get3A_922] {strides = array<i32>} : memref<256x64xf32, #tpu.memory_space<vmem>>, vector<1x16xf32>,
      %get3A_924 = vector.shape_cast %get3A_923 : vector<1x16xf32> to vector<16xf32>
      %mul3A_925 = arith.mulf %get3A_920, %get3A_924 : vector<16xf32>
      %get3A_926 = arith.index_cast %add3A_916 : i32 to index
      %get3A_927 = arith.constant 16 : index
      %get3A_928 = tpu.vector_load %arg16[%get3A_926, %get3A_927] {strides = array<i32>} : memref<256x64xf32, #tpu.memory_space<vmem>>, vector<1x16xf32>,
      %get3A_929 = vector.shape_cast %get3A_928 : vector<1x16xf32> to vector<16xf32>
      %get3A_930 = arith.index_cast %add3A_916 : i32 to index
      %get3A_931 = arith.constant 16 : index
      %get3A_932 = tpu.vector_load %arg17[%get3A_930, %get3A_931] {strides = array<i32>} : memref<256x64xf32, #tpu.memory_space<vmem>>, vector<1x16xf32>,
      %get3A_933 = vector.shape_cast %get3A_932 : vector<1x16xf32> to vector<16xf32>
      %mul3A_934 = arith.mulf %get3A_929, %get3A_933 : vector<16xf32>
      %add3A_935 = arith.addf %mul3A_925, %mul3A_934 : vector<16xf32>
      %get3A_936 = arith.index_cast %add3A_916 : i32 to index
      %get3A_937 = arith.constant 32 : index
      %get3A_938 = tpu.vector_load %arg16[%get3A_936, %get3A_937] {strides = array<i32>} : memref<256x64xf32, #tpu.memory_space<vmem>>, vector<1x16xf32>,
      %get3A_939 = vector.shape_cast %get3A_938 : vector<1x16xf32> to vector<16xf32>
      %get3A_940 = arith.index_cast %add3A_916 : i32 to index
      %get3A_941 = arith.constant 32 : index
      %get3A_942 = tpu.vector_load %arg17[%get3A_940, %get3A_941] {strides = array<i32>} : memref<256x64xf32, #tpu.memory_space<vmem>>, vector<1x16xf32>,
      %get3A_943 = vector.shape_cast %get3A_942 : vector<1x16xf32> to vector<16xf32>
      %mul3A_944 = arith.mulf %get3A_939, %get3A_943 : vector<16xf32>
      %add3A_945 = arith.addf %add3A_935, %mul3A_944 : vector<16xf32>
      %get3A_946 = arith.index_cast %add3A_916 : i32 to index
      %get3A_947 = arith.constant 48 : index
      %get3A_948 = tpu.vector_load %arg16[%get3A_946, %get3A_947] {strides = array<i32>} : memref<256x64xf32, #tpu.memory_space<vmem>>, vector<1x16xf32>,
      %get3A_949 = vector.shape_cast %get3A_948 : vector<1x16xf32> to vector<16xf32>
      %get3A_950 = arith.index_cast %add3A_916 : i32 to index
      %get3A_951 = arith.constant 48 : index
      %get3A_952 = tpu.vector_load %arg17[%get3A_950, %get3A_951] {strides = array<i32>} : memref<256x64xf32, #tpu.memory_space<vmem>>, vector<1x16xf32>,
      %get3A_953 = vector.shape_cast %get3A_952 : vector<1x16xf32> to vector<16xf32>
      %mul3A_954 = arith.mulf %get3A_949, %get3A_953 : vector<16xf32>
      %add3A_955 = arith.addf %add3A_945, %mul3A_954 : vector<16xf32>
      %swap3A_956 = arith.constant 424 : index
      %swap3A_957 = tpu.vector_load %arg18[%swap3A_956] {strides = array<i32>} : memref<1024xf32, #tpu.memory_space<vmem>>, vector<16xf32>,
      %swap3A_958 = vector.shape_cast %swap3A_957 : vector<16xf32> to vector<16xf32>
      %swap3A_959 = vector.shape_cast %add3A_955 : vector<16xf32> to vector<16xf32>
      tpu.vector_store %arg18[%swap3A_956], %swap3A_959 {strides = array<i32>} : memref<1024xf32, #tpu.memory_space<vmem>>, vector<16xf32>,
      %add3A_960 = arith.constant 7 : i32
      %add3A_961 = arith.addi %multiple_of3A_330, %add3A_960 : i32
      %get3A_962 = arith.index_cast %add3A_961 : i32 to index
      %get3A_963 = arith.constant 0 : index
      %get3A_964 = tpu.vector_load %arg16[%get3A_962, %get3A_963] {strides = array<i32>} : memref<256x64xf32, #tpu.memory_space<vmem>>, vector<1x16xf32>,
      %get3A_965 = vector.shape_cast %get3A_964 : vector<1x16xf32> to vector<16xf32>
      %get3A_966 = arith.index_cast %add3A_961 : i32 to index
      %get3A_967 = arith.constant 0 : index
      %get3A_968 = tpu.vector_load %arg17[%get3A_966, %get3A_967] {strides = array<i32>} : memref<256x64xf32, #tpu.memory_space<vmem>>, vector<1x16xf32>,
      %get3A_969 = vector.shape_cast %get3A_968 : vector<1x16xf32> to vector<16xf32>
      %mul3A_970 = arith.mulf %get3A_965, %get3A_969 : vector<16xf32>
      %get3A_971 = arith.index_cast %add3A_961 : i32 to index
      %get3A_972 = arith.constant 16 : index
      %get3A_973 = tpu.vector_load %arg16[%get3A_971, %get3A_972] {strides = array<i32>} : memref<256x64xf32, #tpu.memory_space<vmem>>, vector<1x16xf32>,
      %get3A_974 = vector.shape_cast %get3A_973 : vector<1x16xf32> to vector<16xf32>
      %get3A_975 = arith.index_cast %add3A_961 : i32 to index
      %get3A_976 = arith.constant 16 : index
      %get3A_977 = tpu.vector_load %arg17[%get3A_975, %get3A_976] {strides = array<i32>} : memref<256x64xf32, #tpu.memory_space<vmem>>, vector<1x16xf32>,
      %get3A_978 = vector.shape_cast %get3A_977 : vector<1x16xf32> to vector<16xf32>
      %mul3A_979 = arith.mulf %get3A_974, %get3A_978 : vector<16xf32>
      %add3A_980 = arith.addf %mul3A_970, %mul3A_979 : vector<16xf32>
      %get3A_981 = arith.index_cast %add3A_961 : i32 to index
      %get3A_982 = arith.constant 32 : index
      %get3A_983 = tpu.vector_load %arg16[%get3A_981, %get3A_982] {strides = array<i32>} : memref<256x64xf32, #tpu.memory_space<vmem>>, vector<1x16xf32>,
      %get3A_984 = vector.shape_cast %get3A_983 : vector<1x16xf32> to vector<16xf32>
      %get3A_985 = arith.index_cast %add3A_961 : i32 to index
      %get3A_986 = arith.constant 32 : index
      %get3A_987 = tpu.vector_load %arg17[%get3A_985, %get3A_986] {strides = array<i32>} : memref<256x64xf32, #tpu.memory_space<vmem>>, vector<1x16xf32>,
      %get3A_988 = vector.shape_cast %get3A_987 : vector<1x16xf32> to vector<16xf32>
      %mul3A_989 = arith.mulf %get3A_984, %get3A_988 : vector<16xf32>
      %add3A_990 = arith.addf %add3A_980, %mul3A_989 : vector<16xf32>
      %get3A_991 = arith.index_cast %add3A_961 : i32 to index
      %get3A_992 = arith.constant 48 : index
      %get3A_993 = tpu.vector_load %arg16[%get3A_991, %get3A_992] {strides = array<i32>} : memref<256x64xf32, #tpu.memory_space<vmem>>, vector<1x16xf32>,
      %get3A_994 = vector.shape_cast %get3A_993 : vector<1x16xf32> to vector<16xf32>
      %get3A_995 = arith.index_cast %add3A_961 : i32 to index
      %get3A_996 = arith.constant 48 : index
      %get3A_997 = tpu.vector_load %arg17[%get3A_995, %get3A_996] {strides = array<i32>} : memref<256x64xf32, #tpu.memory_space<vmem>>, vector<1x16xf32>,
      %get3A_998 = vector.shape_cast %get3A_997 : vector<1x16xf32> to vector<16xf32>
      %mul3A_999 = arith.mulf %get3A_994, %get3A_998 : vector<16xf32>
      %add3A_1000 = arith.addf %add3A_990, %mul3A_999 : vector<16xf32>
      %swap3A_1001 = arith.constant 456 : index
      %swap3A_1002 = tpu.vector_load %arg18[%swap3A_1001] {strides = array<i32>} : memref<1024xf32, #tpu.memory_space<vmem>>, vector<16xf32>,
      %swap3A_1003 = vector.shape_cast %swap3A_1002 : vector<16xf32> to vector<16xf32>
      %swap3A_1004 = vector.shape_cast %add3A_1000 : vector<16xf32> to vector<16xf32>
      tpu.vector_store %arg18[%swap3A_1001], %swap3A_1004 {strides = array<i32>} : memref<1024xf32, #tpu.memory_space<vmem>>, vector<16xf32>,
      %add3A_1005 = arith.constant 15 : i32
      %add3A_1006 = arith.addi %multiple_of3A_330, %add3A_1005 : i32
      %get3A_1007 = arith.index_cast %add3A_1006 : i32 to index
      %get3A_1008 = arith.constant 0 : index
      %get3A_1009 = tpu.vector_load %arg16[%get3A_1007, %get3A_1008] {strides = array<i32>} : memref<256x64xf32, #tpu.memory_space<vmem>>, vector<1x16xf32>,
      %get3A_1010 = vector.shape_cast %get3A_1009 : vector<1x16xf32> to vector<16xf32>
      %get3A_1011 = arith.index_cast %add3A_1006 : i32 to index
      %get3A_1012 = arith.constant 0 : index
      %get3A_1013 = tpu.vector_load %arg17[%get3A_1011, %get3A_1012] {strides = array<i32>} : memref<256x64xf32, #tpu.memory_space<vmem>>, vector<1x16xf32>,
      %get3A_1014 = vector.shape_cast %get3A_1013 : vector<1x16xf32> to vector<16xf32>
      %mul3A_1015 = arith.mulf %get3A_1010, %get3A_1014 : vector<16xf32>
      %get3A_1016 = arith.index_cast %add3A_1006 : i32 to index
      %get3A_1017 = arith.constant 16 : index
      %get3A_1018 = tpu.vector_load %arg16[%get3A_1016, %get3A_1017] {strides = array<i32>} : memref<256x64xf32, #tpu.memory_space<vmem>>, vector<1x16xf32>,
      %get3A_1019 = vector.shape_cast %get3A_1018 : vector<1x16xf32> to vector<16xf32>
      %get3A_1020 = arith.index_cast %add3A_1006 : i32 to index
      %get3A_1021 = arith.constant 16 : index
      %get3A_1022 = tpu.vector_load %arg17[%get3A_1020, %get3A_1021] {strides = array<i32>} : memref<256x64xf32, #tpu.memory_space<vmem>>, vector<1x16xf32>,
      %get3A_1023 = vector.shape_cast %get3A_1022 : vector<1x16xf32> to vector<16xf32>
      %mul3A_1024 = arith.mulf %get3A_1019, %get3A_1023 : vector<16xf32>
      %add3A_1025 = arith.addf %mul3A_1015, %mul3A_1024 : vector<16xf32>
      %get3A_1026 = arith.index_cast %add3A_1006 : i32 to index
      %get3A_1027 = arith.constant 32 : index
      %get3A_1028 = tpu.vector_load %arg16[%get3A_1026, %get3A_1027] {strides = array<i32>} : memref<256x64xf32, #tpu.memory_space<vmem>>, vector<1x16xf32>,
      %get3A_1029 = vector.shape_cast %get3A_1028 : vector<1x16xf32> to vector<16xf32>
      %get3A_1030 = arith.index_cast %add3A_1006 : i32 to index
      %get3A_1031 = arith.constant 32 : index
      %get3A_1032 = tpu.vector_load %arg17[%get3A_1030, %get3A_1031] {strides = array<i32>} : memref<256x64xf32, #tpu.memory_space<vmem>>, vector<1x16xf32>,
      %get3A_1033 = vector.shape_cast %get3A_1032 : vector<1x16xf32> to vector<16xf32>
      %mul3A_1034 = arith.mulf %get3A_1029, %get3A_1033 : vector<16xf32>
      %add3A_1035 = arith.addf %add3A_1025, %mul3A_1034 : vector<16xf32>
      %get3A_1036 = arith.index_cast %add3A_1006 : i32 to index
      %get3A_1037 = arith.constant 48 : index
      %get3A_1038 = tpu.vector_load %arg16[%get3A_1036, %get3A_1037] {strides = array<i32>} : memref<256x64xf32, #tpu.memory_space<vmem>>, vector<1x16xf32>,
      %get3A_1039 = vector.shape_cast %get3A_1038 : vector<1x16xf32> to vector<16xf32>
      %get3A_1040 = arith.index_cast %add3A_1006 : i32 to index
      %get3A_1041 = arith.constant 48 : index
      %get3A_1042 = tpu.vector_load %arg17[%get3A_1040, %get3A_1041] {strides = array<i32>} : memref<256x64xf32, #tpu.memory_space<vmem>>, vector<1x16xf32>,
      %get3A_1043 = vector.shape_cast %get3A_1042 : vector<1x16xf32> to vector<16xf32>
      %mul3A_1044 = arith.mulf %get3A_1039, %get3A_1043 : vector<16xf32>
      %add3A_1045 = arith.addf %add3A_1035, %mul3A_1044 : vector<16xf32>
      %swap3A_1046 = arith.constant 488 : index
      %swap3A_1047 = tpu.vector_load %arg18[%swap3A_1046] {strides = array<i32>} : memref<1024xf32, #tpu.memory_space<vmem>>, vector<16xf32>,
      %swap3A_1048 = vector.shape_cast %swap3A_1047 : vector<16xf32> to vector<16xf32>
      %swap3A_1049 = vector.shape_cast %add3A_1045 : vector<16xf32> to vector<16xf32>
      tpu.vector_store %arg18[%swap3A_1046], %swap3A_1049 {strides = array<i32>} : memref<1024xf32, #tpu.memory_space<vmem>>, vector<16xf32>,
      %get3A_1050 = arith.constant 16 : index
      %get3A_1051 = tpu.vector_load %arg18[%get3A_1050] {strides = array<i32>} : memref<1024xf32, #tpu.memory_space<vmem>>, vector<16xf32>,
      %get3A_1052 = vector.shape_cast %get3A_1051 : vector<16xf32> to vector<16xf32>
      %get3A_1053 = arith.constant 32 : index
      %get3A_1054 = tpu.vector_load %arg18[%get3A_1053] {strides = array<i32>} : memref<1024xf32, #tpu.memory_space<vmem>>, vector<16xf32>,
      %get3A_1055 = vector.shape_cast %get3A_1054 : vector<16xf32> to vector<16xf32>
      %add3A_1056 = arith.addf %add3A_370, %get3A_1052 : vector<16xf32>
      %add3A_1057 = arith.addf %add3A_415, %get3A_1055 : vector<16xf32>
      %select_n3A = arith.select %eq3A_85, %add3A_1056, %add3A_1057 : vector<16xi1>, vector<16xf32>
      %swap3A_1058 = arith.constant 520 : index
      %swap3A_1059 = tpu.vector_load %arg18[%swap3A_1058] {strides = array<i32>} : memref<1024xf32, #tpu.memory_space<vmem>>, vector<16xf32>,
      %swap3A_1060 = vector.shape_cast %swap3A_1059 : vector<16xf32> to vector<16xf32>
      %swap3A_1061 = vector.shape_cast %select_n3A : vector<16xf32> to vector<16xf32>
      tpu.vector_store %arg18[%swap3A_1058], %swap3A_1061 {strides = array<i32>} : memref<1024xf32, #tpu.memory_space<vmem>>, vector<16xf32>,
      %get3A_1062 = arith.constant 80 : index
      %get3A_1063 = tpu.vector_load %arg18[%get3A_1062] {strides = array<i32>} : memref<1024xf32, #tpu.memory_space<vmem>>, vector<16xf32>,
      %get3A_1064 = vector.shape_cast %get3A_1063 : vector<16xf32> to vector<16xf32>
      %get3A_1065 = arith.constant 96 : index
      %get3A_1066 = tpu.vector_load %arg18[%get3A_1065] {strides = array<i32>} : memref<1024xf32, #tpu.memory_space<vmem>>, vector<16xf32>,
      %get3A_1067 = vector.shape_cast %get3A_1066 : vector<16xf32> to vector<16xf32>
      %add3A_1068 = arith.addf %add3A_460, %get3A_1064 : vector<16xf32>
      %add3A_1069 = arith.addf %add3A_505, %get3A_1067 : vector<16xf32>
      %select_n3A_1070 = arith.select %eq3A_85, %add3A_1068, %add3A_1069 : vector<16xi1>, vector<16xf32>
      %swap3A_1071 = arith.constant 552 : index
      %swap3A_1072 = tpu.vector_load %arg18[%swap3A_1071] {strides = array<i32>} : memref<1024xf32, #tpu.memory_space<vmem>>, vector<16xf32>,
      %swap3A_1073 = vector.shape_cast %swap3A_1072 : vector<16xf32> to vector<16xf32>
      %swap3A_1074 = vector.shape_cast %select_n3A_1070 : vector<16xf32> to vector<16xf32>
      tpu.vector_store %arg18[%swap3A_1071], %swap3A_1074 {strides = array<i32>} : memref<1024xf32, #tpu.memory_space<vmem>>, vector<16xf32>,
      %get3A_1075 = arith.constant 144 : index
      %get3A_1076 = tpu.vector_load %arg18[%get3A_1075] {strides = array<i32>} : memref<1024xf32, #tpu.memory_space<vmem>>, vector<16xf32>,
      %get3A_1077 = vector.shape_cast %get3A_1076 : vector<16xf32> to vector<16xf32>
      %get3A_1078 = arith.constant 160 : index
      %get3A_1079 = tpu.vector_load %arg18[%get3A_1078] {strides = array<i32>} : memref<1024xf32, #tpu.memory_space<vmem>>, vector<16xf32>,
      %get3A_1080 = vector.shape_cast %get3A_1079 : vector<16xf32> to vector<16xf32>
      %add3A_1081 = arith.addf %add3A_550, %get3A_1077 : vector<16xf32>
      %add3A_1082 = arith.addf %add3A_595, %get3A_1080 : vector<16xf32>
      %select_n3A_1083 = arith.select %eq3A_85, %add3A_1081, %add3A_1082 : vector<16xi1>, vector<16xf32>
      %swap3A_1084 = arith.constant 584 : index
      %swap3A_1085 = tpu.vector_load %arg18[%swap3A_1084] {strides = array<i32>} : memref<1024xf32, #tpu.memory_space<vmem>>, vector<16xf32>,
      %swap3A_1086 = vector.shape_cast %swap3A_1085 : vector<16xf32> to vector<16xf32>
      %swap3A_1087 = vector.shape_cast %select_n3A_1083 : vector<16xf32> to vector<16xf32>
      tpu.vector_store %arg18[%swap3A_1084], %swap3A_1087 {strides = array<i32>} : memref<1024xf32, #tpu.memory_space<vmem>>, vector<16xf32>,
      %get3A_1088 = arith.constant 208 : index
      %get3A_1089 = tpu.vector_load %arg18[%get3A_1088] {strides = array<i32>} : memref<1024xf32, #tpu.memory_space<vmem>>, vector<16xf32>,
      %get3A_1090 = vector.shape_cast %get3A_1089 : vector<16xf32> to vector<16xf32>
      %get3A_1091 = arith.constant 224 : index
      %get3A_1092 = tpu.vector_load %arg18[%get3A_1091] {strides = array<i32>} : memref<1024xf32, #tpu.memory_space<vmem>>, vector<16xf32>,
      %get3A_1093 = vector.shape_cast %get3A_1092 : vector<16xf32> to vector<16xf32>
      %add3A_1094 = arith.addf %add3A_640, %get3A_1090 : vector<16xf32>
      %add3A_1095 = arith.addf %add3A_685, %get3A_1093 : vector<16xf32>
      %select_n3A_1096 = arith.select %eq3A_85, %add3A_1094, %add3A_1095 : vector<16xi1>, vector<16xf32>
      %swap3A_1097 = arith.constant 616 : index
      %swap3A_1098 = tpu.vector_load %arg18[%swap3A_1097] {strides = array<i32>} : memref<1024xf32, #tpu.memory_space<vmem>>, vector<16xf32>,
      %swap3A_1099 = vector.shape_cast %swap3A_1098 : vector<16xf32> to vector<16xf32>
      %swap3A_1100 = vector.shape_cast %select_n3A_1096 : vector<16xf32> to vector<16xf32>
      tpu.vector_store %arg18[%swap3A_1097], %swap3A_1100 {strides = array<i32>} : memref<1024xf32, #tpu.memory_space<vmem>>, vector<16xf32>,
      %get3A_1101 = arith.constant 272 : index
      %get3A_1102 = tpu.vector_load %arg18[%get3A_1101] {strides = array<i32>} : memref<1024xf32, #tpu.memory_space<vmem>>, vector<16xf32>,
      %get3A_1103 = vector.shape_cast %get3A_1102 : vector<16xf32> to vector<16xf32>
      %get3A_1104 = arith.constant 288 : index
      %get3A_1105 = tpu.vector_load %arg18[%get3A_1104] {strides = array<i32>} : memref<1024xf32, #tpu.memory_space<vmem>>, vector<16xf32>,
      %get3A_1106 = vector.shape_cast %get3A_1105 : vector<16xf32> to vector<16xf32>
      %add3A_1107 = arith.addf %add3A_730, %get3A_1103 : vector<16xf32>
      %add3A_1108 = arith.addf %add3A_775, %get3A_1106 : vector<16xf32>
      %select_n3A_1109 = arith.select %eq3A_85, %add3A_1107, %add3A_1108 : vector<16xi1>, vector<16xf32>
      %swap3A_1110 = arith.constant 648 : index
      %swap3A_1111 = tpu.vector_load %arg18[%swap3A_1110] {strides = array<i32>} : memref<1024xf32, #tpu.memory_space<vmem>>, vector<16xf32>,
      %swap3A_1112 = vector.shape_cast %swap3A_1111 : vector<16xf32> to vector<16xf32>
      %swap3A_1113 = vector.shape_cast %select_n3A_1109 : vector<16xf32> to vector<16xf32>
      tpu.vector_store %arg18[%swap3A_1110], %swap3A_1113 {strides = array<i32>} : memref<1024xf32, #tpu.memory_space<vmem>>, vector<16xf32>,
      %get3A_1114 = arith.constant 336 : index
      %get3A_1115 = tpu.vector_load %arg18[%get3A_1114] {strides = array<i32>} : memref<1024xf32, #tpu.memory_space<vmem>>, vector<16xf32>,
      %get3A_1116 = vector.shape_cast %get3A_1115 : vector<16xf32> to vector<16xf32>
      %get3A_1117 = arith.constant 352 : index
      %get3A_1118 = tpu.vector_load %arg18[%get3A_1117] {strides = array<i32>} : memref<1024xf32, #tpu.memory_space<vmem>>, vector<16xf32>,
      %get3A_1119 = vector.shape_cast %get3A_1118 : vector<16xf32> to vector<16xf32>
      %add3A_1120 = arith.addf %add3A_820, %get3A_1116 : vector<16xf32>
      %add3A_1121 = arith.addf %add3A_865, %get3A_1119 : vector<16xf32>
      %select_n3A_1122 = arith.select %eq3A_85, %add3A_1120, %add3A_1121 : vector<16xi1>, vector<16xf32>
      %swap3A_1123 = arith.constant 680 : index
      %swap3A_1124 = tpu.vector_load %arg18[%swap3A_1123] {strides = array<i32>} : memref<1024xf32, #tpu.memory_space<vmem>>, vector<16xf32>,
      %swap3A_1125 = vector.shape_cast %swap3A_1124 : vector<16xf32> to vector<16xf32>
      %swap3A_1126 = vector.shape_cast %select_n3A_1122 : vector<16xf32> to vector<16xf32>
      tpu.vector_store %arg18[%swap3A_1123], %swap3A_1126 {strides = array<i32>} : memref<1024xf32, #tpu.memory_space<vmem>>, vector<16xf32>,
      %get3A_1127 = arith.constant 400 : index
      %get3A_1128 = tpu.vector_load %arg18[%get3A_1127] {strides = array<i32>} : memref<1024xf32, #tpu.memory_space<vmem>>, vector<16xf32>,
      %get3A_1129 = vector.shape_cast %get3A_1128 : vector<16xf32> to vector<16xf32>
      %get3A_1130 = arith.constant 416 : index
      %get3A_1131 = tpu.vector_load %arg18[%get3A_1130] {strides = array<i32>} : memref<1024xf32, #tpu.memory_space<vmem>>, vector<16xf32>,
      %get3A_1132 = vector.shape_cast %get3A_1131 : vector<16xf32> to vector<16xf32>
      %add3A_1133 = arith.addf %add3A_910, %get3A_1129 : vector<16xf32>
      %add3A_1134 = arith.addf %add3A_955, %get3A_1132 : vector<16xf32>
      %select_n3A_1135 = arith.select %eq3A_85, %add3A_1133, %add3A_1134 : vector<16xi1>, vector<16xf32>
      %swap3A_1136 = arith.constant 712 : index
      %swap3A_1137 = tpu.vector_load %arg18[%swap3A_1136] {strides = array<i32>} : memref<1024xf32, #tpu.memory_space<vmem>>, vector<16xf32>,
      %swap3A_1138 = vector.shape_cast %swap3A_1137 : vector<16xf32> to vector<16xf32>
      %swap3A_1139 = vector.shape_cast %select_n3A_1135 : vector<16xf32> to vector<16xf32>
      tpu.vector_store %arg18[%swap3A_1136], %swap3A_1139 {strides = array<i32>} : memref<1024xf32, #tpu.memory_space<vmem>>, vector<16xf32>,
      %get3A_1140 = arith.constant 464 : index
      %get3A_1141 = tpu.vector_load %arg18[%get3A_1140] {strides = array<i32>} : memref<1024xf32, #tpu.memory_space<vmem>>, vector<16xf32>,
      %get3A_1142 = vector.shape_cast %get3A_1141 : vector<16xf32> to vector<16xf32>
      %get3A_1143 = arith.constant 480 : index
      %get3A_1144 = tpu.vector_load %arg18[%get3A_1143] {strides = array<i32>} : memref<1024xf32, #tpu.memory_space<vmem>>, vector<16xf32>,
      %get3A_1145 = vector.shape_cast %get3A_1144 : vector<16xf32> to vector<16xf32>
      %add3A_1146 = arith.addf %add3A_1000, %get3A_1142 : vector<16xf32>
      %add3A_1147 = arith.addf %add3A_1045, %get3A_1145 : vector<16xf32>
      %select_n3A_1148 = arith.select %eq3A_85, %add3A_1146, %add3A_1147 : vector<16xi1>, vector<16xf32>
      %swap3A_1149 = arith.constant 744 : index
      %swap3A_1150 = tpu.vector_load %arg18[%swap3A_1149] {strides = array<i32>} : memref<1024xf32, #tpu.memory_space<vmem>>, vector<16xf32>,
      %swap3A_1151 = vector.shape_cast %swap3A_1150 : vector<16xf32> to vector<16xf32>
      %swap3A_1152 = vector.shape_cast %select_n3A_1148 : vector<16xf32> to vector<16xf32>
      tpu.vector_store %arg18[%swap3A_1149], %swap3A_1152 {strides = array<i32>} : memref<1024xf32, #tpu.memory_space<vmem>>, vector<16xf32>,
      %get3A_1153 = arith.constant 524 : index
      %get3A_1154 = tpu.vector_load %arg18[%get3A_1153] {strides = array<i32>} : memref<1024xf32, #tpu.memory_space<vmem>>, vector<16xf32>,
      %get3A_1155 = vector.shape_cast %get3A_1154 : vector<16xf32> to vector<16xf32>
      %get3A_1156 = arith.constant 548 : index
      %get3A_1157 = tpu.vector_load %arg18[%get3A_1156] {strides = array<i32>} : memref<1024xf32, #tpu.memory_space<vmem>>, vector<16xf32>,
      %get3A_1158 = vector.shape_cast %get3A_1157 : vector<16xf32> to vector<16xf32>
      %add3A_1159 = arith.addf %select_n3A, %get3A_1155 : vector<16xf32>
      %add3A_1160 = arith.addf %select_n3A_1070, %get3A_1158 : vector<16xf32>
      %select_n3A_1161 = arith.select %eq3A_91, %add3A_1159, %add3A_1160 : vector<16xi1>, vector<16xf32>
      %swap3A_1162 = arith.constant 776 : index
      %swap3A_1163 = tpu.vector_load %arg18[%swap3A_1162] {strides = array<i32>} : memref<1024xf32, #tpu.memory_space<vmem>>, vector<16xf32>,
      %swap3A_1164 = vector.shape_cast %swap3A_1163 : vector<16xf32> to vector<16xf32>
      %swap3A_1165 = vector.shape_cast %select_n3A_1161 : vector<16xf32> to vector<16xf32>
      tpu.vector_store %arg18[%swap3A_1162], %swap3A_1165 {strides = array<i32>} : memref<1024xf32, #tpu.memory_space<vmem>>, vector<16xf32>,
      %get3A_1166 = arith.constant 588 : index
      %get3A_1167 = tpu.vector_load %arg18[%get3A_1166] {strides = array<i32>} : memref<1024xf32, #tpu.memory_space<vmem>>, vector<16xf32>,
      %get3A_1168 = vector.shape_cast %get3A_1167 : vector<16xf32> to vector<16xf32>
      %get3A_1169 = arith.constant 612 : index
      %get3A_1170 = tpu.vector_load %arg18[%get3A_1169] {strides = array<i32>} : memref<1024xf32, #tpu.memory_space<vmem>>, vector<16xf32>,
      %get3A_1171 = vector.shape_cast %get3A_1170 : vector<16xf32> to vector<16xf32>
      %add3A_1172 = arith.addf %select_n3A_1083, %get3A_1168 : vector<16xf32>
      %add3A_1173 = arith.addf %select_n3A_1096, %get3A_1171 : vector<16xf32>
      %select_n3A_1174 = arith.select %eq3A_91, %add3A_1172, %add3A_1173 : vector<16xi1>, vector<16xf32>
      %swap3A_1175 = arith.constant 808 : index
      %swap3A_1176 = tpu.vector_load %arg18[%swap3A_1175] {strides = array<i32>} : memref<1024xf32, #tpu.memory_space<vmem>>, vector<16xf32>,
      %swap3A_1177 = vector.shape_cast %swap3A_1176 : vector<16xf32> to vector<16xf32>
      %swap3A_1178 = vector.shape_cast %select_n3A_1174 : vector<16xf32> to vector<16xf32>
      tpu.vector_store %arg18[%swap3A_1175], %swap3A_1178 {strides = array<i32>} : memref<1024xf32, #tpu.memory_space<vmem>>, vector<16xf32>,
      %get3A_1179 = arith.constant 652 : index
      %get3A_1180 = tpu.vector_load %arg18[%get3A_1179] {strides = array<i32>} : memref<1024xf32, #tpu.memory_space<vmem>>, vector<16xf32>,
      %get3A_1181 = vector.shape_cast %get3A_1180 : vector<16xf32> to vector<16xf32>
      %get3A_1182 = arith.constant 676 : index
      %get3A_1183 = tpu.vector_load %arg18[%get3A_1182] {strides = array<i32>} : memref<1024xf32, #tpu.memory_space<vmem>>, vector<16xf32>,
      %get3A_1184 = vector.shape_cast %get3A_1183 : vector<16xf32> to vector<16xf32>
      %add3A_1185 = arith.addf %select_n3A_1109, %get3A_1181 : vector<16xf32>
      %add3A_1186 = arith.addf %select_n3A_1122, %get3A_1184 : vector<16xf32>
      %select_n3A_1187 = arith.select %eq3A_91, %add3A_1185, %add3A_1186 : vector<16xi1>, vector<16xf32>
      %swap3A_1188 = arith.constant 840 : index
      %swap3A_1189 = tpu.vector_load %arg18[%swap3A_1188] {strides = array<i32>} : memref<1024xf32, #tpu.memory_space<vmem>>, vector<16xf32>,
      %swap3A_1190 = vector.shape_cast %swap3A_1189 : vector<16xf32> to vector<16xf32>
      %swap3A_1191 = vector.shape_cast %select_n3A_1187 : vector<16xf32> to vector<16xf32>
      tpu.vector_store %arg18[%swap3A_1188], %swap3A_1191 {strides = array<i32>} : memref<1024xf32, #tpu.memory_space<vmem>>, vector<16xf32>,
      %get3A_1192 = arith.constant 716 : index
      %get3A_1193 = tpu.vector_load %arg18[%get3A_1192] {strides = array<i32>} : memref<1024xf32, #tpu.memory_space<vmem>>, vector<16xf32>,
      %get3A_1194 = vector.shape_cast %get3A_1193 : vector<16xf32> to vector<16xf32>
      %get3A_1195 = arith.constant 740 : index
      %get3A_1196 = tpu.vector_load %arg18[%get3A_1195] {strides = array<i32>} : memref<1024xf32, #tpu.memory_space<vmem>>, vector<16xf32>,
      %get3A_1197 = vector.shape_cast %get3A_1196 : vector<16xf32> to vector<16xf32>
      %add3A_1198 = arith.addf %select_n3A_1135, %get3A_1194 : vector<16xf32>
      %add3A_1199 = arith.addf %select_n3A_1148, %get3A_1197 : vector<16xf32>
      %select_n3A_1200 = arith.select %eq3A_91, %add3A_1198, %add3A_1199 : vector<16xi1>, vector<16xf32>
      %swap3A_1201 = arith.constant 872 : index
      %swap3A_1202 = tpu.vector_load %arg18[%swap3A_1201] {strides = array<i32>} : memref<1024xf32, #tpu.memory_space<vmem>>, vector<16xf32>,
      %swap3A_1203 = vector.shape_cast %swap3A_1202 : vector<16xf32> to vector<16xf32>
      %swap3A_1204 = vector.shape_cast %select_n3A_1200 : vector<16xf32> to vector<16xf32>
      tpu.vector_store %arg18[%swap3A_1201], %swap3A_1204 {strides = array<i32>} : memref<1024xf32, #tpu.memory_space<vmem>>, vector<16xf32>,
      %get3A_1205 = arith.constant 778 : index
      %get3A_1206 = tpu.vector_load %arg18[%get3A_1205] {strides = array<i32>} : memref<1024xf32, #tpu.memory_space<vmem>>, vector<16xf32>,
      %get3A_1207 = vector.shape_cast %get3A_1206 : vector<16xf32> to vector<16xf32>
      %get3A_1208 = arith.constant 806 : index
      %get3A_1209 = tpu.vector_load %arg18[%get3A_1208] {strides = array<i32>} : memref<1024xf32, #tpu.memory_space<vmem>>, vector<16xf32>,
      %get3A_1210 = vector.shape_cast %get3A_1209 : vector<16xf32> to vector<16xf32>
      %add3A_1211 = arith.addf %select_n3A_1161, %get3A_1207 : vector<16xf32>
      %add3A_1212 = arith.addf %select_n3A_1174, %get3A_1210 : vector<16xf32>
      %select_n3A_1213 = arith.select %eq3A_97, %add3A_1211, %add3A_1212 : vector<16xi1>, vector<16xf32>
      %swap3A_1214 = arith.constant 904 : index
      %swap3A_1215 = tpu.vector_load %arg18[%swap3A_1214] {strides = array<i32>} : memref<1024xf32, #tpu.memory_space<vmem>>, vector<16xf32>,
      %swap3A_1216 = vector.shape_cast %swap3A_1215 : vector<16xf32> to vector<16xf32>
      %swap3A_1217 = vector.shape_cast %select_n3A_1213 : vector<16xf32> to vector<16xf32>
      tpu.vector_store %arg18[%swap3A_1214], %swap3A_1217 {strides = array<i32>} : memref<1024xf32, #tpu.memory_space<vmem>>, vector<16xf32>,
      %get3A_1218 = arith.constant 842 : index
      %get3A_1219 = tpu.vector_load %arg18[%get3A_1218] {strides = array<i32>} : memref<1024xf32, #tpu.memory_space<vmem>>, vector<16xf32>,
      %get3A_1220 = vector.shape_cast %get3A_1219 : vector<16xf32> to vector<16xf32>
      %get3A_1221 = arith.constant 870 : index
      %get3A_1222 = tpu.vector_load %arg18[%get3A_1221] {strides = array<i32>} : memref<1024xf32, #tpu.memory_space<vmem>>, vector<16xf32>,
      %get3A_1223 = vector.shape_cast %get3A_1222 : vector<16xf32> to vector<16xf32>
      %add3A_1224 = arith.addf %select_n3A_1187, %get3A_1220 : vector<16xf32>
      %add3A_1225 = arith.addf %select_n3A_1200, %get3A_1223 : vector<16xf32>
      %select_n3A_1226 = arith.select %eq3A_97, %add3A_1224, %add3A_1225 : vector<16xi1>, vector<16xf32>
      %swap3A_1227 = arith.constant 936 : index
      %swap3A_1228 = tpu.vector_load %arg18[%swap3A_1227] {strides = array<i32>} : memref<1024xf32, #tpu.memory_space<vmem>>, vector<16xf32>,
      %swap3A_1229 = vector.shape_cast %swap3A_1228 : vector<16xf32> to vector<16xf32>
      %swap3A_1230 = vector.shape_cast %select_n3A_1226 : vector<16xf32> to vector<16xf32>
      tpu.vector_store %arg18[%swap3A_1227], %swap3A_1230 {strides = array<i32>} : memref<1024xf32, #tpu.memory_space<vmem>>, vector<16xf32>,
      %get3A_1231 = arith.constant 905 : index
      %get3A_1232 = tpu.vector_load %arg18[%get3A_1231] {strides = array<i32>} : memref<1024xf32, #tpu.memory_space<vmem>>, vector<16xf32>,
      %get3A_1233 = vector.shape_cast %get3A_1232 : vector<16xf32> to vector<16xf32>
      %get3A_1234 = arith.constant 935 : index
      %get3A_1235 = tpu.vector_load %arg18[%get3A_1234] {strides = array<i32>} : memref<1024xf32, #tpu.memory_space<vmem>>, vector<16xf32>,
      %get3A_1236 = vector.shape_cast %get3A_1235 : vector<16xf32> to vector<16xf32>
      %add3A_1237 = arith.addf %select_n3A_1213, %get3A_1233 : vector<16xf32>
      %add3A_1238 = arith.addf %select_n3A_1226, %get3A_1236 : vector<16xf32>
      %select_n3A_1239 = arith.select %eq3A_103, %add3A_1237, %add3A_1238 : vector<16xi1>, vector<16xf32>
      %mul3A_1240 = arith.constant 16 : i32
      %mul3A_1241 = arith.muli %scan3A_326, %mul3A_1240 : i32
      %add3A_1242 = arith.constant 0 : i32
      %add3A_1243 = arith.addi %add3A_1242, %mul3A_1241 : i32
      %multiple_of3A_1244 = tpu.assume_multiple %add3A_1243, 16 : i32
      %get3A_1245 = arith.index_cast %multiple_of3A_1244 : i32 to index
      %get3A_1246 = tpu.vector_load %arg14[%get3A_1245] {strides = array<i32>} : memref<512xf32, #tpu.memory_space<vmem>>, vector<16xf32>,
      %get3A_1247 = vector.shape_cast %get3A_1246 : vector<16xf32> to vector<16xf32>
      %get3A_1248 = arith.index_cast %multiple_of3A_1244 : i32 to index
      %get3A_1249 = tpu.vector_load %arg15[%get3A_1248] {strides = array<i32>} : memref<512xf32, #tpu.memory_space<vmem>>, vector<16xf32>,
      %get3A_1250 = vector.shape_cast %get3A_1249 : vector<16xf32> to vector<16xf32>
      %get3A_1251 = arith.index_cast %multiple_of3A_1244 : i32 to index
      %get3A_1252 = tpu.vector_load %arg12[%get3A_1251] {strides = array<i32>} : memref<512xf32, #tpu.memory_space<vmem>>, vector<16xf32>,
      %get3A_1253 = vector.shape_cast %get3A_1252 : vector<16xf32> to vector<16xf32>
      %get3A_1254 = arith.index_cast %multiple_of3A_1244 : i32 to index
      %get3A_1255 = tpu.vector_load %arg13[%get3A_1254] {strides = array<i32>} : memref<512xf32, #tpu.memory_space<vmem>>, vector<16xf32>,
      %get3A_1256 = vector.shape_cast %get3A_1255 : vector<16xf32> to vector<16xf32>
      %add3A_1257 = arith.addf %select_n3A_1239, %get3A_1247 : vector<16xf32>
      %add3A_1258 = arith.addf %add3A_1257, %get3A_1250 : vector<16xf32>
      %sub3A = arith.subf %add3A_1258, %get3A_1253 : vector<16xf32>
      %mul3A_1259 = arith.mulf %get3A_1256, %sub3A : vector<16xf32>
      %mul3A_1260 = arith.mulf %mul3A_1259, %sub3A : vector<16xf32>
      %add3A_1261 = arith.addf %scan3A_327, %mul3A_1260 : vector<16xf32>
      scf.yield %add3A_1261 : vector<16xf32>
    }
    %scan3A_252 = arith.constant 16 : i32
    %dma_start3A_253 = arith.constant 0 : i32
    %dma_start3A_254 = arith.constant 0 : i32
    %dma_start3A_255 = tpu.memref_slice %arg16[%dma_start3A_253, %dma_start3A_254] : memref<256x64xf32, #tpu.memory_space<vmem>> -> memref<128x64xf32, #tpu.memory_space<vmem>>
    %dma_start3A_256 = arith.constant 256 : i32
    %dma_start3A_257 = tpu.memref_slice %arg10[%dma_start3A_256] : memref<512xi32, #tpu.memory_space<vmem>> -> memref<128xi32, #tpu.memory_space<vmem>>
    %dma_start3A_258 = arith.constant 0 : i32
    %dma_start3A_259 = arith.constant 0 : i32
    %dma_start3A_260 = tpu.memref_slice %arg6[%dma_start3A_258, %dma_start3A_259] : memref<1000000x64xf32, #tpu.memory_space<hbm>> -> memref<1000000x64xf32, #tpu.memory_space<hbm>>
    tpu.enqueue_indirect_dma source(%dma_start3A_260 : memref<1000000x64xf32, #tpu.memory_space<hbm>>) target(%dma_start3A_255 : memref<128x64xf32, #tpu.memory_space<vmem>>) offsets(%dma_start3A_257 : memref<128xi32, #tpu.memory_space<vmem>>) semaphore(%arg20 : memref<!tpu.dma_semaphore, #tpu.memory_space<semaphore_mem>>)
    %dma_start3A_261 = arith.constant 0 : i32
    %dma_start3A_262 = arith.constant 0 : i32
    %dma_start3A_263 = tpu.memref_slice %arg17[%dma_start3A_261, %dma_start3A_262] : memref<256x64xf32, #tpu.memory_space<vmem>> -> memref<128x64xf32, #tpu.memory_space<vmem>>
    %dma_start3A_264 = arith.constant 256 : i32
    %dma_start3A_265 = tpu.memref_slice %arg11[%dma_start3A_264] : memref<512xi32, #tpu.memory_space<vmem>> -> memref<128xi32, #tpu.memory_space<vmem>>
    %dma_start3A_266 = arith.constant 0 : i32
    %dma_start3A_267 = arith.constant 0 : i32
    %dma_start3A_268 = tpu.memref_slice %arg7[%dma_start3A_266, %dma_start3A_267] : memref<1000000x64xf32, #tpu.memory_space<hbm>> -> memref<1000000x64xf32, #tpu.memory_space<hbm>>
    tpu.enqueue_indirect_dma source(%dma_start3A_268 : memref<1000000x64xf32, #tpu.memory_space<hbm>>) target(%dma_start3A_263 : memref<128x64xf32, #tpu.memory_space<vmem>>) offsets(%dma_start3A_265 : memref<128xi32, #tpu.memory_space<vmem>>) semaphore(%arg20 : memref<!tpu.dma_semaphore, #tpu.memory_space<semaphore_mem>>)
    %dma_start3A_269 = arith.constant 128 : i32
    %dma_start3A_270 = arith.constant 0 : i32
    %dma_start3A_271 = tpu.memref_slice %arg16[%dma_start3A_269, %dma_start3A_270] : memref<256x64xf32, #tpu.memory_space<vmem>> -> memref<128x64xf32, #tpu.memory_space<vmem>>
    %dma_start3A_272 = arith.constant 384 : i32
    %dma_start3A_273 = tpu.memref_slice %arg10[%dma_start3A_272] : memref<512xi32, #tpu.memory_space<vmem>> -> memref<128xi32, #tpu.memory_space<vmem>>
    %dma_start3A_274 = arith.constant 0 : i32
    %dma_start3A_275 = arith.constant 0 : i32
    %dma_start3A_276 = tpu.memref_slice %arg6[%dma_start3A_274, %dma_start3A_275] : memref<1000000x64xf32, #tpu.memory_space<hbm>> -> memref<1000000x64xf32, #tpu.memory_space<hbm>>
    tpu.enqueue_indirect_dma source(%dma_start3A_276 : memref<1000000x64xf32, #tpu.memory_space<hbm>>) target(%dma_start3A_271 : memref<128x64xf32, #tpu.memory_space<vmem>>) offsets(%dma_start3A_273 : memref<128xi32, #tpu.memory_space<vmem>>) semaphore(%arg20 : memref<!tpu.dma_semaphore, #tpu.memory_space<semaphore_mem>>)
    %dma_start3A_277 = arith.constant 128 : i32
    %dma_start3A_278 = arith.constant 0 : i32
    %dma_start3A_279 = tpu.memref_slice %arg17[%dma_start3A_277, %dma_start3A_278] : memref<256x64xf32, #tpu.memory_space<vmem>> -> memref<128x64xf32, #tpu.memory_space<vmem>>
    %dma_start3A_280 = arith.constant 384 : i32
    %dma_start3A_281 = tpu.memref_slice %arg11[%dma_start3A_280] : memref<512xi32, #tpu.memory_space<vmem>> -> memref<128xi32, #tpu.memory_space<vmem>>
    %dma_start3A_282 = arith.constant 0 : i32
    %dma_start3A_283 = arith.constant 0 : i32
    %dma_start3A_284 = tpu.memref_slice %arg7[%dma_start3A_282, %dma_start3A_283] : memref<1000000x64xf32, #tpu.memory_space<hbm>> -> memref<1000000x64xf32, #tpu.memory_space<hbm>>
    tpu.enqueue_indirect_dma source(%dma_start3A_284 : memref<1000000x64xf32, #tpu.memory_space<hbm>>) target(%dma_start3A_279 : memref<128x64xf32, #tpu.memory_space<vmem>>) offsets(%dma_start3A_281 : memref<128xi32, #tpu.memory_space<vmem>>) semaphore(%arg20 : memref<!tpu.dma_semaphore, #tpu.memory_space<semaphore_mem>>)
    %dma_wait3A_285 = arith.constant 0 : i32
    %dma_wait3A_286 = arith.constant 0 : i32
    %dma_wait3A_287 = tpu.memref_slice %arg16[%dma_wait3A_285, %dma_wait3A_286] : memref<256x64xf32, #tpu.memory_space<vmem>> -> memref<128x64xf32, #tpu.memory_space<vmem>>
    %dma_wait3A_288 = arith.constant 256 : i32
    %dma_wait3A_289 = tpu.memref_slice %arg10[%dma_wait3A_288] : memref<512xi32, #tpu.memory_space<vmem>> -> memref<128xi32, #tpu.memory_space<vmem>>
    %dma_wait3A_290 = arith.constant 0 : i32
    %dma_wait3A_291 = arith.constant 0 : i32
    %dma_wait3A_292 = tpu.memref_slice %arg6[%dma_wait3A_290, %dma_wait3A_291] : memref<1000000x64xf32, #tpu.memory_space<hbm>> -> memref<1000000x64xf32, #tpu.memory_space<hbm>>
    tpu.wait_indirect_dma semaphore(%arg20 : memref<!tpu.dma_semaphore, #tpu.memory_space<semaphore_mem>>) src(%dma_wait3A_292 : memref<1000000x64xf32, #tpu.memory_space<hbm>>) dst(%dma_wait3A_287 : memref<128x64xf32, #tpu.memory_space<vmem>>)
    %dma_wait3A_293 = arith.constant 0 : i32
    %dma_wait3A_294 = arith.constant 0 : i32
    %dma_wait3A_295 = tpu.memref_slice %arg17[%dma_wait3A_293, %dma_wait3A_294] : memref<256x64xf32, #tpu.memory_space<vmem>> -> memref<128x64xf32, #tpu.memory_space<vmem>>
    %dma_wait3A_296 = arith.constant 256 : i32
    %dma_wait3A_297 = tpu.memref_slice %arg11[%dma_wait3A_296] : memref<512xi32, #tpu.memory_space<vmem>> -> memref<128xi32, #tpu.memory_space<vmem>>
    %dma_wait3A_298 = arith.constant 0 : i32
    %dma_wait3A_299 = arith.constant 0 : i32
    %dma_wait3A_300 = tpu.memref_slice %arg7[%dma_wait3A_298, %dma_wait3A_299] : memref<1000000x64xf32, #tpu.memory_space<hbm>> -> memref<1000000x64xf32, #tpu.memory_space<hbm>>
    tpu.wait_indirect_dma semaphore(%arg20 : memref<!tpu.dma_semaphore, #tpu.memory_space<semaphore_mem>>) src(%dma_wait3A_300 : memref<1000000x64xf32, #tpu.memory_space<hbm>>) dst(%dma_wait3A_295 : memref<128x64xf32, #tpu.memory_space<vmem>>)
    %dma_wait3A_301 = arith.constant 128 : i32
    %dma_wait3A_302 = arith.constant 0 : i32
    %dma_wait3A_303 = tpu.memref_slice %arg16[%dma_wait3A_301, %dma_wait3A_302] : memref<256x64xf32, #tpu.memory_space<vmem>> -> memref<128x64xf32, #tpu.memory_space<vmem>>
    %dma_wait3A_304 = arith.constant 384 : i32
    %dma_wait3A_305 = tpu.memref_slice %arg10[%dma_wait3A_304] : memref<512xi32, #tpu.memory_space<vmem>> -> memref<128xi32, #tpu.memory_space<vmem>>
    %dma_wait3A_306 = arith.constant 0 : i32
    %dma_wait3A_307 = arith.constant 0 : i32
    %dma_wait3A_308 = tpu.memref_slice %arg6[%dma_wait3A_306, %dma_wait3A_307] : memref<1000000x64xf32, #tpu.memory_space<hbm>> -> memref<1000000x64xf32, #tpu.memory_space<hbm>>
    tpu.wait_indirect_dma semaphore(%arg20 : memref<!tpu.dma_semaphore, #tpu.memory_space<semaphore_mem>>) src(%dma_wait3A_308 : memref<1000000x64xf32, #tpu.memory_space<hbm>>) dst(%dma_wait3A_303 : memref<128x64xf32, #tpu.memory_space<vmem>>)
    %dma_wait3A_309 = arith.constant 128 : i32
    %dma_wait3A_310 = arith.constant 0 : i32
    %dma_wait3A_311 = tpu.memref_slice %arg17[%dma_wait3A_309, %dma_wait3A_310] : memref<256x64xf32, #tpu.memory_space<vmem>> -> memref<128x64xf32, #tpu.memory_space<vmem>>
    %dma_wait3A_312 = arith.constant 384 : i32
    %dma_wait3A_313 = tpu.memref_slice %arg11[%dma_wait3A_312] : memref<512xi32, #tpu.memory_space<vmem>> -> memref<128xi32, #tpu.memory_space<vmem>>
    %dma_wait3A_314 = arith.constant 0 : i32
    %dma_wait3A_315 = arith.constant 0 : i32
    %dma_wait3A_316 = tpu.memref_slice %arg7[%dma_wait3A_314, %dma_wait3A_315] : memref<1000000x64xf32, #tpu.memory_space<hbm>> -> memref<1000000x64xf32, #tpu.memory_space<hbm>>
    tpu.wait_indirect_dma semaphore(%arg20 : memref<!tpu.dma_semaphore, #tpu.memory_space<semaphore_mem>>) src(%dma_wait3A_316 : memref<1000000x64xf32, #tpu.memory_space<hbm>>) dst(%dma_wait3A_311 : memref<128x64xf32, #tpu.memory_space<vmem>>)
    %scan3A_317 = arith.constant 0 : i32
    %scan3A_318 = arith.constant 16 : i32
    %scan3A_319 = arith.addi %scan3A_317, %scan3A_318 : i32
    %scan3A_320 = arith.constant 1 : i32
    %scan3A_321 = scf.for %scan3A_326 = %scan3A_317 to %scan3A_319 step %scan3A_320 iter_args(%scan3A_327 = %scan3A_251) -> (vector<16xf32>)  : i32 {
      %mul3A_328 = arith.constant 16 : i32
      %mul3A_329 = arith.muli %scan3A_326, %mul3A_328 : i32
      %multiple_of3A_330 = tpu.assume_multiple %mul3A_329, 16 : i32
      %add3A_331 = arith.constant 0 : i32
      %add3A_332 = arith.addi %multiple_of3A_330, %add3A_331 : i32
      %get3A = arith.index_cast %add3A_332 : i32 to index
      %get3A_333 = arith.constant 0 : index
      %get3A_334 = tpu.vector_load %arg16[%get3A, %get3A_333] {strides = array<i32>} : memref<256x64xf32, #tpu.memory_space<vmem>>, vector<1x16xf32>,
      %get3A_335 = vector.shape_cast %get3A_334 : vector<1x16xf32> to vector<16xf32>
      %get3A_336 = arith.index_cast %add3A_332 : i32 to index
      %get3A_337 = arith.constant 0 : index
      %get3A_338 = tpu.vector_load %arg17[%get3A_336, %get3A_337] {strides = array<i32>} : memref<256x64xf32, #tpu.memory_space<vmem>>, vector<1x16xf32>,
      %get3A_339 = vector.shape_cast %get3A_338 : vector<1x16xf32> to vector<16xf32>
      %mul3A_340 = arith.mulf %get3A_335, %get3A_339 : vector<16xf32>
      %get3A_341 = arith.index_cast %add3A_332 : i32 to index
      %get3A_342 = arith.constant 16 : index
      %get3A_343 = tpu.vector_load %arg16[%get3A_341, %get3A_342] {strides = array<i32>} : memref<256x64xf32, #tpu.memory_space<vmem>>, vector<1x16xf32>,
      %get3A_344 = vector.shape_cast %get3A_343 : vector<1x16xf32> to vector<16xf32>
      %get3A_345 = arith.index_cast %add3A_332 : i32 to index
      %get3A_346 = arith.constant 16 : index
      %get3A_347 = tpu.vector_load %arg17[%get3A_345, %get3A_346] {strides = array<i32>} : memref<256x64xf32, #tpu.memory_space<vmem>>, vector<1x16xf32>,
      %get3A_348 = vector.shape_cast %get3A_347 : vector<1x16xf32> to vector<16xf32>
      %mul3A_349 = arith.mulf %get3A_344, %get3A_348 : vector<16xf32>
      %add3A_350 = arith.addf %mul3A_340, %mul3A_349 : vector<16xf32>
      %get3A_351 = arith.index_cast %add3A_332 : i32 to index
      %get3A_352 = arith.constant 32 : index
      %get3A_353 = tpu.vector_load %arg16[%get3A_351, %get3A_352] {strides = array<i32>} : memref<256x64xf32, #tpu.memory_space<vmem>>, vector<1x16xf32>,
      %get3A_354 = vector.shape_cast %get3A_353 : vector<1x16xf32> to vector<16xf32>
      %get3A_355 = arith.index_cast %add3A_332 : i32 to index
      %get3A_356 = arith.constant 32 : index
      %get3A_357 = tpu.vector_load %arg17[%get3A_355, %get3A_356] {strides = array<i32>} : memref<256x64xf32, #tpu.memory_space<vmem>>, vector<1x16xf32>,
      %get3A_358 = vector.shape_cast %get3A_357 : vector<1x16xf32> to vector<16xf32>
      %mul3A_359 = arith.mulf %get3A_354, %get3A_358 : vector<16xf32>
      %add3A_360 = arith.addf %add3A_350, %mul3A_359 : vector<16xf32>
      %get3A_361 = arith.index_cast %add3A_332 : i32 to index
      %get3A_362 = arith.constant 48 : index
      %get3A_363 = tpu.vector_load %arg16[%get3A_361, %get3A_362] {strides = array<i32>} : memref<256x64xf32, #tpu.memory_space<vmem>>, vector<1x16xf32>,
      %get3A_364 = vector.shape_cast %get3A_363 : vector<1x16xf32> to vector<16xf32>
      %get3A_365 = arith.index_cast %add3A_332 : i32 to index
      %get3A_366 = arith.constant 48 : index
      %get3A_367 = tpu.vector_load %arg17[%get3A_365, %get3A_366] {strides = array<i32>} : memref<256x64xf32, #tpu.memory_space<vmem>>, vector<1x16xf32>,
      %get3A_368 = vector.shape_cast %get3A_367 : vector<1x16xf32> to vector<16xf32>
      %mul3A_369 = arith.mulf %get3A_364, %get3A_368 : vector<16xf32>
      %add3A_370 = arith.addf %add3A_360, %mul3A_369 : vector<16xf32>
      %swap3A_371 = arith.constant 8 : index
      %swap3A_372 = tpu.vector_load %arg18[%swap3A_371] {strides = array<i32>} : memref<1024xf32, #tpu.memory_space<vmem>>, vector<16xf32>,
      %swap3A_373 = vector.shape_cast %swap3A_372 : vector<16xf32> to vector<16xf32>
      %swap3A_374 = vector.shape_cast %add3A_370 : vector<16xf32> to vector<16xf32>
      tpu.vector_store %arg18[%swap3A_371], %swap3A_374 {strides = array<i32>} : memref<1024xf32, #tpu.memory_space<vmem>>, vector<16xf32>,
      %add3A_375 = arith.constant 8 : i32
      %add3A_376 = arith.addi %multiple_of3A_330, %add3A_375 : i32
      %get3A_377 = arith.index_cast %add3A_376 : i32 to index
      %get3A_378 = arith.constant 0 : index
      %get3A_379 = tpu.vector_load %arg16[%get3A_377, %get3A_378] {strides = array<i32>} : memref<256x64xf32, #tpu.memory_space<vmem>>, vector<1x16xf32>,
      %get3A_380 = vector.shape_cast %get3A_379 : vector<1x16xf32> to vector<16xf32>
      %get3A_381 = arith.index_cast %add3A_376 : i32 to index
      %get3A_382 = arith.constant 0 : index
      %get3A_383 = tpu.vector_load %arg17[%get3A_381, %get3A_382] {strides = array<i32>} : memref<256x64xf32, #tpu.memory_space<vmem>>, vector<1x16xf32>,
      %get3A_384 = vector.shape_cast %get3A_383 : vector<1x16xf32> to vector<16xf32>
      %mul3A_385 = arith.mulf %get3A_380, %get3A_384 : vector<16xf32>
      %get3A_386 = arith.index_cast %add3A_376 : i32 to index
      %get3A_387 = arith.constant 16 : index
      %get3A_388 = tpu.vector_load %arg16[%get3A_386, %get3A_387] {strides = array<i32>} : memref<256x64xf32, #tpu.memory_space<vmem>>, vector<1x16xf32>,
      %get3A_389 = vector.shape_cast %get3A_388 : vector<1x16xf32> to vector<16xf32>
      %get3A_390 = arith.index_cast %add3A_376 : i32 to index
      %get3A_391 = arith.constant 16 : index
      %get3A_392 = tpu.vector_load %arg17[%get3A_390, %get3A_391] {strides = array<i32>} : memref<256x64xf32, #tpu.memory_space<vmem>>, vector<1x16xf32>,
      %get3A_393 = vector.shape_cast %get3A_392 : vector<1x16xf32> to vector<16xf32>
      %mul3A_394 = arith.mulf %get3A_389, %get3A_393 : vector<16xf32>
      %add3A_395 = arith.addf %mul3A_385, %mul3A_394 : vector<16xf32>
      %get3A_396 = arith.index_cast %add3A_376 : i32 to index
      %get3A_397 = arith.constant 32 : index
      %get3A_398 = tpu.vector_load %arg16[%get3A_396, %get3A_397] {strides = array<i32>} : memref<256x64xf32, #tpu.memory_space<vmem>>, vector<1x16xf32>,
      %get3A_399 = vector.shape_cast %get3A_398 : vector<1x16xf32> to vector<16xf32>
      %get3A_400 = arith.index_cast %add3A_376 : i32 to index
      %get3A_401 = arith.constant 32 : index
      %get3A_402 = tpu.vector_load %arg17[%get3A_400, %get3A_401] {strides = array<i32>} : memref<256x64xf32, #tpu.memory_space<vmem>>, vector<1x16xf32>,
      %get3A_403 = vector.shape_cast %get3A_402 : vector<1x16xf32> to vector<16xf32>
      %mul3A_404 = arith.mulf %get3A_399, %get3A_403 : vector<16xf32>
      %add3A_405 = arith.addf %add3A_395, %mul3A_404 : vector<16xf32>
      %get3A_406 = arith.index_cast %add3A_376 : i32 to index
      %get3A_407 = arith.constant 48 : index
      %get3A_408 = tpu.vector_load %arg16[%get3A_406, %get3A_407] {strides = array<i32>} : memref<256x64xf32, #tpu.memory_space<vmem>>, vector<1x16xf32>,
      %get3A_409 = vector.shape_cast %get3A_408 : vector<1x16xf32> to vector<16xf32>
      %get3A_410 = arith.index_cast %add3A_376 : i32 to index
      %get3A_411 = arith.constant 48 : index
      %get3A_412 = tpu.vector_load %arg17[%get3A_410, %get3A_411] {strides = array<i32>} : memref<256x64xf32, #tpu.memory_space<vmem>>, vector<1x16xf32>,
      %get3A_413 = vector.shape_cast %get3A_412 : vector<1x16xf32> to vector<16xf32>
      %mul3A_414 = arith.mulf %get3A_409, %get3A_413 : vector<16xf32>
      %add3A_415 = arith.addf %add3A_405, %mul3A_414 : vector<16xf32>
      %swap3A_416 = arith.constant 40 : index
      %swap3A_417 = tpu.vector_load %arg18[%swap3A_416] {strides = array<i32>} : memref<1024xf32, #tpu.memory_space<vmem>>, vector<16xf32>,
      %swap3A_418 = vector.shape_cast %swap3A_417 : vector<16xf32> to vector<16xf32>
      %swap3A_419 = vector.shape_cast %add3A_415 : vector<16xf32> to vector<16xf32>
      tpu.vector_store %arg18[%swap3A_416], %swap3A_419 {strides = array<i32>} : memref<1024xf32, #tpu.memory_space<vmem>>, vector<16xf32>,
      %add3A_420 = arith.constant 4 : i32
      %add3A_421 = arith.addi %multiple_of3A_330, %add3A_420 : i32
      %get3A_422 = arith.index_cast %add3A_421 : i32 to index
      %get3A_423 = arith.constant 0 : index
      %get3A_424 = tpu.vector_load %arg16[%get3A_422, %get3A_423] {strides = array<i32>} : memref<256x64xf32, #tpu.memory_space<vmem>>, vector<1x16xf32>,
      %get3A_425 = vector.shape_cast %get3A_424 : vector<1x16xf32> to vector<16xf32>
      %get3A_426 = arith.index_cast %add3A_421 : i32 to index
      %get3A_427 = arith.constant 0 : index
      %get3A_428 = tpu.vector_load %arg17[%get3A_426, %get3A_427] {strides = array<i32>} : memref<256x64xf32, #tpu.memory_space<vmem>>, vector<1x16xf32>,
      %get3A_429 = vector.shape_cast %get3A_428 : vector<1x16xf32> to vector<16xf32>
      %mul3A_430 = arith.mulf %get3A_425, %get3A_429 : vector<16xf32>
      %get3A_431 = arith.index_cast %add3A_421 : i32 to index
      %get3A_432 = arith.constant 16 : index
      %get3A_433 = tpu.vector_load %arg16[%get3A_431, %get3A_432] {strides = array<i32>} : memref<256x64xf32, #tpu.memory_space<vmem>>, vector<1x16xf32>,
      %get3A_434 = vector.shape_cast %get3A_433 : vector<1x16xf32> to vector<16xf32>
      %get3A_435 = arith.index_cast %add3A_421 : i32 to index
      %get3A_436 = arith.constant 16 : index
      %get3A_437 = tpu.vector_load %arg17[%get3A_435, %get3A_436] {strides = array<i32>} : memref<256x64xf32, #tpu.memory_space<vmem>>, vector<1x16xf32>,
      %get3A_438 = vector.shape_cast %get3A_437 : vector<1x16xf32> to vector<16xf32>
      %mul3A_439 = arith.mulf %get3A_434, %get3A_438 : vector<16xf32>
      %add3A_440 = arith.addf %mul3A_430, %mul3A_439 : vector<16xf32>
      %get3A_441 = arith.index_cast %add3A_421 : i32 to index
      %get3A_442 = arith.constant 32 : index
      %get3A_443 = tpu.vector_load %arg16[%get3A_441, %get3A_442] {strides = array<i32>} : memref<256x64xf32, #tpu.memory_space<vmem>>, vector<1x16xf32>,
      %get3A_444 = vector.shape_cast %get3A_443 : vector<1x16xf32> to vector<16xf32>
      %get3A_445 = arith.index_cast %add3A_421 : i32 to index
      %get3A_446 = arith.constant 32 : index
      %get3A_447 = tpu.vector_load %arg17[%get3A_445, %get3A_446] {strides = array<i32>} : memref<256x64xf32, #tpu.memory_space<vmem>>, vector<1x16xf32>,
      %get3A_448 = vector.shape_cast %get3A_447 : vector<1x16xf32> to vector<16xf32>
      %mul3A_449 = arith.mulf %get3A_444, %get3A_448 : vector<16xf32>
      %add3A_450 = arith.addf %add3A_440, %mul3A_449 : vector<16xf32>
      %get3A_451 = arith.index_cast %add3A_421 : i32 to index
      %get3A_452 = arith.constant 48 : index
      %get3A_453 = tpu.vector_load %arg16[%get3A_451, %get3A_452] {strides = array<i32>} : memref<256x64xf32, #tpu.memory_space<vmem>>, vector<1x16xf32>,
      %get3A_454 = vector.shape_cast %get3A_453 : vector<1x16xf32> to vector<16xf32>
      %get3A_455 = arith.index_cast %add3A_421 : i32 to index
      %get3A_456 = arith.constant 48 : index
      %get3A_457 = tpu.vector_load %arg17[%get3A_455, %get3A_456] {strides = array<i32>} : memref<256x64xf32, #tpu.memory_space<vmem>>, vector<1x16xf32>,
      %get3A_458 = vector.shape_cast %get3A_457 : vector<1x16xf32> to vector<16xf32>
      %mul3A_459 = arith.mulf %get3A_454, %get3A_458 : vector<16xf32>
      %add3A_460 = arith.addf %add3A_450, %mul3A_459 : vector<16xf32>
      %swap3A_461 = arith.constant 72 : index
      %swap3A_462 = tpu.vector_load %arg18[%swap3A_461] {strides = array<i32>} : memref<1024xf32, #tpu.memory_space<vmem>>, vector<16xf32>,
      %swap3A_463 = vector.shape_cast %swap3A_462 : vector<16xf32> to vector<16xf32>
      %swap3A_464 = vector.shape_cast %add3A_460 : vector<16xf32> to vector<16xf32>
      tpu.vector_store %arg18[%swap3A_461], %swap3A_464 {strides = array<i32>} : memref<1024xf32, #tpu.memory_space<vmem>>, vector<16xf32>,
      %add3A_465 = arith.constant 12 : i32
      %add3A_466 = arith.addi %multiple_of3A_330, %add3A_465 : i32
      %get3A_467 = arith.index_cast %add3A_466 : i32 to index
      %get3A_468 = arith.constant 0 : index
      %get3A_469 = tpu.vector_load %arg16[%get3A_467, %get3A_468] {strides = array<i32>} : memref<256x64xf32, #tpu.memory_space<vmem>>, vector<1x16xf32>,
      %get3A_470 = vector.shape_cast %get3A_469 : vector<1x16xf32> to vector<16xf32>
      %get3A_471 = arith.index_cast %add3A_466 : i32 to index
      %get3A_472 = arith.constant 0 : index
      %get3A_473 = tpu.vector_load %arg17[%get3A_471, %get3A_472] {strides = array<i32>} : memref<256x64xf32, #tpu.memory_space<vmem>>, vector<1x16xf32>,
      %get3A_474 = vector.shape_cast %get3A_473 : vector<1x16xf32> to vector<16xf32>
      %mul3A_475 = arith.mulf %get3A_470, %get3A_474 : vector<16xf32>
      %get3A_476 = arith.index_cast %add3A_466 : i32 to index
      %get3A_477 = arith.constant 16 : index
      %get3A_478 = tpu.vector_load %arg16[%get3A_476, %get3A_477] {strides = array<i32>} : memref<256x64xf32, #tpu.memory_space<vmem>>, vector<1x16xf32>,
      %get3A_479 = vector.shape_cast %get3A_478 : vector<1x16xf32> to vector<16xf32>
      %get3A_480 = arith.index_cast %add3A_466 : i32 to index
      %get3A_481 = arith.constant 16 : index
      %get3A_482 = tpu.vector_load %arg17[%get3A_480, %get3A_481] {strides = array<i32>} : memref<256x64xf32, #tpu.memory_space<vmem>>, vector<1x16xf32>,
      %get3A_483 = vector.shape_cast %get3A_482 : vector<1x16xf32> to vector<16xf32>
      %mul3A_484 = arith.mulf %get3A_479, %get3A_483 : vector<16xf32>
      %add3A_485 = arith.addf %mul3A_475, %mul3A_484 : vector<16xf32>
      %get3A_486 = arith.index_cast %add3A_466 : i32 to index
      %get3A_487 = arith.constant 32 : index
      %get3A_488 = tpu.vector_load %arg16[%get3A_486, %get3A_487] {strides = array<i32>} : memref<256x64xf32, #tpu.memory_space<vmem>>, vector<1x16xf32>,
      %get3A_489 = vector.shape_cast %get3A_488 : vector<1x16xf32> to vector<16xf32>
      %get3A_490 = arith.index_cast %add3A_466 : i32 to index
      %get3A_491 = arith.constant 32 : index
      %get3A_492 = tpu.vector_load %arg17[%get3A_490, %get3A_491] {strides = array<i32>} : memref<256x64xf32, #tpu.memory_space<vmem>>, vector<1x16xf32>,
      %get3A_493 = vector.shape_cast %get3A_492 : vector<1x16xf32> to vector<16xf32>
      %mul3A_494 = arith.mulf %get3A_489, %get3A_493 : vector<16xf32>
      %add3A_495 = arith.addf %add3A_485, %mul3A_494 : vector<16xf32>
      %get3A_496 = arith.index_cast %add3A_466 : i32 to index
      %get3A_497 = arith.constant 48 : index
      %get3A_498 = tpu.vector_load %arg16[%get3A_496, %get3A_497] {strides = array<i32>} : memref<256x64xf32, #tpu.memory_space<vmem>>, vector<1x16xf32>,
      %get3A_499 = vector.shape_cast %get3A_498 : vector<1x16xf32> to vector<16xf32>
      %get3A_500 = arith.index_cast %add3A_466 : i32 to index
      %get3A_501 = arith.constant 48 : index
      %get3A_502 = tpu.vector_load %arg17[%get3A_500, %get3A_501] {strides = array<i32>} : memref<256x64xf32, #tpu.memory_space<vmem>>, vector<1x16xf32>,
      %get3A_503 = vector.shape_cast %get3A_502 : vector<1x16xf32> to vector<16xf32>
      %mul3A_504 = arith.mulf %get3A_499, %get3A_503 : vector<16xf32>
      %add3A_505 = arith.addf %add3A_495, %mul3A_504 : vector<16xf32>
      %swap3A_506 = arith.constant 104 : index
      %swap3A_507 = tpu.vector_load %arg18[%swap3A_506] {strides = array<i32>} : memref<1024xf32, #tpu.memory_space<vmem>>, vector<16xf32>,
      %swap3A_508 = vector.shape_cast %swap3A_507 : vector<16xf32> to vector<16xf32>
      %swap3A_509 = vector.shape_cast %add3A_505 : vector<16xf32> to vector<16xf32>
      tpu.vector_store %arg18[%swap3A_506], %swap3A_509 {strides = array<i32>} : memref<1024xf32, #tpu.memory_space<vmem>>, vector<16xf32>,
      %add3A_510 = arith.constant 2 : i32
      %add3A_511 = arith.addi %multiple_of3A_330, %add3A_510 : i32
      %get3A_512 = arith.index_cast %add3A_511 : i32 to index
      %get3A_513 = arith.constant 0 : index
      %get3A_514 = tpu.vector_load %arg16[%get3A_512, %get3A_513] {strides = array<i32>} : memref<256x64xf32, #tpu.memory_space<vmem>>, vector<1x16xf32>,
      %get3A_515 = vector.shape_cast %get3A_514 : vector<1x16xf32> to vector<16xf32>
      %get3A_516 = arith.index_cast %add3A_511 : i32 to index
      %get3A_517 = arith.constant 0 : index
      %get3A_518 = tpu.vector_load %arg17[%get3A_516, %get3A_517] {strides = array<i32>} : memref<256x64xf32, #tpu.memory_space<vmem>>, vector<1x16xf32>,
      %get3A_519 = vector.shape_cast %get3A_518 : vector<1x16xf32> to vector<16xf32>
      %mul3A_520 = arith.mulf %get3A_515, %get3A_519 : vector<16xf32>
      %get3A_521 = arith.index_cast %add3A_511 : i32 to index
      %get3A_522 = arith.constant 16 : index
      %get3A_523 = tpu.vector_load %arg16[%get3A_521, %get3A_522] {strides = array<i32>} : memref<256x64xf32, #tpu.memory_space<vmem>>, vector<1x16xf32>,
      %get3A_524 = vector.shape_cast %get3A_523 : vector<1x16xf32> to vector<16xf32>
      %get3A_525 = arith.index_cast %add3A_511 : i32 to index
      %get3A_526 = arith.constant 16 : index
      %get3A_527 = tpu.vector_load %arg17[%get3A_525, %get3A_526] {strides = array<i32>} : memref<256x64xf32, #tpu.memory_space<vmem>>, vector<1x16xf32>,
      %get3A_528 = vector.shape_cast %get3A_527 : vector<1x16xf32> to vector<16xf32>
      %mul3A_529 = arith.mulf %get3A_524, %get3A_528 : vector<16xf32>
      %add3A_530 = arith.addf %mul3A_520, %mul3A_529 : vector<16xf32>
      %get3A_531 = arith.index_cast %add3A_511 : i32 to index
      %get3A_532 = arith.constant 32 : index
      %get3A_533 = tpu.vector_load %arg16[%get3A_531, %get3A_532] {strides = array<i32>} : memref<256x64xf32, #tpu.memory_space<vmem>>, vector<1x16xf32>,
      %get3A_534 = vector.shape_cast %get3A_533 : vector<1x16xf32> to vector<16xf32>
      %get3A_535 = arith.index_cast %add3A_511 : i32 to index
      %get3A_536 = arith.constant 32 : index
      %get3A_537 = tpu.vector_load %arg17[%get3A_535, %get3A_536] {strides = array<i32>} : memref<256x64xf32, #tpu.memory_space<vmem>>, vector<1x16xf32>,
      %get3A_538 = vector.shape_cast %get3A_537 : vector<1x16xf32> to vector<16xf32>
      %mul3A_539 = arith.mulf %get3A_534, %get3A_538 : vector<16xf32>
      %add3A_540 = arith.addf %add3A_530, %mul3A_539 : vector<16xf32>
      %get3A_541 = arith.index_cast %add3A_511 : i32 to index
      %get3A_542 = arith.constant 48 : index
      %get3A_543 = tpu.vector_load %arg16[%get3A_541, %get3A_542] {strides = array<i32>} : memref<256x64xf32, #tpu.memory_space<vmem>>, vector<1x16xf32>,
      %get3A_544 = vector.shape_cast %get3A_543 : vector<1x16xf32> to vector<16xf32>
      %get3A_545 = arith.index_cast %add3A_511 : i32 to index
      %get3A_546 = arith.constant 48 : index
      %get3A_547 = tpu.vector_load %arg17[%get3A_545, %get3A_546] {strides = array<i32>} : memref<256x64xf32, #tpu.memory_space<vmem>>, vector<1x16xf32>,
      %get3A_548 = vector.shape_cast %get3A_547 : vector<1x16xf32> to vector<16xf32>
      %mul3A_549 = arith.mulf %get3A_544, %get3A_548 : vector<16xf32>
      %add3A_550 = arith.addf %add3A_540, %mul3A_549 : vector<16xf32>
      %swap3A_551 = arith.constant 136 : index
      %swap3A_552 = tpu.vector_load %arg18[%swap3A_551] {strides = array<i32>} : memref<1024xf32, #tpu.memory_space<vmem>>, vector<16xf32>,
      %swap3A_553 = vector.shape_cast %swap3A_552 : vector<16xf32> to vector<16xf32>
      %swap3A_554 = vector.shape_cast %add3A_550 : vector<16xf32> to vector<16xf32>
      tpu.vector_store %arg18[%swap3A_551], %swap3A_554 {strides = array<i32>} : memref<1024xf32, #tpu.memory_space<vmem>>, vector<16xf32>,
      %add3A_555 = arith.constant 10 : i32
      %add3A_556 = arith.addi %multiple_of3A_330, %add3A_555 : i32
      %get3A_557 = arith.index_cast %add3A_556 : i32 to index
      %get3A_558 = arith.constant 0 : index
      %get3A_559 = tpu.vector_load %arg16[%get3A_557, %get3A_558] {strides = array<i32>} : memref<256x64xf32, #tpu.memory_space<vmem>>, vector<1x16xf32>,
      %get3A_560 = vector.shape_cast %get3A_559 : vector<1x16xf32> to vector<16xf32>
      %get3A_561 = arith.index_cast %add3A_556 : i32 to index
      %get3A_562 = arith.constant 0 : index
      %get3A_563 = tpu.vector_load %arg17[%get3A_561, %get3A_562] {strides = array<i32>} : memref<256x64xf32, #tpu.memory_space<vmem>>, vector<1x16xf32>,
      %get3A_564 = vector.shape_cast %get3A_563 : vector<1x16xf32> to vector<16xf32>
      %mul3A_565 = arith.mulf %get3A_560, %get3A_564 : vector<16xf32>
      %get3A_566 = arith.index_cast %add3A_556 : i32 to index
      %get3A_567 = arith.constant 16 : index
      %get3A_568 = tpu.vector_load %arg16[%get3A_566, %get3A_567] {strides = array<i32>} : memref<256x64xf32, #tpu.memory_space<vmem>>, vector<1x16xf32>,
      %get3A_569 = vector.shape_cast %get3A_568 : vector<1x16xf32> to vector<16xf32>
      %get3A_570 = arith.index_cast %add3A_556 : i32 to index
      %get3A_571 = arith.constant 16 : index
      %get3A_572 = tpu.vector_load %arg17[%get3A_570, %get3A_571] {strides = array<i32>} : memref<256x64xf32, #tpu.memory_space<vmem>>, vector<1x16xf32>,
      %get3A_573 = vector.shape_cast %get3A_572 : vector<1x16xf32> to vector<16xf32>
      %mul3A_574 = arith.mulf %get3A_569, %get3A_573 : vector<16xf32>
      %add3A_575 = arith.addf %mul3A_565, %mul3A_574 : vector<16xf32>
      %get3A_576 = arith.index_cast %add3A_556 : i32 to index
      %get3A_577 = arith.constant 32 : index
      %get3A_578 = tpu.vector_load %arg16[%get3A_576, %get3A_577] {strides = array<i32>} : memref<256x64xf32, #tpu.memory_space<vmem>>, vector<1x16xf32>,
      %get3A_579 = vector.shape_cast %get3A_578 : vector<1x16xf32> to vector<16xf32>
      %get3A_580 = arith.index_cast %add3A_556 : i32 to index
      %get3A_581 = arith.constant 32 : index
      %get3A_582 = tpu.vector_load %arg17[%get3A_580, %get3A_581] {strides = array<i32>} : memref<256x64xf32, #tpu.memory_space<vmem>>, vector<1x16xf32>,
      %get3A_583 = vector.shape_cast %get3A_582 : vector<1x16xf32> to vector<16xf32>
      %mul3A_584 = arith.mulf %get3A_579, %get3A_583 : vector<16xf32>
      %add3A_585 = arith.addf %add3A_575, %mul3A_584 : vector<16xf32>
      %get3A_586 = arith.index_cast %add3A_556 : i32 to index
      %get3A_587 = arith.constant 48 : index
      %get3A_588 = tpu.vector_load %arg16[%get3A_586, %get3A_587] {strides = array<i32>} : memref<256x64xf32, #tpu.memory_space<vmem>>, vector<1x16xf32>,
      %get3A_589 = vector.shape_cast %get3A_588 : vector<1x16xf32> to vector<16xf32>
      %get3A_590 = arith.index_cast %add3A_556 : i32 to index
      %get3A_591 = arith.constant 48 : index
      %get3A_592 = tpu.vector_load %arg17[%get3A_590, %get3A_591] {strides = array<i32>} : memref<256x64xf32, #tpu.memory_space<vmem>>, vector<1x16xf32>,
      %get3A_593 = vector.shape_cast %get3A_592 : vector<1x16xf32> to vector<16xf32>
      %mul3A_594 = arith.mulf %get3A_589, %get3A_593 : vector<16xf32>
      %add3A_595 = arith.addf %add3A_585, %mul3A_594 : vector<16xf32>
      %swap3A_596 = arith.constant 168 : index
      %swap3A_597 = tpu.vector_load %arg18[%swap3A_596] {strides = array<i32>} : memref<1024xf32, #tpu.memory_space<vmem>>, vector<16xf32>,
      %swap3A_598 = vector.shape_cast %swap3A_597 : vector<16xf32> to vector<16xf32>
      %swap3A_599 = vector.shape_cast %add3A_595 : vector<16xf32> to vector<16xf32>
      tpu.vector_store %arg18[%swap3A_596], %swap3A_599 {strides = array<i32>} : memref<1024xf32, #tpu.memory_space<vmem>>, vector<16xf32>,
      %add3A_600 = arith.constant 6 : i32
      %add3A_601 = arith.addi %multiple_of3A_330, %add3A_600 : i32
      %get3A_602 = arith.index_cast %add3A_601 : i32 to index
      %get3A_603 = arith.constant 0 : index
      %get3A_604 = tpu.vector_load %arg16[%get3A_602, %get3A_603] {strides = array<i32>} : memref<256x64xf32, #tpu.memory_space<vmem>>, vector<1x16xf32>,
      %get3A_605 = vector.shape_cast %get3A_604 : vector<1x16xf32> to vector<16xf32>
      %get3A_606 = arith.index_cast %add3A_601 : i32 to index
      %get3A_607 = arith.constant 0 : index
      %get3A_608 = tpu.vector_load %arg17[%get3A_606, %get3A_607] {strides = array<i32>} : memref<256x64xf32, #tpu.memory_space<vmem>>, vector<1x16xf32>,
      %get3A_609 = vector.shape_cast %get3A_608 : vector<1x16xf32> to vector<16xf32>
      %mul3A_610 = arith.mulf %get3A_605, %get3A_609 : vector<16xf32>
      %get3A_611 = arith.index_cast %add3A_601 : i32 to index
      %get3A_612 = arith.constant 16 : index
      %get3A_613 = tpu.vector_load %arg16[%get3A_611, %get3A_612] {strides = array<i32>} : memref<256x64xf32, #tpu.memory_space<vmem>>, vector<1x16xf32>,
      %get3A_614 = vector.shape_cast %get3A_613 : vector<1x16xf32> to vector<16xf32>
      %get3A_615 = arith.index_cast %add3A_601 : i32 to index
      %get3A_616 = arith.constant 16 : index
      %get3A_617 = tpu.vector_load %arg17[%get3A_615, %get3A_616] {strides = array<i32>} : memref<256x64xf32, #tpu.memory_space<vmem>>, vector<1x16xf32>,
      %get3A_618 = vector.shape_cast %get3A_617 : vector<1x16xf32> to vector<16xf32>
      %mul3A_619 = arith.mulf %get3A_614, %get3A_618 : vector<16xf32>
      %add3A_620 = arith.addf %mul3A_610, %mul3A_619 : vector<16xf32>
      %get3A_621 = arith.index_cast %add3A_601 : i32 to index
      %get3A_622 = arith.constant 32 : index
      %get3A_623 = tpu.vector_load %arg16[%get3A_621, %get3A_622] {strides = array<i32>} : memref<256x64xf32, #tpu.memory_space<vmem>>, vector<1x16xf32>,
      %get3A_624 = vector.shape_cast %get3A_623 : vector<1x16xf32> to vector<16xf32>
      %get3A_625 = arith.index_cast %add3A_601 : i32 to index
      %get3A_626 = arith.constant 32 : index
      %get3A_627 = tpu.vector_load %arg17[%get3A_625, %get3A_626] {strides = array<i32>} : memref<256x64xf32, #tpu.memory_space<vmem>>, vector<1x16xf32>,
      %get3A_628 = vector.shape_cast %get3A_627 : vector<1x16xf32> to vector<16xf32>
      %mul3A_629 = arith.mulf %get3A_624, %get3A_628 : vector<16xf32>
      %add3A_630 = arith.addf %add3A_620, %mul3A_629 : vector<16xf32>
      %get3A_631 = arith.index_cast %add3A_601 : i32 to index
      %get3A_632 = arith.constant 48 : index
      %get3A_633 = tpu.vector_load %arg16[%get3A_631, %get3A_632] {strides = array<i32>} : memref<256x64xf32, #tpu.memory_space<vmem>>, vector<1x16xf32>,
      %get3A_634 = vector.shape_cast %get3A_633 : vector<1x16xf32> to vector<16xf32>
      %get3A_635 = arith.index_cast %add3A_601 : i32 to index
      %get3A_636 = arith.constant 48 : index
      %get3A_637 = tpu.vector_load %arg17[%get3A_635, %get3A_636] {strides = array<i32>} : memref<256x64xf32, #tpu.memory_space<vmem>>, vector<1x16xf32>,
      %get3A_638 = vector.shape_cast %get3A_637 : vector<1x16xf32> to vector<16xf32>
      %mul3A_639 = arith.mulf %get3A_634, %get3A_638 : vector<16xf32>
      %add3A_640 = arith.addf %add3A_630, %mul3A_639 : vector<16xf32>
      %swap3A_641 = arith.constant 200 : index
      %swap3A_642 = tpu.vector_load %arg18[%swap3A_641] {strides = array<i32>} : memref<1024xf32, #tpu.memory_space<vmem>>, vector<16xf32>,
      %swap3A_643 = vector.shape_cast %swap3A_642 : vector<16xf32> to vector<16xf32>
      %swap3A_644 = vector.shape_cast %add3A_640 : vector<16xf32> to vector<16xf32>
      tpu.vector_store %arg18[%swap3A_641], %swap3A_644 {strides = array<i32>} : memref<1024xf32, #tpu.memory_space<vmem>>, vector<16xf32>,
      %add3A_645 = arith.constant 14 : i32
      %add3A_646 = arith.addi %multiple_of3A_330, %add3A_645 : i32
      %get3A_647 = arith.index_cast %add3A_646 : i32 to index
      %get3A_648 = arith.constant 0 : index
      %get3A_649 = tpu.vector_load %arg16[%get3A_647, %get3A_648] {strides = array<i32>} : memref<256x64xf32, #tpu.memory_space<vmem>>, vector<1x16xf32>,
      %get3A_650 = vector.shape_cast %get3A_649 : vector<1x16xf32> to vector<16xf32>
      %get3A_651 = arith.index_cast %add3A_646 : i32 to index
      %get3A_652 = arith.constant 0 : index
      %get3A_653 = tpu.vector_load %arg17[%get3A_651, %get3A_652] {strides = array<i32>} : memref<256x64xf32, #tpu.memory_space<vmem>>, vector<1x16xf32>,
      %get3A_654 = vector.shape_cast %get3A_653 : vector<1x16xf32> to vector<16xf32>
      %mul3A_655 = arith.mulf %get3A_650, %get3A_654 : vector<16xf32>
      %get3A_656 = arith.index_cast %add3A_646 : i32 to index
      %get3A_657 = arith.constant 16 : index
      %get3A_658 = tpu.vector_load %arg16[%get3A_656, %get3A_657] {strides = array<i32>} : memref<256x64xf32, #tpu.memory_space<vmem>>, vector<1x16xf32>,
      %get3A_659 = vector.shape_cast %get3A_658 : vector<1x16xf32> to vector<16xf32>
      %get3A_660 = arith.index_cast %add3A_646 : i32 to index
      %get3A_661 = arith.constant 16 : index
      %get3A_662 = tpu.vector_load %arg17[%get3A_660, %get3A_661] {strides = array<i32>} : memref<256x64xf32, #tpu.memory_space<vmem>>, vector<1x16xf32>,
      %get3A_663 = vector.shape_cast %get3A_662 : vector<1x16xf32> to vector<16xf32>
      %mul3A_664 = arith.mulf %get3A_659, %get3A_663 : vector<16xf32>
      %add3A_665 = arith.addf %mul3A_655, %mul3A_664 : vector<16xf32>
      %get3A_666 = arith.index_cast %add3A_646 : i32 to index
      %get3A_667 = arith.constant 32 : index
      %get3A_668 = tpu.vector_load %arg16[%get3A_666, %get3A_667] {strides = array<i32>} : memref<256x64xf32, #tpu.memory_space<vmem>>, vector<1x16xf32>,
      %get3A_669 = vector.shape_cast %get3A_668 : vector<1x16xf32> to vector<16xf32>
      %get3A_670 = arith.index_cast %add3A_646 : i32 to index
      %get3A_671 = arith.constant 32 : index
      %get3A_672 = tpu.vector_load %arg17[%get3A_670, %get3A_671] {strides = array<i32>} : memref<256x64xf32, #tpu.memory_space<vmem>>, vector<1x16xf32>,
      %get3A_673 = vector.shape_cast %get3A_672 : vector<1x16xf32> to vector<16xf32>
      %mul3A_674 = arith.mulf %get3A_669, %get3A_673 : vector<16xf32>
      %add3A_675 = arith.addf %add3A_665, %mul3A_674 : vector<16xf32>
      %get3A_676 = arith.index_cast %add3A_646 : i32 to index
      %get3A_677 = arith.constant 48 : index
      %get3A_678 = tpu.vector_load %arg16[%get3A_676, %get3A_677] {strides = array<i32>} : memref<256x64xf32, #tpu.memory_space<vmem>>, vector<1x16xf32>,
      %get3A_679 = vector.shape_cast %get3A_678 : vector<1x16xf32> to vector<16xf32>
      %get3A_680 = arith.index_cast %add3A_646 : i32 to index
      %get3A_681 = arith.constant 48 : index
      %get3A_682 = tpu.vector_load %arg17[%get3A_680, %get3A_681] {strides = array<i32>} : memref<256x64xf32, #tpu.memory_space<vmem>>, vector<1x16xf32>,
      %get3A_683 = vector.shape_cast %get3A_682 : vector<1x16xf32> to vector<16xf32>
      %mul3A_684 = arith.mulf %get3A_679, %get3A_683 : vector<16xf32>
      %add3A_685 = arith.addf %add3A_675, %mul3A_684 : vector<16xf32>
      %swap3A_686 = arith.constant 232 : index
      %swap3A_687 = tpu.vector_load %arg18[%swap3A_686] {strides = array<i32>} : memref<1024xf32, #tpu.memory_space<vmem>>, vector<16xf32>,
      %swap3A_688 = vector.shape_cast %swap3A_687 : vector<16xf32> to vector<16xf32>
      %swap3A_689 = vector.shape_cast %add3A_685 : vector<16xf32> to vector<16xf32>
      tpu.vector_store %arg18[%swap3A_686], %swap3A_689 {strides = array<i32>} : memref<1024xf32, #tpu.memory_space<vmem>>, vector<16xf32>,
      %add3A_690 = arith.constant 1 : i32
      %add3A_691 = arith.addi %multiple_of3A_330, %add3A_690 : i32
      %get3A_692 = arith.index_cast %add3A_691 : i32 to index
      %get3A_693 = arith.constant 0 : index
      %get3A_694 = tpu.vector_load %arg16[%get3A_692, %get3A_693] {strides = array<i32>} : memref<256x64xf32, #tpu.memory_space<vmem>>, vector<1x16xf32>,
      %get3A_695 = vector.shape_cast %get3A_694 : vector<1x16xf32> to vector<16xf32>
      %get3A_696 = arith.index_cast %add3A_691 : i32 to index
      %get3A_697 = arith.constant 0 : index
      %get3A_698 = tpu.vector_load %arg17[%get3A_696, %get3A_697] {strides = array<i32>} : memref<256x64xf32, #tpu.memory_space<vmem>>, vector<1x16xf32>,
      %get3A_699 = vector.shape_cast %get3A_698 : vector<1x16xf32> to vector<16xf32>
      %mul3A_700 = arith.mulf %get3A_695, %get3A_699 : vector<16xf32>
      %get3A_701 = arith.index_cast %add3A_691 : i32 to index
      %get3A_702 = arith.constant 16 : index
      %get3A_703 = tpu.vector_load %arg16[%get3A_701, %get3A_702] {strides = array<i32>} : memref<256x64xf32, #tpu.memory_space<vmem>>, vector<1x16xf32>,
      %get3A_704 = vector.shape_cast %get3A_703 : vector<1x16xf32> to vector<16xf32>
      %get3A_705 = arith.index_cast %add3A_691 : i32 to index
      %get3A_706 = arith.constant 16 : index
      %get3A_707 = tpu.vector_load %arg17[%get3A_705, %get3A_706] {strides = array<i32>} : memref<256x64xf32, #tpu.memory_space<vmem>>, vector<1x16xf32>,
      %get3A_708 = vector.shape_cast %get3A_707 : vector<1x16xf32> to vector<16xf32>
      %mul3A_709 = arith.mulf %get3A_704, %get3A_708 : vector<16xf32>
      %add3A_710 = arith.addf %mul3A_700, %mul3A_709 : vector<16xf32>
      %get3A_711 = arith.index_cast %add3A_691 : i32 to index
      %get3A_712 = arith.constant 32 : index
      %get3A_713 = tpu.vector_load %arg16[%get3A_711, %get3A_712] {strides = array<i32>} : memref<256x64xf32, #tpu.memory_space<vmem>>, vector<1x16xf32>,
      %get3A_714 = vector.shape_cast %get3A_713 : vector<1x16xf32> to vector<16xf32>
      %get3A_715 = arith.index_cast %add3A_691 : i32 to index
      %get3A_716 = arith.constant 32 : index
      %get3A_717 = tpu.vector_load %arg17[%get3A_715, %get3A_716] {strides = array<i32>} : memref<256x64xf32, #tpu.memory_space<vmem>>, vector<1x16xf32>,
      %get3A_718 = vector.shape_cast %get3A_717 : vector<1x16xf32> to vector<16xf32>
      %mul3A_719 = arith.mulf %get3A_714, %get3A_718 : vector<16xf32>
      %add3A_720 = arith.addf %add3A_710, %mul3A_719 : vector<16xf32>
      %get3A_721 = arith.index_cast %add3A_691 : i32 to index
      %get3A_722 = arith.constant 48 : index
      %get3A_723 = tpu.vector_load %arg16[%get3A_721, %get3A_722] {strides = array<i32>} : memref<256x64xf32, #tpu.memory_space<vmem>>, vector<1x16xf32>,
      %get3A_724 = vector.shape_cast %get3A_723 : vector<1x16xf32> to vector<16xf32>
      %get3A_725 = arith.index_cast %add3A_691 : i32 to index
      %get3A_726 = arith.constant 48 : index
      %get3A_727 = tpu.vector_load %arg17[%get3A_725, %get3A_726] {strides = array<i32>} : memref<256x64xf32, #tpu.memory_space<vmem>>, vector<1x16xf32>,
      %get3A_728 = vector.shape_cast %get3A_727 : vector<1x16xf32> to vector<16xf32>
      %mul3A_729 = arith.mulf %get3A_724, %get3A_728 : vector<16xf32>
      %add3A_730 = arith.addf %add3A_720, %mul3A_729 : vector<16xf32>
      %swap3A_731 = arith.constant 264 : index
      %swap3A_732 = tpu.vector_load %arg18[%swap3A_731] {strides = array<i32>} : memref<1024xf32, #tpu.memory_space<vmem>>, vector<16xf32>,
      %swap3A_733 = vector.shape_cast %swap3A_732 : vector<16xf32> to vector<16xf32>
      %swap3A_734 = vector.shape_cast %add3A_730 : vector<16xf32> to vector<16xf32>
      tpu.vector_store %arg18[%swap3A_731], %swap3A_734 {strides = array<i32>} : memref<1024xf32, #tpu.memory_space<vmem>>, vector<16xf32>,
      %add3A_735 = arith.constant 9 : i32
      %add3A_736 = arith.addi %multiple_of3A_330, %add3A_735 : i32
      %get3A_737 = arith.index_cast %add3A_736 : i32 to index
      %get3A_738 = arith.constant 0 : index
      %get3A_739 = tpu.vector_load %arg16[%get3A_737, %get3A_738] {strides = array<i32>} : memref<256x64xf32, #tpu.memory_space<vmem>>, vector<1x16xf32>,
      %get3A_740 = vector.shape_cast %get3A_739 : vector<1x16xf32> to vector<16xf32>
      %get3A_741 = arith.index_cast %add3A_736 : i32 to index
      %get3A_742 = arith.constant 0 : index
      %get3A_743 = tpu.vector_load %arg17[%get3A_741, %get3A_742] {strides = array<i32>} : memref<256x64xf32, #tpu.memory_space<vmem>>, vector<1x16xf32>,
      %get3A_744 = vector.shape_cast %get3A_743 : vector<1x16xf32> to vector<16xf32>
      %mul3A_745 = arith.mulf %get3A_740, %get3A_744 : vector<16xf32>
      %get3A_746 = arith.index_cast %add3A_736 : i32 to index
      %get3A_747 = arith.constant 16 : index
      %get3A_748 = tpu.vector_load %arg16[%get3A_746, %get3A_747] {strides = array<i32>} : memref<256x64xf32, #tpu.memory_space<vmem>>, vector<1x16xf32>,
      %get3A_749 = vector.shape_cast %get3A_748 : vector<1x16xf32> to vector<16xf32>
      %get3A_750 = arith.index_cast %add3A_736 : i32 to index
      %get3A_751 = arith.constant 16 : index
      %get3A_752 = tpu.vector_load %arg17[%get3A_750, %get3A_751] {strides = array<i32>} : memref<256x64xf32, #tpu.memory_space<vmem>>, vector<1x16xf32>,
      %get3A_753 = vector.shape_cast %get3A_752 : vector<1x16xf32> to vector<16xf32>
      %mul3A_754 = arith.mulf %get3A_749, %get3A_753 : vector<16xf32>
      %add3A_755 = arith.addf %mul3A_745, %mul3A_754 : vector<16xf32>
      %get3A_756 = arith.index_cast %add3A_736 : i32 to index
      %get3A_757 = arith.constant 32 : index
      %get3A_758 = tpu.vector_load %arg16[%get3A_756, %get3A_757] {strides = array<i32>} : memref<256x64xf32, #tpu.memory_space<vmem>>, vector<1x16xf32>,
      %get3A_759 = vector.shape_cast %get3A_758 : vector<1x16xf32> to vector<16xf32>
      %get3A_760 = arith.index_cast %add3A_736 : i32 to index
      %get3A_761 = arith.constant 32 : index
      %get3A_762 = tpu.vector_load %arg17[%get3A_760, %get3A_761] {strides = array<i32>} : memref<256x64xf32, #tpu.memory_space<vmem>>, vector<1x16xf32>,
      %get3A_763 = vector.shape_cast %get3A_762 : vector<1x16xf32> to vector<16xf32>
      %mul3A_764 = arith.mulf %get3A_759, %get3A_763 : vector<16xf32>
      %add3A_765 = arith.addf %add3A_755, %mul3A_764 : vector<16xf32>
      %get3A_766 = arith.index_cast %add3A_736 : i32 to index
      %get3A_767 = arith.constant 48 : index
      %get3A_768 = tpu.vector_load %arg16[%get3A_766, %get3A_767] {strides = array<i32>} : memref<256x64xf32, #tpu.memory_space<vmem>>, vector<1x16xf32>,
      %get3A_769 = vector.shape_cast %get3A_768 : vector<1x16xf32> to vector<16xf32>
      %get3A_770 = arith.index_cast %add3A_736 : i32 to index
      %get3A_771 = arith.constant 48 : index
      %get3A_772 = tpu.vector_load %arg17[%get3A_770, %get3A_771] {strides = array<i32>} : memref<256x64xf32, #tpu.memory_space<vmem>>, vector<1x16xf32>,
      %get3A_773 = vector.shape_cast %get3A_772 : vector<1x16xf32> to vector<16xf32>
      %mul3A_774 = arith.mulf %get3A_769, %get3A_773 : vector<16xf32>
      %add3A_775 = arith.addf %add3A_765, %mul3A_774 : vector<16xf32>
      %swap3A_776 = arith.constant 296 : index
      %swap3A_777 = tpu.vector_load %arg18[%swap3A_776] {strides = array<i32>} : memref<1024xf32, #tpu.memory_space<vmem>>, vector<16xf32>,
      %swap3A_778 = vector.shape_cast %swap3A_777 : vector<16xf32> to vector<16xf32>
      %swap3A_779 = vector.shape_cast %add3A_775 : vector<16xf32> to vector<16xf32>
      tpu.vector_store %arg18[%swap3A_776], %swap3A_779 {strides = array<i32>} : memref<1024xf32, #tpu.memory_space<vmem>>, vector<16xf32>,
      %add3A_780 = arith.constant 5 : i32
      %add3A_781 = arith.addi %multiple_of3A_330, %add3A_780 : i32
      %get3A_782 = arith.index_cast %add3A_781 : i32 to index
      %get3A_783 = arith.constant 0 : index
      %get3A_784 = tpu.vector_load %arg16[%get3A_782, %get3A_783] {strides = array<i32>} : memref<256x64xf32, #tpu.memory_space<vmem>>, vector<1x16xf32>,
      %get3A_785 = vector.shape_cast %get3A_784 : vector<1x16xf32> to vector<16xf32>
      %get3A_786 = arith.index_cast %add3A_781 : i32 to index
      %get3A_787 = arith.constant 0 : index
      %get3A_788 = tpu.vector_load %arg17[%get3A_786, %get3A_787] {strides = array<i32>} : memref<256x64xf32, #tpu.memory_space<vmem>>, vector<1x16xf32>,
      %get3A_789 = vector.shape_cast %get3A_788 : vector<1x16xf32> to vector<16xf32>
      %mul3A_790 = arith.mulf %get3A_785, %get3A_789 : vector<16xf32>
      %get3A_791 = arith.index_cast %add3A_781 : i32 to index
      %get3A_792 = arith.constant 16 : index
      %get3A_793 = tpu.vector_load %arg16[%get3A_791, %get3A_792] {strides = array<i32>} : memref<256x64xf32, #tpu.memory_space<vmem>>, vector<1x16xf32>,
      %get3A_794 = vector.shape_cast %get3A_793 : vector<1x16xf32> to vector<16xf32>
      %get3A_795 = arith.index_cast %add3A_781 : i32 to index
      %get3A_796 = arith.constant 16 : index
      %get3A_797 = tpu.vector_load %arg17[%get3A_795, %get3A_796] {strides = array<i32>} : memref<256x64xf32, #tpu.memory_space<vmem>>, vector<1x16xf32>,
      %get3A_798 = vector.shape_cast %get3A_797 : vector<1x16xf32> to vector<16xf32>
      %mul3A_799 = arith.mulf %get3A_794, %get3A_798 : vector<16xf32>
      %add3A_800 = arith.addf %mul3A_790, %mul3A_799 : vector<16xf32>
      %get3A_801 = arith.index_cast %add3A_781 : i32 to index
      %get3A_802 = arith.constant 32 : index
      %get3A_803 = tpu.vector_load %arg16[%get3A_801, %get3A_802] {strides = array<i32>} : memref<256x64xf32, #tpu.memory_space<vmem>>, vector<1x16xf32>,
      %get3A_804 = vector.shape_cast %get3A_803 : vector<1x16xf32> to vector<16xf32>
      %get3A_805 = arith.index_cast %add3A_781 : i32 to index
      %get3A_806 = arith.constant 32 : index
      %get3A_807 = tpu.vector_load %arg17[%get3A_805, %get3A_806] {strides = array<i32>} : memref<256x64xf32, #tpu.memory_space<vmem>>, vector<1x16xf32>,
      %get3A_808 = vector.shape_cast %get3A_807 : vector<1x16xf32> to vector<16xf32>
      %mul3A_809 = arith.mulf %get3A_804, %get3A_808 : vector<16xf32>
      %add3A_810 = arith.addf %add3A_800, %mul3A_809 : vector<16xf32>
      %get3A_811 = arith.index_cast %add3A_781 : i32 to index
      %get3A_812 = arith.constant 48 : index
      %get3A_813 = tpu.vector_load %arg16[%get3A_811, %get3A_812] {strides = array<i32>} : memref<256x64xf32, #tpu.memory_space<vmem>>, vector<1x16xf32>,
      %get3A_814 = vector.shape_cast %get3A_813 : vector<1x16xf32> to vector<16xf32>
      %get3A_815 = arith.index_cast %add3A_781 : i32 to index
      %get3A_816 = arith.constant 48 : index
      %get3A_817 = tpu.vector_load %arg17[%get3A_815, %get3A_816] {strides = array<i32>} : memref<256x64xf32, #tpu.memory_space<vmem>>, vector<1x16xf32>,
      %get3A_818 = vector.shape_cast %get3A_817 : vector<1x16xf32> to vector<16xf32>
      %mul3A_819 = arith.mulf %get3A_814, %get3A_818 : vector<16xf32>
      %add3A_820 = arith.addf %add3A_810, %mul3A_819 : vector<16xf32>
      %swap3A_821 = arith.constant 328 : index
      %swap3A_822 = tpu.vector_load %arg18[%swap3A_821] {strides = array<i32>} : memref<1024xf32, #tpu.memory_space<vmem>>, vector<16xf32>,
      %swap3A_823 = vector.shape_cast %swap3A_822 : vector<16xf32> to vector<16xf32>
      %swap3A_824 = vector.shape_cast %add3A_820 : vector<16xf32> to vector<16xf32>
      tpu.vector_store %arg18[%swap3A_821], %swap3A_824 {strides = array<i32>} : memref<1024xf32, #tpu.memory_space<vmem>>, vector<16xf32>,
      %add3A_825 = arith.constant 13 : i32
      %add3A_826 = arith.addi %multiple_of3A_330, %add3A_825 : i32
      %get3A_827 = arith.index_cast %add3A_826 : i32 to index
      %get3A_828 = arith.constant 0 : index
      %get3A_829 = tpu.vector_load %arg16[%get3A_827, %get3A_828] {strides = array<i32>} : memref<256x64xf32, #tpu.memory_space<vmem>>, vector<1x16xf32>,
      %get3A_830 = vector.shape_cast %get3A_829 : vector<1x16xf32> to vector<16xf32>
      %get3A_831 = arith.index_cast %add3A_826 : i32 to index
      %get3A_832 = arith.constant 0 : index
      %get3A_833 = tpu.vector_load %arg17[%get3A_831, %get3A_832] {strides = array<i32>} : memref<256x64xf32, #tpu.memory_space<vmem>>, vector<1x16xf32>,
      %get3A_834 = vector.shape_cast %get3A_833 : vector<1x16xf32> to vector<16xf32>
      %mul3A_835 = arith.mulf %get3A_830, %get3A_834 : vector<16xf32>
      %get3A_836 = arith.index_cast %add3A_826 : i32 to index
      %get3A_837 = arith.constant 16 : index
      %get3A_838 = tpu.vector_load %arg16[%get3A_836, %get3A_837] {strides = array<i32>} : memref<256x64xf32, #tpu.memory_space<vmem>>, vector<1x16xf32>,
      %get3A_839 = vector.shape_cast %get3A_838 : vector<1x16xf32> to vector<16xf32>
      %get3A_840 = arith.index_cast %add3A_826 : i32 to index
      %get3A_841 = arith.constant 16 : index
      %get3A_842 = tpu.vector_load %arg17[%get3A_840, %get3A_841] {strides = array<i32>} : memref<256x64xf32, #tpu.memory_space<vmem>>, vector<1x16xf32>,
      %get3A_843 = vector.shape_cast %get3A_842 : vector<1x16xf32> to vector<16xf32>
      %mul3A_844 = arith.mulf %get3A_839, %get3A_843 : vector<16xf32>
      %add3A_845 = arith.addf %mul3A_835, %mul3A_844 : vector<16xf32>
      %get3A_846 = arith.index_cast %add3A_826 : i32 to index
      %get3A_847 = arith.constant 32 : index
      %get3A_848 = tpu.vector_load %arg16[%get3A_846, %get3A_847] {strides = array<i32>} : memref<256x64xf32, #tpu.memory_space<vmem>>, vector<1x16xf32>,
      %get3A_849 = vector.shape_cast %get3A_848 : vector<1x16xf32> to vector<16xf32>
      %get3A_850 = arith.index_cast %add3A_826 : i32 to index
      %get3A_851 = arith.constant 32 : index
      %get3A_852 = tpu.vector_load %arg17[%get3A_850, %get3A_851] {strides = array<i32>} : memref<256x64xf32, #tpu.memory_space<vmem>>, vector<1x16xf32>,
      %get3A_853 = vector.shape_cast %get3A_852 : vector<1x16xf32> to vector<16xf32>
      %mul3A_854 = arith.mulf %get3A_849, %get3A_853 : vector<16xf32>
      %add3A_855 = arith.addf %add3A_845, %mul3A_854 : vector<16xf32>
      %get3A_856 = arith.index_cast %add3A_826 : i32 to index
      %get3A_857 = arith.constant 48 : index
      %get3A_858 = tpu.vector_load %arg16[%get3A_856, %get3A_857] {strides = array<i32>} : memref<256x64xf32, #tpu.memory_space<vmem>>, vector<1x16xf32>,
      %get3A_859 = vector.shape_cast %get3A_858 : vector<1x16xf32> to vector<16xf32>
      %get3A_860 = arith.index_cast %add3A_826 : i32 to index
      %get3A_861 = arith.constant 48 : index
      %get3A_862 = tpu.vector_load %arg17[%get3A_860, %get3A_861] {strides = array<i32>} : memref<256x64xf32, #tpu.memory_space<vmem>>, vector<1x16xf32>,
      %get3A_863 = vector.shape_cast %get3A_862 : vector<1x16xf32> to vector<16xf32>
      %mul3A_864 = arith.mulf %get3A_859, %get3A_863 : vector<16xf32>
      %add3A_865 = arith.addf %add3A_855, %mul3A_864 : vector<16xf32>
      %swap3A_866 = arith.constant 360 : index
      %swap3A_867 = tpu.vector_load %arg18[%swap3A_866] {strides = array<i32>} : memref<1024xf32, #tpu.memory_space<vmem>>, vector<16xf32>,
      %swap3A_868 = vector.shape_cast %swap3A_867 : vector<16xf32> to vector<16xf32>
      %swap3A_869 = vector.shape_cast %add3A_865 : vector<16xf32> to vector<16xf32>
      tpu.vector_store %arg18[%swap3A_866], %swap3A_869 {strides = array<i32>} : memref<1024xf32, #tpu.memory_space<vmem>>, vector<16xf32>,
      %add3A_870 = arith.constant 3 : i32
      %add3A_871 = arith.addi %multiple_of3A_330, %add3A_870 : i32
      %get3A_872 = arith.index_cast %add3A_871 : i32 to index
      %get3A_873 = arith.constant 0 : index
      %get3A_874 = tpu.vector_load %arg16[%get3A_872, %get3A_873] {strides = array<i32>} : memref<256x64xf32, #tpu.memory_space<vmem>>, vector<1x16xf32>,
      %get3A_875 = vector.shape_cast %get3A_874 : vector<1x16xf32> to vector<16xf32>
      %get3A_876 = arith.index_cast %add3A_871 : i32 to index
      %get3A_877 = arith.constant 0 : index
      %get3A_878 = tpu.vector_load %arg17[%get3A_876, %get3A_877] {strides = array<i32>} : memref<256x64xf32, #tpu.memory_space<vmem>>, vector<1x16xf32>,
      %get3A_879 = vector.shape_cast %get3A_878 : vector<1x16xf32> to vector<16xf32>
      %mul3A_880 = arith.mulf %get3A_875, %get3A_879 : vector<16xf32>
      %get3A_881 = arith.index_cast %add3A_871 : i32 to index
      %get3A_882 = arith.constant 16 : index
      %get3A_883 = tpu.vector_load %arg16[%get3A_881, %get3A_882] {strides = array<i32>} : memref<256x64xf32, #tpu.memory_space<vmem>>, vector<1x16xf32>,
      %get3A_884 = vector.shape_cast %get3A_883 : vector<1x16xf32> to vector<16xf32>
      %get3A_885 = arith.index_cast %add3A_871 : i32 to index
      %get3A_886 = arith.constant 16 : index
      %get3A_887 = tpu.vector_load %arg17[%get3A_885, %get3A_886] {strides = array<i32>} : memref<256x64xf32, #tpu.memory_space<vmem>>, vector<1x16xf32>,
      %get3A_888 = vector.shape_cast %get3A_887 : vector<1x16xf32> to vector<16xf32>
      %mul3A_889 = arith.mulf %get3A_884, %get3A_888 : vector<16xf32>
      %add3A_890 = arith.addf %mul3A_880, %mul3A_889 : vector<16xf32>
      %get3A_891 = arith.index_cast %add3A_871 : i32 to index
      %get3A_892 = arith.constant 32 : index
      %get3A_893 = tpu.vector_load %arg16[%get3A_891, %get3A_892] {strides = array<i32>} : memref<256x64xf32, #tpu.memory_space<vmem>>, vector<1x16xf32>,
      %get3A_894 = vector.shape_cast %get3A_893 : vector<1x16xf32> to vector<16xf32>
      %get3A_895 = arith.index_cast %add3A_871 : i32 to index
      %get3A_896 = arith.constant 32 : index
      %get3A_897 = tpu.vector_load %arg17[%get3A_895, %get3A_896] {strides = array<i32>} : memref<256x64xf32, #tpu.memory_space<vmem>>, vector<1x16xf32>,
      %get3A_898 = vector.shape_cast %get3A_897 : vector<1x16xf32> to vector<16xf32>
      %mul3A_899 = arith.mulf %get3A_894, %get3A_898 : vector<16xf32>
      %add3A_900 = arith.addf %add3A_890, %mul3A_899 : vector<16xf32>
      %get3A_901 = arith.index_cast %add3A_871 : i32 to index
      %get3A_902 = arith.constant 48 : index
      %get3A_903 = tpu.vector_load %arg16[%get3A_901, %get3A_902] {strides = array<i32>} : memref<256x64xf32, #tpu.memory_space<vmem>>, vector<1x16xf32>,
      %get3A_904 = vector.shape_cast %get3A_903 : vector<1x16xf32> to vector<16xf32>
      %get3A_905 = arith.index_cast %add3A_871 : i32 to index
      %get3A_906 = arith.constant 48 : index
      %get3A_907 = tpu.vector_load %arg17[%get3A_905, %get3A_906] {strides = array<i32>} : memref<256x64xf32, #tpu.memory_space<vmem>>, vector<1x16xf32>,
      %get3A_908 = vector.shape_cast %get3A_907 : vector<1x16xf32> to vector<16xf32>
      %mul3A_909 = arith.mulf %get3A_904, %get3A_908 : vector<16xf32>
      %add3A_910 = arith.addf %add3A_900, %mul3A_909 : vector<16xf32>
      %swap3A_911 = arith.constant 392 : index
      %swap3A_912 = tpu.vector_load %arg18[%swap3A_911] {strides = array<i32>} : memref<1024xf32, #tpu.memory_space<vmem>>, vector<16xf32>,
      %swap3A_913 = vector.shape_cast %swap3A_912 : vector<16xf32> to vector<16xf32>
      %swap3A_914 = vector.shape_cast %add3A_910 : vector<16xf32> to vector<16xf32>
      tpu.vector_store %arg18[%swap3A_911], %swap3A_914 {strides = array<i32>} : memref<1024xf32, #tpu.memory_space<vmem>>, vector<16xf32>,
      %add3A_915 = arith.constant 11 : i32
      %add3A_916 = arith.addi %multiple_of3A_330, %add3A_915 : i32
      %get3A_917 = arith.index_cast %add3A_916 : i32 to index
      %get3A_918 = arith.constant 0 : index
      %get3A_919 = tpu.vector_load %arg16[%get3A_917, %get3A_918] {strides = array<i32>} : memref<256x64xf32, #tpu.memory_space<vmem>>, vector<1x16xf32>,
      %get3A_920 = vector.shape_cast %get3A_919 : vector<1x16xf32> to vector<16xf32>
      %get3A_921 = arith.index_cast %add3A_916 : i32 to index
      %get3A_922 = arith.constant 0 : index
      %get3A_923 = tpu.vector_load %arg17[%get3A_921, %get3A_922] {strides = array<i32>} : memref<256x64xf32, #tpu.memory_space<vmem>>, vector<1x16xf32>,
      %get3A_924 = vector.shape_cast %get3A_923 : vector<1x16xf32> to vector<16xf32>
      %mul3A_925 = arith.mulf %get3A_920, %get3A_924 : vector<16xf32>
      %get3A_926 = arith.index_cast %add3A_916 : i32 to index
      %get3A_927 = arith.constant 16 : index
      %get3A_928 = tpu.vector_load %arg16[%get3A_926, %get3A_927] {strides = array<i32>} : memref<256x64xf32, #tpu.memory_space<vmem>>, vector<1x16xf32>,
      %get3A_929 = vector.shape_cast %get3A_928 : vector<1x16xf32> to vector<16xf32>
      %get3A_930 = arith.index_cast %add3A_916 : i32 to index
      %get3A_931 = arith.constant 16 : index
      %get3A_932 = tpu.vector_load %arg17[%get3A_930, %get3A_931] {strides = array<i32>} : memref<256x64xf32, #tpu.memory_space<vmem>>, vector<1x16xf32>,
      %get3A_933 = vector.shape_cast %get3A_932 : vector<1x16xf32> to vector<16xf32>
      %mul3A_934 = arith.mulf %get3A_929, %get3A_933 : vector<16xf32>
      %add3A_935 = arith.addf %mul3A_925, %mul3A_934 : vector<16xf32>
      %get3A_936 = arith.index_cast %add3A_916 : i32 to index
      %get3A_937 = arith.constant 32 : index
      %get3A_938 = tpu.vector_load %arg16[%get3A_936, %get3A_937] {strides = array<i32>} : memref<256x64xf32, #tpu.memory_space<vmem>>, vector<1x16xf32>,
      %get3A_939 = vector.shape_cast %get3A_938 : vector<1x16xf32> to vector<16xf32>
      %get3A_940 = arith.index_cast %add3A_916 : i32 to index
      %get3A_941 = arith.constant 32 : index
      %get3A_942 = tpu.vector_load %arg17[%get3A_940, %get3A_941] {strides = array<i32>} : memref<256x64xf32, #tpu.memory_space<vmem>>, vector<1x16xf32>,
      %get3A_943 = vector.shape_cast %get3A_942 : vector<1x16xf32> to vector<16xf32>
      %mul3A_944 = arith.mulf %get3A_939, %get3A_943 : vector<16xf32>
      %add3A_945 = arith.addf %add3A_935, %mul3A_944 : vector<16xf32>
      %get3A_946 = arith.index_cast %add3A_916 : i32 to index
      %get3A_947 = arith.constant 48 : index
      %get3A_948 = tpu.vector_load %arg16[%get3A_946, %get3A_947] {strides = array<i32>} : memref<256x64xf32, #tpu.memory_space<vmem>>, vector<1x16xf32>,
      %get3A_949 = vector.shape_cast %get3A_948 : vector<1x16xf32> to vector<16xf32>
      %get3A_950 = arith.index_cast %add3A_916 : i32 to index
      %get3A_951 = arith.constant 48 : index
      %get3A_952 = tpu.vector_load %arg17[%get3A_950, %get3A_951] {strides = array<i32>} : memref<256x64xf32, #tpu.memory_space<vmem>>, vector<1x16xf32>,
      %get3A_953 = vector.shape_cast %get3A_952 : vector<1x16xf32> to vector<16xf32>
      %mul3A_954 = arith.mulf %get3A_949, %get3A_953 : vector<16xf32>
      %add3A_955 = arith.addf %add3A_945, %mul3A_954 : vector<16xf32>
      %swap3A_956 = arith.constant 424 : index
      %swap3A_957 = tpu.vector_load %arg18[%swap3A_956] {strides = array<i32>} : memref<1024xf32, #tpu.memory_space<vmem>>, vector<16xf32>,
      %swap3A_958 = vector.shape_cast %swap3A_957 : vector<16xf32> to vector<16xf32>
      %swap3A_959 = vector.shape_cast %add3A_955 : vector<16xf32> to vector<16xf32>
      tpu.vector_store %arg18[%swap3A_956], %swap3A_959 {strides = array<i32>} : memref<1024xf32, #tpu.memory_space<vmem>>, vector<16xf32>,
      %add3A_960 = arith.constant 7 : i32
      %add3A_961 = arith.addi %multiple_of3A_330, %add3A_960 : i32
      %get3A_962 = arith.index_cast %add3A_961 : i32 to index
      %get3A_963 = arith.constant 0 : index
      %get3A_964 = tpu.vector_load %arg16[%get3A_962, %get3A_963] {strides = array<i32>} : memref<256x64xf32, #tpu.memory_space<vmem>>, vector<1x16xf32>,
      %get3A_965 = vector.shape_cast %get3A_964 : vector<1x16xf32> to vector<16xf32>
      %get3A_966 = arith.index_cast %add3A_961 : i32 to index
      %get3A_967 = arith.constant 0 : index
      %get3A_968 = tpu.vector_load %arg17[%get3A_966, %get3A_967] {strides = array<i32>} : memref<256x64xf32, #tpu.memory_space<vmem>>, vector<1x16xf32>,
      %get3A_969 = vector.shape_cast %get3A_968 : vector<1x16xf32> to vector<16xf32>
      %mul3A_970 = arith.mulf %get3A_965, %get3A_969 : vector<16xf32>
      %get3A_971 = arith.index_cast %add3A_961 : i32 to index
      %get3A_972 = arith.constant 16 : index
      %get3A_973 = tpu.vector_load %arg16[%get3A_971, %get3A_972] {strides = array<i32>} : memref<256x64xf32, #tpu.memory_space<vmem>>, vector<1x16xf32>,
      %get3A_974 = vector.shape_cast %get3A_973 : vector<1x16xf32> to vector<16xf32>
      %get3A_975 = arith.index_cast %add3A_961 : i32 to index
      %get3A_976 = arith.constant 16 : index
      %get3A_977 = tpu.vector_load %arg17[%get3A_975, %get3A_976] {strides = array<i32>} : memref<256x64xf32, #tpu.memory_space<vmem>>, vector<1x16xf32>,
      %get3A_978 = vector.shape_cast %get3A_977 : vector<1x16xf32> to vector<16xf32>
      %mul3A_979 = arith.mulf %get3A_974, %get3A_978 : vector<16xf32>
      %add3A_980 = arith.addf %mul3A_970, %mul3A_979 : vector<16xf32>
      %get3A_981 = arith.index_cast %add3A_961 : i32 to index
      %get3A_982 = arith.constant 32 : index
      %get3A_983 = tpu.vector_load %arg16[%get3A_981, %get3A_982] {strides = array<i32>} : memref<256x64xf32, #tpu.memory_space<vmem>>, vector<1x16xf32>,
      %get3A_984 = vector.shape_cast %get3A_983 : vector<1x16xf32> to vector<16xf32>
      %get3A_985 = arith.index_cast %add3A_961 : i32 to index
      %get3A_986 = arith.constant 32 : index
      %get3A_987 = tpu.vector_load %arg17[%get3A_985, %get3A_986] {strides = array<i32>} : memref<256x64xf32, #tpu.memory_space<vmem>>, vector<1x16xf32>,
      %get3A_988 = vector.shape_cast %get3A_987 : vector<1x16xf32> to vector<16xf32>
      %mul3A_989 = arith.mulf %get3A_984, %get3A_988 : vector<16xf32>
      %add3A_990 = arith.addf %add3A_980, %mul3A_989 : vector<16xf32>
      %get3A_991 = arith.index_cast %add3A_961 : i32 to index
      %get3A_992 = arith.constant 48 : index
      %get3A_993 = tpu.vector_load %arg16[%get3A_991, %get3A_992] {strides = array<i32>} : memref<256x64xf32, #tpu.memory_space<vmem>>, vector<1x16xf32>,
      %get3A_994 = vector.shape_cast %get3A_993 : vector<1x16xf32> to vector<16xf32>
      %get3A_995 = arith.index_cast %add3A_961 : i32 to index
      %get3A_996 = arith.constant 48 : index
      %get3A_997 = tpu.vector_load %arg17[%get3A_995, %get3A_996] {strides = array<i32>} : memref<256x64xf32, #tpu.memory_space<vmem>>, vector<1x16xf32>,
      %get3A_998 = vector.shape_cast %get3A_997 : vector<1x16xf32> to vector<16xf32>
      %mul3A_999 = arith.mulf %get3A_994, %get3A_998 : vector<16xf32>
      %add3A_1000 = arith.addf %add3A_990, %mul3A_999 : vector<16xf32>
      %swap3A_1001 = arith.constant 456 : index
      %swap3A_1002 = tpu.vector_load %arg18[%swap3A_1001] {strides = array<i32>} : memref<1024xf32, #tpu.memory_space<vmem>>, vector<16xf32>,
      %swap3A_1003 = vector.shape_cast %swap3A_1002 : vector<16xf32> to vector<16xf32>
      %swap3A_1004 = vector.shape_cast %add3A_1000 : vector<16xf32> to vector<16xf32>
      tpu.vector_store %arg18[%swap3A_1001], %swap3A_1004 {strides = array<i32>} : memref<1024xf32, #tpu.memory_space<vmem>>, vector<16xf32>,
      %add3A_1005 = arith.constant 15 : i32
      %add3A_1006 = arith.addi %multiple_of3A_330, %add3A_1005 : i32
      %get3A_1007 = arith.index_cast %add3A_1006 : i32 to index
      %get3A_1008 = arith.constant 0 : index
      %get3A_1009 = tpu.vector_load %arg16[%get3A_1007, %get3A_1008] {strides = array<i32>} : memref<256x64xf32, #tpu.memory_space<vmem>>, vector<1x16xf32>,
      %get3A_1010 = vector.shape_cast %get3A_1009 : vector<1x16xf32> to vector<16xf32>
      %get3A_1011 = arith.index_cast %add3A_1006 : i32 to index
      %get3A_1012 = arith.constant 0 : index
      %get3A_1013 = tpu.vector_load %arg17[%get3A_1011, %get3A_1012] {strides = array<i32>} : memref<256x64xf32, #tpu.memory_space<vmem>>, vector<1x16xf32>,
      %get3A_1014 = vector.shape_cast %get3A_1013 : vector<1x16xf32> to vector<16xf32>
      %mul3A_1015 = arith.mulf %get3A_1010, %get3A_1014 : vector<16xf32>
      %get3A_1016 = arith.index_cast %add3A_1006 : i32 to index
      %get3A_1017 = arith.constant 16 : index
      %get3A_1018 = tpu.vector_load %arg16[%get3A_1016, %get3A_1017] {strides = array<i32>} : memref<256x64xf32, #tpu.memory_space<vmem>>, vector<1x16xf32>,
      %get3A_1019 = vector.shape_cast %get3A_1018 : vector<1x16xf32> to vector<16xf32>
      %get3A_1020 = arith.index_cast %add3A_1006 : i32 to index
      %get3A_1021 = arith.constant 16 : index
      %get3A_1022 = tpu.vector_load %arg17[%get3A_1020, %get3A_1021] {strides = array<i32>} : memref<256x64xf32, #tpu.memory_space<vmem>>, vector<1x16xf32>,
      %get3A_1023 = vector.shape_cast %get3A_1022 : vector<1x16xf32> to vector<16xf32>
      %mul3A_1024 = arith.mulf %get3A_1019, %get3A_1023 : vector<16xf32>
      %add3A_1025 = arith.addf %mul3A_1015, %mul3A_1024 : vector<16xf32>
      %get3A_1026 = arith.index_cast %add3A_1006 : i32 to index
      %get3A_1027 = arith.constant 32 : index
      %get3A_1028 = tpu.vector_load %arg16[%get3A_1026, %get3A_1027] {strides = array<i32>} : memref<256x64xf32, #tpu.memory_space<vmem>>, vector<1x16xf32>,
      %get3A_1029 = vector.shape_cast %get3A_1028 : vector<1x16xf32> to vector<16xf32>
      %get3A_1030 = arith.index_cast %add3A_1006 : i32 to index
      %get3A_1031 = arith.constant 32 : index
      %get3A_1032 = tpu.vector_load %arg17[%get3A_1030, %get3A_1031] {strides = array<i32>} : memref<256x64xf32, #tpu.memory_space<vmem>>, vector<1x16xf32>,
      %get3A_1033 = vector.shape_cast %get3A_1032 : vector<1x16xf32> to vector<16xf32>
      %mul3A_1034 = arith.mulf %get3A_1029, %get3A_1033 : vector<16xf32>
      %add3A_1035 = arith.addf %add3A_1025, %mul3A_1034 : vector<16xf32>
      %get3A_1036 = arith.index_cast %add3A_1006 : i32 to index
      %get3A_1037 = arith.constant 48 : index
      %get3A_1038 = tpu.vector_load %arg16[%get3A_1036, %get3A_1037] {strides = array<i32>} : memref<256x64xf32, #tpu.memory_space<vmem>>, vector<1x16xf32>,
      %get3A_1039 = vector.shape_cast %get3A_1038 : vector<1x16xf32> to vector<16xf32>
      %get3A_1040 = arith.index_cast %add3A_1006 : i32 to index
      %get3A_1041 = arith.constant 48 : index
      %get3A_1042 = tpu.vector_load %arg17[%get3A_1040, %get3A_1041] {strides = array<i32>} : memref<256x64xf32, #tpu.memory_space<vmem>>, vector<1x16xf32>,
      %get3A_1043 = vector.shape_cast %get3A_1042 : vector<1x16xf32> to vector<16xf32>
      %mul3A_1044 = arith.mulf %get3A_1039, %get3A_1043 : vector<16xf32>
      %add3A_1045 = arith.addf %add3A_1035, %mul3A_1044 : vector<16xf32>
      %swap3A_1046 = arith.constant 488 : index
      %swap3A_1047 = tpu.vector_load %arg18[%swap3A_1046] {strides = array<i32>} : memref<1024xf32, #tpu.memory_space<vmem>>, vector<16xf32>,
      %swap3A_1048 = vector.shape_cast %swap3A_1047 : vector<16xf32> to vector<16xf32>
      %swap3A_1049 = vector.shape_cast %add3A_1045 : vector<16xf32> to vector<16xf32>
      tpu.vector_store %arg18[%swap3A_1046], %swap3A_1049 {strides = array<i32>} : memref<1024xf32, #tpu.memory_space<vmem>>, vector<16xf32>,
      %get3A_1050 = arith.constant 16 : index
      %get3A_1051 = tpu.vector_load %arg18[%get3A_1050] {strides = array<i32>} : memref<1024xf32, #tpu.memory_space<vmem>>, vector<16xf32>,
      %get3A_1052 = vector.shape_cast %get3A_1051 : vector<16xf32> to vector<16xf32>
      %get3A_1053 = arith.constant 32 : index
      %get3A_1054 = tpu.vector_load %arg18[%get3A_1053] {strides = array<i32>} : memref<1024xf32, #tpu.memory_space<vmem>>, vector<16xf32>,
      %get3A_1055 = vector.shape_cast %get3A_1054 : vector<16xf32> to vector<16xf32>
      %add3A_1056 = arith.addf %add3A_370, %get3A_1052 : vector<16xf32>
      %add3A_1057 = arith.addf %add3A_415, %get3A_1055 : vector<16xf32>
      %select_n3A = arith.select %eq3A_85, %add3A_1056, %add3A_1057 : vector<16xi1>, vector<16xf32>
      %swap3A_1058 = arith.constant 520 : index
      %swap3A_1059 = tpu.vector_load %arg18[%swap3A_1058] {strides = array<i32>} : memref<1024xf32, #tpu.memory_space<vmem>>, vector<16xf32>,
      %swap3A_1060 = vector.shape_cast %swap3A_1059 : vector<16xf32> to vector<16xf32>
      %swap3A_1061 = vector.shape_cast %select_n3A : vector<16xf32> to vector<16xf32>
      tpu.vector_store %arg18[%swap3A_1058], %swap3A_1061 {strides = array<i32>} : memref<1024xf32, #tpu.memory_space<vmem>>, vector<16xf32>,
      %get3A_1062 = arith.constant 80 : index
      %get3A_1063 = tpu.vector_load %arg18[%get3A_1062] {strides = array<i32>} : memref<1024xf32, #tpu.memory_space<vmem>>, vector<16xf32>,
      %get3A_1064 = vector.shape_cast %get3A_1063 : vector<16xf32> to vector<16xf32>
      %get3A_1065 = arith.constant 96 : index
      %get3A_1066 = tpu.vector_load %arg18[%get3A_1065] {strides = array<i32>} : memref<1024xf32, #tpu.memory_space<vmem>>, vector<16xf32>,
      %get3A_1067 = vector.shape_cast %get3A_1066 : vector<16xf32> to vector<16xf32>
      %add3A_1068 = arith.addf %add3A_460, %get3A_1064 : vector<16xf32>
      %add3A_1069 = arith.addf %add3A_505, %get3A_1067 : vector<16xf32>
      %select_n3A_1070 = arith.select %eq3A_85, %add3A_1068, %add3A_1069 : vector<16xi1>, vector<16xf32>
      %swap3A_1071 = arith.constant 552 : index
      %swap3A_1072 = tpu.vector_load %arg18[%swap3A_1071] {strides = array<i32>} : memref<1024xf32, #tpu.memory_space<vmem>>, vector<16xf32>,
      %swap3A_1073 = vector.shape_cast %swap3A_1072 : vector<16xf32> to vector<16xf32>
      %swap3A_1074 = vector.shape_cast %select_n3A_1070 : vector<16xf32> to vector<16xf32>
      tpu.vector_store %arg18[%swap3A_1071], %swap3A_1074 {strides = array<i32>} : memref<1024xf32, #tpu.memory_space<vmem>>, vector<16xf32>,
      %get3A_1075 = arith.constant 144 : index
      %get3A_1076 = tpu.vector_load %arg18[%get3A_1075] {strides = array<i32>} : memref<1024xf32, #tpu.memory_space<vmem>>, vector<16xf32>,
      %get3A_1077 = vector.shape_cast %get3A_1076 : vector<16xf32> to vector<16xf32>
      %get3A_1078 = arith.constant 160 : index
      %get3A_1079 = tpu.vector_load %arg18[%get3A_1078] {strides = array<i32>} : memref<1024xf32, #tpu.memory_space<vmem>>, vector<16xf32>,
      %get3A_1080 = vector.shape_cast %get3A_1079 : vector<16xf32> to vector<16xf32>
      %add3A_1081 = arith.addf %add3A_550, %get3A_1077 : vector<16xf32>
      %add3A_1082 = arith.addf %add3A_595, %get3A_1080 : vector<16xf32>
      %select_n3A_1083 = arith.select %eq3A_85, %add3A_1081, %add3A_1082 : vector<16xi1>, vector<16xf32>
      %swap3A_1084 = arith.constant 584 : index
      %swap3A_1085 = tpu.vector_load %arg18[%swap3A_1084] {strides = array<i32>} : memref<1024xf32, #tpu.memory_space<vmem>>, vector<16xf32>,
      %swap3A_1086 = vector.shape_cast %swap3A_1085 : vector<16xf32> to vector<16xf32>
      %swap3A_1087 = vector.shape_cast %select_n3A_1083 : vector<16xf32> to vector<16xf32>
      tpu.vector_store %arg18[%swap3A_1084], %swap3A_1087 {strides = array<i32>} : memref<1024xf32, #tpu.memory_space<vmem>>, vector<16xf32>,
      %get3A_1088 = arith.constant 208 : index
      %get3A_1089 = tpu.vector_load %arg18[%get3A_1088] {strides = array<i32>} : memref<1024xf32, #tpu.memory_space<vmem>>, vector<16xf32>,
      %get3A_1090 = vector.shape_cast %get3A_1089 : vector<16xf32> to vector<16xf32>
      %get3A_1091 = arith.constant 224 : index
      %get3A_1092 = tpu.vector_load %arg18[%get3A_1091] {strides = array<i32>} : memref<1024xf32, #tpu.memory_space<vmem>>, vector<16xf32>,
      %get3A_1093 = vector.shape_cast %get3A_1092 : vector<16xf32> to vector<16xf32>
      %add3A_1094 = arith.addf %add3A_640, %get3A_1090 : vector<16xf32>
      %add3A_1095 = arith.addf %add3A_685, %get3A_1093 : vector<16xf32>
      %select_n3A_1096 = arith.select %eq3A_85, %add3A_1094, %add3A_1095 : vector<16xi1>, vector<16xf32>
      %swap3A_1097 = arith.constant 616 : index
      %swap3A_1098 = tpu.vector_load %arg18[%swap3A_1097] {strides = array<i32>} : memref<1024xf32, #tpu.memory_space<vmem>>, vector<16xf32>,
      %swap3A_1099 = vector.shape_cast %swap3A_1098 : vector<16xf32> to vector<16xf32>
      %swap3A_1100 = vector.shape_cast %select_n3A_1096 : vector<16xf32> to vector<16xf32>
      tpu.vector_store %arg18[%swap3A_1097], %swap3A_1100 {strides = array<i32>} : memref<1024xf32, #tpu.memory_space<vmem>>, vector<16xf32>,
      %get3A_1101 = arith.constant 272 : index
      %get3A_1102 = tpu.vector_load %arg18[%get3A_1101] {strides = array<i32>} : memref<1024xf32, #tpu.memory_space<vmem>>, vector<16xf32>,
      %get3A_1103 = vector.shape_cast %get3A_1102 : vector<16xf32> to vector<16xf32>
      %get3A_1104 = arith.constant 288 : index
      %get3A_1105 = tpu.vector_load %arg18[%get3A_1104] {strides = array<i32>} : memref<1024xf32, #tpu.memory_space<vmem>>, vector<16xf32>,
      %get3A_1106 = vector.shape_cast %get3A_1105 : vector<16xf32> to vector<16xf32>
      %add3A_1107 = arith.addf %add3A_730, %get3A_1103 : vector<16xf32>
      %add3A_1108 = arith.addf %add3A_775, %get3A_1106 : vector<16xf32>
      %select_n3A_1109 = arith.select %eq3A_85, %add3A_1107, %add3A_1108 : vector<16xi1>, vector<16xf32>
      %swap3A_1110 = arith.constant 648 : index
      %swap3A_1111 = tpu.vector_load %arg18[%swap3A_1110] {strides = array<i32>} : memref<1024xf32, #tpu.memory_space<vmem>>, vector<16xf32>,
      %swap3A_1112 = vector.shape_cast %swap3A_1111 : vector<16xf32> to vector<16xf32>
      %swap3A_1113 = vector.shape_cast %select_n3A_1109 : vector<16xf32> to vector<16xf32>
      tpu.vector_store %arg18[%swap3A_1110], %swap3A_1113 {strides = array<i32>} : memref<1024xf32, #tpu.memory_space<vmem>>, vector<16xf32>,
      %get3A_1114 = arith.constant 336 : index
      %get3A_1115 = tpu.vector_load %arg18[%get3A_1114] {strides = array<i32>} : memref<1024xf32, #tpu.memory_space<vmem>>, vector<16xf32>,
      %get3A_1116 = vector.shape_cast %get3A_1115 : vector<16xf32> to vector<16xf32>
      %get3A_1117 = arith.constant 352 : index
      %get3A_1118 = tpu.vector_load %arg18[%get3A_1117] {strides = array<i32>} : memref<1024xf32, #tpu.memory_space<vmem>>, vector<16xf32>,
      %get3A_1119 = vector.shape_cast %get3A_1118 : vector<16xf32> to vector<16xf32>
      %add3A_1120 = arith.addf %add3A_820, %get3A_1116 : vector<16xf32>
      %add3A_1121 = arith.addf %add3A_865, %get3A_1119 : vector<16xf32>
      %select_n3A_1122 = arith.select %eq3A_85, %add3A_1120, %add3A_1121 : vector<16xi1>, vector<16xf32>
      %swap3A_1123 = arith.constant 680 : index
      %swap3A_1124 = tpu.vector_load %arg18[%swap3A_1123] {strides = array<i32>} : memref<1024xf32, #tpu.memory_space<vmem>>, vector<16xf32>,
      %swap3A_1125 = vector.shape_cast %swap3A_1124 : vector<16xf32> to vector<16xf32>
      %swap3A_1126 = vector.shape_cast %select_n3A_1122 : vector<16xf32> to vector<16xf32>
      tpu.vector_store %arg18[%swap3A_1123], %swap3A_1126 {strides = array<i32>} : memref<1024xf32, #tpu.memory_space<vmem>>, vector<16xf32>,
      %get3A_1127 = arith.constant 400 : index
      %get3A_1128 = tpu.vector_load %arg18[%get3A_1127] {strides = array<i32>} : memref<1024xf32, #tpu.memory_space<vmem>>, vector<16xf32>,
      %get3A_1129 = vector.shape_cast %get3A_1128 : vector<16xf32> to vector<16xf32>
      %get3A_1130 = arith.constant 416 : index
      %get3A_1131 = tpu.vector_load %arg18[%get3A_1130] {strides = array<i32>} : memref<1024xf32, #tpu.memory_space<vmem>>, vector<16xf32>,
      %get3A_1132 = vector.shape_cast %get3A_1131 : vector<16xf32> to vector<16xf32>
      %add3A_1133 = arith.addf %add3A_910, %get3A_1129 : vector<16xf32>
      %add3A_1134 = arith.addf %add3A_955, %get3A_1132 : vector<16xf32>
      %select_n3A_1135 = arith.select %eq3A_85, %add3A_1133, %add3A_1134 : vector<16xi1>, vector<16xf32>
      %swap3A_1136 = arith.constant 712 : index
      %swap3A_1137 = tpu.vector_load %arg18[%swap3A_1136] {strides = array<i32>} : memref<1024xf32, #tpu.memory_space<vmem>>, vector<16xf32>,
      %swap3A_1138 = vector.shape_cast %swap3A_1137 : vector<16xf32> to vector<16xf32>
      %swap3A_1139 = vector.shape_cast %select_n3A_1135 : vector<16xf32> to vector<16xf32>
      tpu.vector_store %arg18[%swap3A_1136], %swap3A_1139 {strides = array<i32>} : memref<1024xf32, #tpu.memory_space<vmem>>, vector<16xf32>,
      %get3A_1140 = arith.constant 464 : index
      %get3A_1141 = tpu.vector_load %arg18[%get3A_1140] {strides = array<i32>} : memref<1024xf32, #tpu.memory_space<vmem>>, vector<16xf32>,
      %get3A_1142 = vector.shape_cast %get3A_1141 : vector<16xf32> to vector<16xf32>
      %get3A_1143 = arith.constant 480 : index
      %get3A_1144 = tpu.vector_load %arg18[%get3A_1143] {strides = array<i32>} : memref<1024xf32, #tpu.memory_space<vmem>>, vector<16xf32>,
      %get3A_1145 = vector.shape_cast %get3A_1144 : vector<16xf32> to vector<16xf32>
      %add3A_1146 = arith.addf %add3A_1000, %get3A_1142 : vector<16xf32>
      %add3A_1147 = arith.addf %add3A_1045, %get3A_1145 : vector<16xf32>
      %select_n3A_1148 = arith.select %eq3A_85, %add3A_1146, %add3A_1147 : vector<16xi1>, vector<16xf32>
      %swap3A_1149 = arith.constant 744 : index
      %swap3A_1150 = tpu.vector_load %arg18[%swap3A_1149] {strides = array<i32>} : memref<1024xf32, #tpu.memory_space<vmem>>, vector<16xf32>,
      %swap3A_1151 = vector.shape_cast %swap3A_1150 : vector<16xf32> to vector<16xf32>
      %swap3A_1152 = vector.shape_cast %select_n3A_1148 : vector<16xf32> to vector<16xf32>
      tpu.vector_store %arg18[%swap3A_1149], %swap3A_1152 {strides = array<i32>} : memref<1024xf32, #tpu.memory_space<vmem>>, vector<16xf32>,
      %get3A_1153 = arith.constant 524 : index
      %get3A_1154 = tpu.vector_load %arg18[%get3A_1153] {strides = array<i32>} : memref<1024xf32, #tpu.memory_space<vmem>>, vector<16xf32>,
      %get3A_1155 = vector.shape_cast %get3A_1154 : vector<16xf32> to vector<16xf32>
      %get3A_1156 = arith.constant 548 : index
      %get3A_1157 = tpu.vector_load %arg18[%get3A_1156] {strides = array<i32>} : memref<1024xf32, #tpu.memory_space<vmem>>, vector<16xf32>,
      %get3A_1158 = vector.shape_cast %get3A_1157 : vector<16xf32> to vector<16xf32>
      %add3A_1159 = arith.addf %select_n3A, %get3A_1155 : vector<16xf32>
      %add3A_1160 = arith.addf %select_n3A_1070, %get3A_1158 : vector<16xf32>
      %select_n3A_1161 = arith.select %eq3A_91, %add3A_1159, %add3A_1160 : vector<16xi1>, vector<16xf32>
      %swap3A_1162 = arith.constant 776 : index
      %swap3A_1163 = tpu.vector_load %arg18[%swap3A_1162] {strides = array<i32>} : memref<1024xf32, #tpu.memory_space<vmem>>, vector<16xf32>,
      %swap3A_1164 = vector.shape_cast %swap3A_1163 : vector<16xf32> to vector<16xf32>
      %swap3A_1165 = vector.shape_cast %select_n3A_1161 : vector<16xf32> to vector<16xf32>
      tpu.vector_store %arg18[%swap3A_1162], %swap3A_1165 {strides = array<i32>} : memref<1024xf32, #tpu.memory_space<vmem>>, vector<16xf32>,
      %get3A_1166 = arith.constant 588 : index
      %get3A_1167 = tpu.vector_load %arg18[%get3A_1166] {strides = array<i32>} : memref<1024xf32, #tpu.memory_space<vmem>>, vector<16xf32>,
      %get3A_1168 = vector.shape_cast %get3A_1167 : vector<16xf32> to vector<16xf32>
      %get3A_1169 = arith.constant 612 : index
      %get3A_1170 = tpu.vector_load %arg18[%get3A_1169] {strides = array<i32>} : memref<1024xf32, #tpu.memory_space<vmem>>, vector<16xf32>,
      %get3A_1171 = vector.shape_cast %get3A_1170 : vector<16xf32> to vector<16xf32>
      %add3A_1172 = arith.addf %select_n3A_1083, %get3A_1168 : vector<16xf32>
      %add3A_1173 = arith.addf %select_n3A_1096, %get3A_1171 : vector<16xf32>
      %select_n3A_1174 = arith.select %eq3A_91, %add3A_1172, %add3A_1173 : vector<16xi1>, vector<16xf32>
      %swap3A_1175 = arith.constant 808 : index
      %swap3A_1176 = tpu.vector_load %arg18[%swap3A_1175] {strides = array<i32>} : memref<1024xf32, #tpu.memory_space<vmem>>, vector<16xf32>,
      %swap3A_1177 = vector.shape_cast %swap3A_1176 : vector<16xf32> to vector<16xf32>
      %swap3A_1178 = vector.shape_cast %select_n3A_1174 : vector<16xf32> to vector<16xf32>
      tpu.vector_store %arg18[%swap3A_1175], %swap3A_1178 {strides = array<i32>} : memref<1024xf32, #tpu.memory_space<vmem>>, vector<16xf32>,
      %get3A_1179 = arith.constant 652 : index
      %get3A_1180 = tpu.vector_load %arg18[%get3A_1179] {strides = array<i32>} : memref<1024xf32, #tpu.memory_space<vmem>>, vector<16xf32>,
      %get3A_1181 = vector.shape_cast %get3A_1180 : vector<16xf32> to vector<16xf32>
      %get3A_1182 = arith.constant 676 : index
      %get3A_1183 = tpu.vector_load %arg18[%get3A_1182] {strides = array<i32>} : memref<1024xf32, #tpu.memory_space<vmem>>, vector<16xf32>,
      %get3A_1184 = vector.shape_cast %get3A_1183 : vector<16xf32> to vector<16xf32>
      %add3A_1185 = arith.addf %select_n3A_1109, %get3A_1181 : vector<16xf32>
      %add3A_1186 = arith.addf %select_n3A_1122, %get3A_1184 : vector<16xf32>
      %select_n3A_1187 = arith.select %eq3A_91, %add3A_1185, %add3A_1186 : vector<16xi1>, vector<16xf32>
      %swap3A_1188 = arith.constant 840 : index
      %swap3A_1189 = tpu.vector_load %arg18[%swap3A_1188] {strides = array<i32>} : memref<1024xf32, #tpu.memory_space<vmem>>, vector<16xf32>,
      %swap3A_1190 = vector.shape_cast %swap3A_1189 : vector<16xf32> to vector<16xf32>
      %swap3A_1191 = vector.shape_cast %select_n3A_1187 : vector<16xf32> to vector<16xf32>
      tpu.vector_store %arg18[%swap3A_1188], %swap3A_1191 {strides = array<i32>} : memref<1024xf32, #tpu.memory_space<vmem>>, vector<16xf32>,
      %get3A_1192 = arith.constant 716 : index
      %get3A_1193 = tpu.vector_load %arg18[%get3A_1192] {strides = array<i32>} : memref<1024xf32, #tpu.memory_space<vmem>>, vector<16xf32>,
      %get3A_1194 = vector.shape_cast %get3A_1193 : vector<16xf32> to vector<16xf32>
      %get3A_1195 = arith.constant 740 : index
      %get3A_1196 = tpu.vector_load %arg18[%get3A_1195] {strides = array<i32>} : memref<1024xf32, #tpu.memory_space<vmem>>, vector<16xf32>,
      %get3A_1197 = vector.shape_cast %get3A_1196 : vector<16xf32> to vector<16xf32>
      %add3A_1198 = arith.addf %select_n3A_1135, %get3A_1194 : vector<16xf32>
      %add3A_1199 = arith.addf %select_n3A_1148, %get3A_1197 : vector<16xf32>
      %select_n3A_1200 = arith.select %eq3A_91, %add3A_1198, %add3A_1199 : vector<16xi1>, vector<16xf32>
      %swap3A_1201 = arith.constant 872 : index
      %swap3A_1202 = tpu.vector_load %arg18[%swap3A_1201] {strides = array<i32>} : memref<1024xf32, #tpu.memory_space<vmem>>, vector<16xf32>,
      %swap3A_1203 = vector.shape_cast %swap3A_1202 : vector<16xf32> to vector<16xf32>
      %swap3A_1204 = vector.shape_cast %select_n3A_1200 : vector<16xf32> to vector<16xf32>
      tpu.vector_store %arg18[%swap3A_1201], %swap3A_1204 {strides = array<i32>} : memref<1024xf32, #tpu.memory_space<vmem>>, vector<16xf32>,
      %get3A_1205 = arith.constant 778 : index
      %get3A_1206 = tpu.vector_load %arg18[%get3A_1205] {strides = array<i32>} : memref<1024xf32, #tpu.memory_space<vmem>>, vector<16xf32>,
      %get3A_1207 = vector.shape_cast %get3A_1206 : vector<16xf32> to vector<16xf32>
      %get3A_1208 = arith.constant 806 : index
      %get3A_1209 = tpu.vector_load %arg18[%get3A_1208] {strides = array<i32>} : memref<1024xf32, #tpu.memory_space<vmem>>, vector<16xf32>,
      %get3A_1210 = vector.shape_cast %get3A_1209 : vector<16xf32> to vector<16xf32>
      %add3A_1211 = arith.addf %select_n3A_1161, %get3A_1207 : vector<16xf32>
      %add3A_1212 = arith.addf %select_n3A_1174, %get3A_1210 : vector<16xf32>
      %select_n3A_1213 = arith.select %eq3A_97, %add3A_1211, %add3A_1212 : vector<16xi1>, vector<16xf32>
      %swap3A_1214 = arith.constant 904 : index
      %swap3A_1215 = tpu.vector_load %arg18[%swap3A_1214] {strides = array<i32>} : memref<1024xf32, #tpu.memory_space<vmem>>, vector<16xf32>,
      %swap3A_1216 = vector.shape_cast %swap3A_1215 : vector<16xf32> to vector<16xf32>
      %swap3A_1217 = vector.shape_cast %select_n3A_1213 : vector<16xf32> to vector<16xf32>
      tpu.vector_store %arg18[%swap3A_1214], %swap3A_1217 {strides = array<i32>} : memref<1024xf32, #tpu.memory_space<vmem>>, vector<16xf32>,
      %get3A_1218 = arith.constant 842 : index
      %get3A_1219 = tpu.vector_load %arg18[%get3A_1218] {strides = array<i32>} : memref<1024xf32, #tpu.memory_space<vmem>>, vector<16xf32>,
      %get3A_1220 = vector.shape_cast %get3A_1219 : vector<16xf32> to vector<16xf32>
      %get3A_1221 = arith.constant 870 : index
      %get3A_1222 = tpu.vector_load %arg18[%get3A_1221] {strides = array<i32>} : memref<1024xf32, #tpu.memory_space<vmem>>, vector<16xf32>,
      %get3A_1223 = vector.shape_cast %get3A_1222 : vector<16xf32> to vector<16xf32>
      %add3A_1224 = arith.addf %select_n3A_1187, %get3A_1220 : vector<16xf32>
      %add3A_1225 = arith.addf %select_n3A_1200, %get3A_1223 : vector<16xf32>
      %select_n3A_1226 = arith.select %eq3A_97, %add3A_1224, %add3A_1225 : vector<16xi1>, vector<16xf32>
      %swap3A_1227 = arith.constant 936 : index
      %swap3A_1228 = tpu.vector_load %arg18[%swap3A_1227] {strides = array<i32>} : memref<1024xf32, #tpu.memory_space<vmem>>, vector<16xf32>,
      %swap3A_1229 = vector.shape_cast %swap3A_1228 : vector<16xf32> to vector<16xf32>
      %swap3A_1230 = vector.shape_cast %select_n3A_1226 : vector<16xf32> to vector<16xf32>
      tpu.vector_store %arg18[%swap3A_1227], %swap3A_1230 {strides = array<i32>} : memref<1024xf32, #tpu.memory_space<vmem>>, vector<16xf32>,
      %get3A_1231 = arith.constant 905 : index
      %get3A_1232 = tpu.vector_load %arg18[%get3A_1231] {strides = array<i32>} : memref<1024xf32, #tpu.memory_space<vmem>>, vector<16xf32>,
      %get3A_1233 = vector.shape_cast %get3A_1232 : vector<16xf32> to vector<16xf32>
      %get3A_1234 = arith.constant 935 : index
      %get3A_1235 = tpu.vector_load %arg18[%get3A_1234] {strides = array<i32>} : memref<1024xf32, #tpu.memory_space<vmem>>, vector<16xf32>,
      %get3A_1236 = vector.shape_cast %get3A_1235 : vector<16xf32> to vector<16xf32>
      %add3A_1237 = arith.addf %select_n3A_1213, %get3A_1233 : vector<16xf32>
      %add3A_1238 = arith.addf %select_n3A_1226, %get3A_1236 : vector<16xf32>
      %select_n3A_1239 = arith.select %eq3A_103, %add3A_1237, %add3A_1238 : vector<16xi1>, vector<16xf32>
      %mul3A_1240 = arith.constant 16 : i32
      %mul3A_1241 = arith.muli %scan3A_326, %mul3A_1240 : i32
      %add3A_1242 = arith.constant 256 : i32
      %add3A_1243 = arith.addi %add3A_1242, %mul3A_1241 : i32
      %multiple_of3A_1244 = tpu.assume_multiple %add3A_1243, 16 : i32
      %get3A_1245 = arith.index_cast %multiple_of3A_1244 : i32 to index
      %get3A_1246 = tpu.vector_load %arg14[%get3A_1245] {strides = array<i32>} : memref<512xf32, #tpu.memory_space<vmem>>, vector<16xf32>,
      %get3A_1247 = vector.shape_cast %get3A_1246 : vector<16xf32> to vector<16xf32>
      %get3A_1248 = arith.index_cast %multiple_of3A_1244 : i32 to index
      %get3A_1249 = tpu.vector_load %arg15[%get3A_1248] {strides = array<i32>} : memref<512xf32, #tpu.memory_space<vmem>>, vector<16xf32>,
      %get3A_1250 = vector.shape_cast %get3A_1249 : vector<16xf32> to vector<16xf32>
      %get3A_1251 = arith.index_cast %multiple_of3A_1244 : i32 to index
      %get3A_1252 = tpu.vector_load %arg12[%get3A_1251] {strides = array<i32>} : memref<512xf32, #tpu.memory_space<vmem>>, vector<16xf32>,
      %get3A_1253 = vector.shape_cast %get3A_1252 : vector<16xf32> to vector<16xf32>
      %get3A_1254 = arith.index_cast %multiple_of3A_1244 : i32 to index
      %get3A_1255 = tpu.vector_load %arg13[%get3A_1254] {strides = array<i32>} : memref<512xf32, #tpu.memory_space<vmem>>, vector<16xf32>,
      %get3A_1256 = vector.shape_cast %get3A_1255 : vector<16xf32> to vector<16xf32>
      %add3A_1257 = arith.addf %select_n3A_1239, %get3A_1247 : vector<16xf32>
      %add3A_1258 = arith.addf %add3A_1257, %get3A_1250 : vector<16xf32>
      %sub3A = arith.subf %add3A_1258, %get3A_1253 : vector<16xf32>
      %mul3A_1259 = arith.mulf %get3A_1256, %sub3A : vector<16xf32>
      %mul3A_1260 = arith.mulf %mul3A_1259, %sub3A : vector<16xf32>
      %add3A_1261 = arith.addf %scan3A_327, %mul3A_1260 : vector<16xf32>
      scf.yield %add3A_1261 : vector<16xf32>
    }
    %scan3A_322 = arith.constant 16 : i32
    %swap3A = arith.constant 0 : index
    %swap3A_323 = tpu.vector_load %arg19[%swap3A] {strides = array<i32>} : memref<16xf32, #tpu.memory_space<vmem>>, vector<16xf32>,
    %swap3A_324 = vector.shape_cast %swap3A_323 : vector<16xf32> to vector<16xf32>
    %swap3A_325 = vector.shape_cast %scan3A_321 : vector<16xf32> to vector<16xf32>
    tpu.vector_store %arg19[%swap3A], %swap3A_325 {strides = array<i32>} : memref<16xf32, #tpu.memory_space<vmem>>, vector<16xf32>,
    "tpu.region"() ({
      %run_scoped3A = tpu.sem_alloc : memref<!tpu.dma_semaphore, #tpu.memory_space<semaphore_mem>>
      %dma_start3A_326 = arith.constant 0 : i32
      %dma_start3A_327 = tpu.memref_slice %arg9[%add3A, %dma_start3A_326] : memref<32x16xf32, #tpu.memory_space<hbm>> -> memref<1x16xf32, #tpu.memory_space<hbm>>
      %dma_start3A_328 = tpu.memref_squeeze %dma_start3A_327 : memref<1x16xf32, #tpu.memory_space<hbm>> -> memref<16xf32, #tpu.memory_space<hbm>>
      %dma_start3A_329 = arith.constant 0 : i32
      %dma_start3A_330 = tpu.memref_slice %arg9[%add3A, %dma_start3A_329] : memref<32x16xf32, #tpu.memory_space<hbm>> -> memref<1x16xf32, #tpu.memory_space<hbm>>
      %dma_start3A_331 = tpu.memref_squeeze %dma_start3A_330 : memref<1x16xf32, #tpu.memory_space<hbm>> -> memref<16xf32, #tpu.memory_space<hbm>>
      tpu.enqueue_dma source(%arg19 : memref<16xf32, #tpu.memory_space<vmem>>) target(%dma_start3A_331 : memref<16xf32, #tpu.memory_space<hbm>>) target_semaphore(%run_scoped3A : memref<!tpu.dma_semaphore, #tpu.memory_space<semaphore_mem>>)
      %dma_wait3A_332 = arith.constant 0 : i32
      %dma_wait3A_333 = tpu.memref_slice %arg9[%add3A, %dma_wait3A_332] : memref<32x16xf32, #tpu.memory_space<hbm>> -> memref<1x16xf32, #tpu.memory_space<hbm>>
      %dma_wait3A_334 = tpu.memref_squeeze %dma_wait3A_333 : memref<1x16xf32, #tpu.memory_space<hbm>> -> memref<16xf32, #tpu.memory_space<hbm>>
      %dma_wait3A_335 = arith.constant 0 : i32
      %dma_wait3A_336 = tpu.memref_slice %arg9[%add3A, %dma_wait3A_335] : memref<32x16xf32, #tpu.memory_space<hbm>> -> memref<1x16xf32, #tpu.memory_space<hbm>>
      %dma_wait3A_337 = tpu.memref_squeeze %dma_wait3A_336 : memref<1x16xf32, #tpu.memory_space<hbm>> -> memref<16xf32, #tpu.memory_space<hbm>>
      tpu.wait_dma2 semaphore(%run_scoped3A : memref<!tpu.dma_semaphore, #tpu.memory_space<semaphore_mem>>) src(%arg19 : memref<16xf32, #tpu.memory_space<vmem>>) dst(%dma_wait3A_337 : memref<16xf32, #tpu.memory_space<hbm>>)
      tpu.yield
    }) : () -> ()
    return
  }
}

module attributes {stable_mosaic.version = 14 : i64} {
  func.func @_sum_body(%arg0: memref<32x16xf32, #tpu.memory_space<vmem>>, %arg1: memref<1x1xf32, #tpu.memory_space<vmem>>) attributes {dimension_semantics = [], scalar_prefetch = 0 : i64, scratch_operands = 0 : i64, tpu.core_type = #tpu.core_type<tc>} {
    %get3A = arith.constant 0 : index
    %get3A_0 = arith.constant 0 : index
    %get3A_1 = vector.load %arg0[%get3A, %get3A_0] : memref<32x16xf32, #tpu.memory_space<vmem>>, vector<32x16xf32>
    %reduce_sum3A = vector.shape_cast %get3A_1 : vector<32x16xf32> to vector<1x32x16xf32>
    %reduce_sum3A_2 = arith.constant dense<0.000000e+00> : vector<1xf32>
    %reduce_sum3A_3 = vector.multi_reduction <add>, %reduce_sum3A, %reduce_sum3A_2 [1, 2] : vector<1x32x16xf32> to vector<1xf32>
    %reduce_sum3A_4 = vector.shape_cast %reduce_sum3A_3 : vector<1xf32> to vector<1x1x1xf32>
    %reduce_sum3A_5 = vector.extract %reduce_sum3A_4[0, 0, 0] : f32 from vector<1x1x1xf32>
    %broadcast_in_dim3A = vector.broadcast %reduce_sum3A_5 : f32 to vector<1x1xf32>
    %swap3A = arith.constant 0 : index
    %swap3A_6 = arith.constant 0 : index
    %swap3A_7 = vector.load %arg1[%swap3A, %swap3A_6] : memref<1x1xf32, #tpu.memory_space<vmem>>, vector<1x1xf32>
    tpu.vector_store %arg1[%swap3A, %swap3A_6], %broadcast_in_dim3A {strides = array<i32>} : memref<1x1xf32, #tpu.memory_space<vmem>>, vector<1x1xf32>,
    return
  }
}

</mosaic_0001>

<sc_bundles>
// kernel: kernel.4.cloned.1.call-start
scs
__scs_entry_jumppad:
0x0: {  	(pc) =	sbr.rel $0x88, $3  }
0x1: {  	(tag) =	ssettag $0x0;
	lr =	simm.s32 $0x1  }
0x2: {  	[smem:$0x3F9A] =	sst lr;
	_ =	strace $0xD0000000  }
0x3: {  	_ = 	snop  }
0x4: {  	_ = 	snop  }
0x5: {  	_ = 	snop  }
0x6: {  	_ = 	snop  }
0x7: {  	_ = 	snop  }
__scs_overlays_trampoline_lowered:
0x8: {  	[smem:$0x3FA9] =	sst s0  }
0x9: {  	[smem:$0x3FAA] =	sst s1  }
0xa: {  	[smem:$0x3FAB] =	sst s2  }
0xb: {  	[smem:$0x3FAC] =	sst s3  }
0xc: {  	[smem:$0x3FAD] =	sst s4  }
0xd: {  	[smem:$0x3FAE] =	sst s5  }
0xe: {  	[smem:$0x3FAF] =	sst s6  }
0xf: {  	[smem:$0x3FB0] =	sst s7  }
0x10: {  	[smem:$0x3FB1] =	sst s8  }
0x11: {  	[smem:$0x3FB2] =	sst s9;
	s0 =	simm.s32 @!p0 $0x0  }
0x12: {  	s1 =	sld [smem:$0x3F98];
	s0 =	simm.s32 @p0 $0x1  }
0x13: {  	[smem:$0x3FB3] =	sst s0;
	s0 =	simm.s32 @!p1 $0x0  }
0x14: {  	s2 =	sld [smem:$0x3F97];
	s0 =	simm.s32 @p1 $0x1  }
0x15: {  	[smem:$0x3FB4] =	sst s0;
	s0 =	simm.s32 @!p2 $0x0  }
0x16: {  	s3 =	sld [smem:$0x3FDB];
	s0 =	simm.s32 @p2 $0x1  }
0x17: {  	s4 =	simm.s32 $0x1BF5;
	[smem:$0x3FB6] =	sst s0  }
0x18: {  	s0 =	sld [smem:$0x3F99];
	_ =	swait.ge [sflag:s4], $0x0  }
0x19: {  	s7 =	sld [smem:$0x3F9A]  }
0x1a: {  	s8 =	sadd.s32 $0xFFFFE003, lr  }
0x1b: {  	s9 =	sadd.s32 $0xFFFFFEF7, lr;
	s5 =	simm.s32 $0xFFFFFFFF;
	p2 =	slt.u32 s8, $0xFFFFF086  }
0x1c: {  	p1 =	slt.u32 s9, $0xF7A;
	s5 =	simm.s32 @!p2 $0x0  }
0x1d: {  	s5 =	simm.s32 @p1 $0x1;
	p0 =	seq.s32 s7, s2  }
0x1e: {  	s7 =	smul.u32 @!p0 $0xF7A, s2;
	p2 =	seq.s32 @!p0 s5, $0x0  }
0x1f: {  	s9 =	smul.u32 $0xF7A, s1;
	s8 =	simm.s32 @!p0 $0x1BF5;
	p2 =	por !p2, p0  }
0x20: {  	[sflag:s8] =	ssyncset.s32 @!p0 $0xFFFFF086;
	s6 =	sadd.s32 @!p0 s3, s7;
	s7 =	simm.s32 @!p0 $0x108  }
0x21: {  	s3 =	sadd.s32 s3, s9;
	s6 =	sadd.s32 @!p0 $0x88, s6;
	s7 =	simm.s32 @p2 $0x1082  }
0x22: {  	[simem:s7], [sflag:s8] =	dma.local @!p0 [hbm:s6], $0xF7A  }
0x23: {  	s9 =	sor.u32 $0xD0000000, s2;
	s6 =	simm.s32 $0x108;
	_ =	swait.ge @!p0 [sflag:s8], $0x0  }
0x24: {  	s3 =	sadd.s32 $0x88, s3;
	s6 =	simm.s32 @!p1 $0x1082;
	[sflag:s4] =	ssyncset.s32 $0xFFFFF086  }
0x25: {  	[simem:s6], [sflag:s4] =	dma.local [hbm:s3], $0xF7A  }
0x26: {  	[smem:$0x3F9A] =	sst s1;
	(tag) =	ssettag s2;
	_ =	strace s9  }
0x27: {  	s1 =	sld [smem:$0x3FAA]  }
0x28: {  	s2 =	sld [smem:$0x3FAB]  }
0x29: {  	s4 =	sld [smem:$0x3FAD]  }
0x2a: {  	p0 =	seq.s32 s5, $0x0;
	s5 =	sld [smem:$0x3FAE]  }
0x2b: {  	s6 =	sld [smem:$0x3FAF]  }
0x2c: {  	s7 =	sld [smem:$0x3FB0]  }
0x2d: {  	s3 =	simm.s32 $0x108;
	s8 =	sld [smem:$0x3FB1]  }
0x2e: {  	s3 =	simm.s32 @!p0 $0x1082;
	s9 =	sld [smem:$0x3FB2]  }
0x2f: {  	lr =	sadd.s32 s0, s3;
	s0 =	sld [smem:$0x3FA9]  }
0x30: {  	s3 =	sld [smem:$0x3FAC]  }
0x31: {  	[smem:$0x3FB5] =	sst s10  }
0x32: {  	s10 =	sld [smem:$0x3FB3];
	_ =	sdelay $0x3  }
0x33: {  	p0 =	seq.s32 s10, $0x1;
	s10 =	sld [smem:$0x3FB5];
	_ =	sdelay $0x3  }
0x34: {  	[smem:$0x3FB5] =	sst s10  }
0x35: {  	s10 =	sld [smem:$0x3FB4];
	_ =	sdelay $0x3  }
0x36: {  	p1 =	seq.s32 s10, $0x1;
	s10 =	sld [smem:$0x3FB5];
	_ =	sdelay $0x3  }
0x37: {  	[smem:$0x3FB5] =	sst s10  }
0x38: {  	s10 =	sld [smem:$0x3FB6]  }
0x39: {  	_ = 	snop;
	(pc) =	sbr.ind lr, $3  }
0x3a: {  	_ = 	snop  }
0x3b: {  	_ = 	snop  }
0x3c: {  	p2 =	seq.s32 s10, $0x1;
	s10 =	sld [smem:$0x3FB5]  }
0x3d: {  	_ =	shalt  }
0x3e: {  	_ =	shalt  }
0x3f: {  	_ =	shalt  }
0x40: {  	_ =	shalt  }
0x41: {  	_ =	shalt  }
0x42: {  	_ =	shalt  }
0x43: {  	_ =	shalt  }
0x44: {  	_ =	shalt  }
0x45: {  	_ =	shalt  }
0x46: {  	_ =	shalt  }
0x47: {  	_ =	shalt  }
0x48: {  	_ =	shalt  }
0x49: {  	_ =	shalt  }
0x4a: {  	_ =	shalt  }
0x4b: {  	_ =	shalt  }
0x4c: {  	_ =	shalt  }
0x4d: {  	_ =	shalt  }
0x4e: {  	_ =	shalt  }
0x4f: {  	_ =	shalt  }
0x50: {  	_ =	shalt  }
0x51: {  	_ =	shalt  }
0x52: {  	_ =	shalt  }
0x53: {  	_ =	shalt  }
0x54: {  	_ =	shalt  }
0x55: {  	_ =	shalt  }
0x56: {  	_ =	shalt  }
0x57: {  	_ =	shalt  }
0x58: {  	_ =	shalt  }
0x59: {  	_ =	shalt  }
0x5a: {  	_ =	shalt  }
0x5b: {  	_ =	shalt  }
0x5c: {  	_ =	shalt  }
0x5d: {  	_ =	shalt  }
0x5e: {  	_ =	shalt  }
0x5f: {  	_ =	shalt  }
0x60: {  	_ =	shalt  }
0x61: {  	_ =	shalt  }
0x62: {  	_ =	shalt  }
0x63: {  	_ =	shalt  }
0x64: {  	_ =	shalt  }
0x65: {  	_ =	shalt  }
0x66: {  	_ =	shalt  }
0x67: {  	_ =	shalt  }
0x68: {  	_ =	shalt  }
0x69: {  	_ =	shalt  }
0x6a: {  	_ =	shalt  }
0x6b: {  	_ =	shalt  }
0x6c: {  	_ =	shalt  }
0x6d: {  	_ =	shalt  }
0x6e: {  	_ =	shalt  }
0x6f: {  	_ =	shalt  }
0x70: {  	_ =	shalt  }
0x71: {  	_ =	shalt  }
0x72: {  	_ =	shalt  }
0x73: {  	_ =	shalt  }
0x74: {  	_ =	shalt  }
0x75: {  	_ =	shalt  }
0x76: {  	_ =	shalt  }
0x77: {  	_ =	shalt  }
0x78: {  	_ =	shalt  }
0x79: {  	_ =	shalt  }
0x7a: {  	_ =	shalt  }
0x7b: {  	_ =	shalt  }
0x7c: {  	_ =	shalt  }
0x7d: {  	_ =	shalt  }
0x7e: {  	_ =	shalt  }
0x7f: {  	_ =	shalt  }
0x80: {  	_ =	shalt  }
0x81: {  	_ =	shalt  }
0x82: {  	_ =	shalt  }
0x83: {  	_ =	shalt  }
0x84: {  	_ =	shalt  }
0x85: {  	_ =	shalt  }
0x86: {  	_ =	shalt  }
0x87: {  	_ =	shalt  }
.Lfunc_end0:
.L_simem_size_0:
called_computation_lowered:
.L_overlay_start_0:
0x88: {  	s2 =	sld [smem:$0x3FD9]  }
0x89: {  	s3 =	sld [smem:$0x3FFE];
	_ =	sdelay $0x1  }
0x8a: {  	s1 =	srdreg.scid  }
0x8b: {  	s0 =	sand.u32 $0x1, s1  }
0x8c: {  	s17 =	sshll.u32 s0, $0xA;
	s2 =	sadd.s32 s3, s2  }
0x8d: {  	s2 =	sadd.s32 s2, s17  }
0x8e: {  	[smem:$0x3FC1] =	sst s2  }
0x8f: {  	_ = 	snop  }
0x90: {  	s2 =	sld [smem:$0x3FC9]  }
0x91: {  	s18 =	sld [smem:$0x3FC8]  }
0x92: {  	s4 =	sld [smem:$0x3FC7]  }
0x93: {  	s5 =	sld [smem:$0x3FC6];
	(tm) =	ssettm $0x1  }
0x94: {  	s6 =	sld [smem:$0x3FFB];
	_ =	sdelay $0x3  }
0x95: {  	_ =	strace s6  }
0x96: {  	s6 =	sld [smem:$0x3FFC];
	_ =	sdelay $0x3  }
0x97: {  	_ =	strace s6  }
0x98: {  	s6 =	sld [smem:$0x3FFD];
	_ =	sdelay $0x3  }
0x99: {  	_ =	strace s6  }
0x9a: {  	_ =	strace $0x8FFFFFFF  }
0x9b: {  	s19 =	sld [smem:$0x3FDB];
	_ =	sdelay $0x1  }
0x9c: {  	s7 =	simm.s32 $_scs_section_size  }
0x9d: {  	s8 =	simm.s32 $_size__tile_overlayer_lowered;
	s9 =	simm.s32 $_tile_overlayer_lowered  }
0x9e: {  	s22 =	simm.s32 $0x1BFF;
	s21 =	sshll.u32 s9, $0x1;
	s6 =	sadd.s32 s7, s19  }
0x9f: {  	s10 =	simm.s32 $0x0;
	s20 =	sshll.u32 s8, $0x1;
	s8 =	sadd.s32 s21, s6  }
0xa0: {  	[timem:s10], [sflag:s22] =	dma.local [hbm:s8], s20  }
0xa1: {  	_ =	swait.ge [sflag:s22], s20  }
0xa2: {  	s7 =	ssub.s32 $0x0, s20;
	[sflag:s22] =	ssyncset.done $0x0  }
0xa3: {  	[sflag:s22] =	ssyncadd.s32 s7;
	_ =	sdelay $0x1  }
0xa4: {  	s23 =	simm.s32 $0x1B8B  }
0xa5: {  	_ =	swait.ge [sflag:s23], $0x1  }
0xa6: {  	[sflag:s23] =	ssyncset.done $0x0  }
0xa7: {  	s25 =	simm.s32 $0x1B8E;
	s24 =	sld [smem:$0x3FFE];
	[sflag:s23] =	ssyncadd.s32 $0xFFFFFFFF  }
0xa8: {  	s26 =	simm.s32 $execute0_lowered;
	[smem:$0x3FD2] =	sst s25  }
0xa9: {  	s8 =	sshll.u32 s26, $0x1;
	_ =	strace $0x80000046;
	[dreg:$0x1] =	wrdreg $0xFFFFFFFF  }
0xaa: {  	s28 =	simm.s32 $_size_execute0_lowered;
	s6 =	sadd.s32 s6, s8;
	[dreg:$0x0] =	wrdreg $0x0  }
0xab: {  	s8 =	sshll.u32 s28, $0x1;
	[dreg:$0x2] =	wrdreg s6  }
0xac: {  	[dreg:$0x3] =	wrdreg s8  }
0xad: {  	[dreg:$0x4] =	wrdreg $0xC0  }
0xae: {  	_ =	task [dreg:s10], $0x5FFFF  }
0xaf: {  	[dreg:$0x1] =	wrdreg $0xFFFFFFFF  }
0xb0: {  	[dreg:$0x0] =	wrdreg $0x60  }
0xb1: {  	[dreg:$0x2] =	wrdreg s2  }
0xb2: {  	[dreg:$0x3] =	wrdreg s18  }
0xb3: {  	[dreg:$0x4] =	wrdreg s4  }
0xb4: {  	[dreg:$0x5] =	wrdreg s5  }
0xb5: {  	[dreg:$0x6] =	wrdreg s24  }
0xb6: {  	[dreg:$0x7] =	wrdreg $0x9  }
0xb7: {  	_ =	task.clear_ibuf [dreg:s10], $0x8FFFF;
	_ =	strace $0x90000046  }
0xb8: {  	s29 =	simm.s32 $0x9;
	_ =	strace $0x80000048  }
0xb9: {  	_ =	swait.ge [sflag:s29], $0x1  }
0xba: {  	[sflag:s29] =	ssyncadd.s32 $0xFFFFFFFF  }
0xbb: {  	_ =	strace $0x90000048  }
0xbc: {  	_ =	sfence  }
0xbd: {  	s30 =	sld [smem:$0x0];
	_ =	sdelay $0x2  }
0xbe: {  	s31 =	sshll.u32 s1, $0xD;
	s1 =	sshrl.u32 s1, $0x2  }
0xbf: {  	s3 =	sand.u32 $0x4000, s31;
	s1 =	sadd.s32 s1, s30  }
0xc0: {  	s0 =	sor.u32 s3, s0;
	s1 =	sshll.u32 s1, $0x11  }
0xc1: {  	s0 =	sor.u32 s1, s0  }
0xc2: {  	s0 =	sadd.s32 $0x8F2B, s0  }
0xc3: {  	[sflag:s0] =	ssyncadd.remote.s32 $0x1  }
0xc4: {  	_ =	sfence.sel $0xFFFF  }
0xc5: {  	[dreg:$0x0] =	wrdreg $0xFFFFFFFF;
	(pc) =	sbr.abs _section_cstart, $3  }
0xc6: {  	[dreg:$0x1] =	wrdreg $0xFFFFFFFF  }
0xc7: {  	_ =	task.clear_ibuf [dreg:s10], $0x2FFFF;
	_ =	strace $0x9FFFFFFF  }
0xc8: {  	(tm) =	ssettm $0x7FFFFFFF  }
0xc9: {  	_ =	shalt  }
tec
execute0_lowered:
.L_overlay_start_1:
0x0: {  	(tag) =	ssettag $0x1  }
0x1: {  	s0 =	rddreg [dreg:$0x0]  }
0x2: {  	s2 =	rddreg [dreg:$0x1]  }
0x3: {  	s8 =	rddreg [dreg:$0x2]  }
0x4: {  	s9 =	rddreg [dreg:$0x3]  }
0x5: {  	s6 =	rddreg [dreg:$0x4];
	s1 =	simm.s32 $0x0  }
0x6: {  	s5 =	srdreg.scid;
	s10 =	stileid.u32;
	s13 =	simm.s32 $0x200  }
0x7: {  	s16 =	simm.s32 $0x80;
	s20 =	simm.s32 $0x280;
	s22 =	simm.s32 $0x100  }
0x8: {  	s24 =	simm.s32 $0x300;
	s26 =	simm.s32 $0x180;
	s28 =	simm.s32 $0x980  }
0x9: {  	s29 =	simm.s32 $0x380;
	s30 =	simm.s32 $0xB80;
	s31 =	simm.s32 $0xC00  }
0xa: {  	vm0 =	vcmask $0x2F20;
	vm1 =	vcmask $0xF00;
	s14 =	simm.s32 $0x6C00;
	s15 =	simm.s32 $0x1;
	s17 =	simm.s32 $0x9000  }
0xb: {  	vm2 =	vcmask $0x300;
	s18 =	simm.s32 $0x0;
	[smem:$0x7FF] =	sst s1;
	s3 =	sadd.s32 $0x16E3800, s6;
	vm0 =	vmor vm1, vm0;
	vm1 =	vcmask $0xB08  }
0xc: {  	vm3 =	vcmask $0x1710;
	s4 =	sadd.s32 $0xF42600, s6;
	s7 =	sand.u32 $0x1, s5;
	s10 =	sshll.u32 s10, $0x1;
	vm1 =	vmor vm2, vm1;
	vm2 =	vcmask $0x1310  }
0xd: {  	vm4 =	vcmask $0x700;
	s5 =	sadd.s32 $0x200, s6;
	s10 =	sor.u32 s7, s10;
	s7 =	ssub.s32 $0x2, s7;
	vm1 =	vmor vm1, vm2;
	vm2 =	vcmask $0x1B18  }
0xe: {  	vm6 =	vcmask $0x3B38;
	_ =	strace $0x80000047;
	s11 =	sshll.u32 s10, $0x1;
	s12 =	sshrl.u32 s7, $0x1;
	vm1 =	vmor vm1, vm2;
	vm2 =	vcmask $0x2320  }
0xf: {  	vm3 =	vmor vm4, vm3;
	s10 =	sshll.u32 s10, $0x6;
	s11 =	sadd.s32 s11, s6;
	s12 =	ssub.s32 s7, s12;
	vm1 =	vmor vm1, vm2;
	vm2 =	vcmask $0x2B28  }
0x10: {  	vm4 =	vcmask $0x2720;
	s6 =	sadd.s32 s0, s10;
	s7 =	sadd.s32 s2, s10;
	s8 =	sadd.s32 s8, s10;
	vm1 =	vmor vm1, vm2;
	vm2 =	vcmask $0x3330  }
0x11: {  	vm3 =	vmor vm3, vm4;
	vm4 =	vcmask $0x3730;
	s9 =	sadd.s32 s9, s10;
	s0 =	simm.s32 $0x4C00;
	s2 =	simm.s32 $0x2C00;
	vm5 =	vmor vm1, vm2  }
0x12: {  	s10 =	sadd.s32 $0x1EC00, s11;
	s11 =	smax.u32 s12, $0x1;
	s12 =	simm.s32 $0x2;
	vm1 =	vmor vm3, vm4;
	vm2 =	vmmov $0xff;
	vm3 =	vmor vm5, vm6  }
.LBB2_1:
0x13: {  	[tilespmem:s1], [sflag:$0x2] =	stream.linear.gather [hbm4b:s6+s1], $0x200, $0x38;
	[tilespmem:$0x9010] =	vst v63  }
0x14: {  	_ =	swait.ge [sflag:s12], $0x200  }
0x15: {  	[sflag:s12] =	ssyncset.done $0x0  }
0x16: {  	[sflag:s12] =	ssyncadd.s32 $0xFFFFFE00  }
0x17: {  	[tilespmem:s13], [sflag:$0x2] =	stream.linear.gather [hbm4b:s7+s1], $0x200, $0x38;
	[tilespmem:$0x9010] =	vst v63  }
0x18: {  	_ =	swait.ge [sflag:s12], $0x200  }
0x19: {  	[sflag:s12] =	ssyncset.done $0x0  }
0x1a: {  	s19 =	simm.s32 $0x400;
	[sflag:s12] =	ssyncadd.s32 $0xFFFFFE00  }
0x1b: {  	[tilespmem:s19], [sflag:$0x2] =	stream.linear.gather [hbm4b:s8+s1], $0x200, $0x38;
	[tilespmem:$0x9010] =	vst v63  }
0x1c: {  	_ =	swait.ge [sflag:s12], $0x200  }
0x1d: {  	[sflag:s12] =	ssyncset.done $0x0  }
0x1e: {  	s25 =	simm.s32 $0x600;
	[sflag:s12] =	ssyncadd.s32 $0xFFFFFE00  }
0x1f: {  	[tilespmem:s25], [sflag:$0x2] =	stream.linear.gather [hbm4b:s9+s1], $0x200, $0x38;
	[tilespmem:$0x9010] =	vst v63  }
0x20: {  	_ =	swait.ge [sflag:s12], $0x200  }
0x21: {  	[sflag:s12] =	ssyncset.done $0x0  }
0x22: {  	s21 =	simm.s32 $0x800;
	[sflag:s12] =	ssyncadd.s32 $0xFFFFFE00  }
0x23: {  	[tilespmem:s21], [sflag:$0x1] =	stream.indirect.gather [hbm4b:s5+s16], $0x1, s1, s16, $0xb8;
	[tilespmem:$0x9010] =	vst v63  }
0x24: {  	s23 =	simm.s32 $0xA00  }
0x25: {  	[tilespmem:s23], [sflag:$0x1] =	stream.indirect.gather [hbm4b:s5+s16], $0x1, s13, s16, $0xb8;
	[tilespmem:$0x9010] =	vst v63  }
0x26: {  	s25 =	simm.s32 $0x880  }
0x27: {  	[tilespmem:s25], [sflag:$0x1] =	stream.indirect.gather [hbm4b:s5+s16], $0x1, s16, s16, $0xb8;
	[tilespmem:$0x9010] =	vst v63  }
0x28: {  	s21 =	simm.s32 $0xA80  }
0x29: {  	[tilespmem:s21], [sflag:$0x1] =	stream.indirect.gather [hbm4b:s5+s16], $0x1, s20, s16, $0xb8;
	[tilespmem:$0x9010] =	vst v63  }
0x2a: {  	s23 =	simm.s32 $0x900  }
0x2b: {  	[tilespmem:s23], [sflag:$0x1] =	stream.indirect.gather [hbm4b:s5+s16], $0x1, s22, s16, $0xb8;
	[tilespmem:$0x9010] =	vst v63  }
0x2c: {  	s25 =	simm.s32 $0xB00  }
0x2d: {  	[tilespmem:s25], [sflag:$0x1] =	stream.indirect.gather [hbm4b:s5+s16], $0x1, s24, s16, $0xb8;
	[tilespmem:$0x9010] =	vst v63  }
0x2e: {  	_ = 	snop  }
0x2f: {  	[tilespmem:s28], [sflag:$0x1] =	stream.indirect.gather [hbm4b:s5+s16], $0x1, s26, s16, $0xb8;
	[tilespmem:$0x9010] =	vst v63  }
0x30: {  	_ = 	snop  }
0x31: {  	[tilespmem:s30], [sflag:$0x1] =	stream.indirect.gather [hbm4b:s5+s16], $0x1, s29, s16, $0xb8;
	[tilespmem:$0x9010] =	vst v63  }
0x32: {  	_ = 	snop  }
0x33: {  	[tilespmem:s31], [sflag:$0x1] =	stream.indirect.gather [hbm4b:s3+s16], $0x40, s1, s16, $0xb8;
	[tilespmem:$0x9010] =	vst v63  }
0x34: {  	_ = 	snop  }
0x35: {  	[tilespmem:s0], [sflag:$0x1] =	stream.indirect.gather [hbm4b:s4+s16], $0x40, s13, s16, $0xb8;
	[tilespmem:$0x9010] =	vst v63  }
0x36: {  	_ = 	snop  }
0x37: {  	[tilespmem:s2], [sflag:$0x1] =	stream.indirect.gather [hbm4b:s3+s16], $0x40, s16, s16, $0xb8;
	[tilespmem:$0x9010] =	vst v63  }
0x38: {  	_ = 	snop  }
0x39: {  	[tilespmem:s14], [sflag:$0x1] =	stream.indirect.gather [hbm4b:s4+s16], $0x40, s20, s16, $0xb8;
	[tilespmem:$0x9010] =	vst v63  }
0x3a: {  	_ =	swait.ge [sflag:s15], $0x2000  }
0x3b: {  	[sflag:s15] =	ssyncset.done $0x0  }
0x3c: {  	[sflag:s15] =	ssyncadd.s32 $0xFFFFE000  }
0x3d: {  	_ =	swait.ge [sflag:s15], $0x2000  }
0x3e: {  	[sflag:s15] =	ssyncset.done $0x0  }
0x3f: {  	[sflag:s15] =	ssyncadd.s32 $0xFFFFE000  }
0x40: {  	_ =	swait.ge [sflag:s15], $0x2000  }
0x41: {  	[sflag:s15] =	ssyncset.done $0x0  }
0x42: {  	[sflag:s15] =	ssyncadd.s32 $0xFFFFE000  }
0x43: {  	_ =	swait.ge [sflag:s15], $0x2000  }
0x44: {  	[sflag:s15] =	ssyncset.done $0x0  }
0x45: {  	[sflag:s15] =	ssyncadd.s32 $0xFFFFE000  }
0x46: {  	_ =	swait.ge [sflag:s15], $0x80  }
0x47: {  	[sflag:s15] =	ssyncset.done $0x0  }
0x48: {  	[sflag:s15] =	ssyncadd.s32 $0xFFFFFF80  }
0x49: {  	_ =	swait.ge [sflag:s15], $0x80  }
0x4a: {  	[sflag:s15] =	ssyncset.done $0x0  }
0x4b: {  	[sflag:s15] =	ssyncadd.s32 $0xFFFFFF80  }
0x4c: {  	_ =	swait.ge [sflag:s15], $0x80  }
0x4d: {  	[sflag:s15] =	ssyncset.done $0x0  }
0x4e: {  	[sflag:s15] =	ssyncadd.s32 $0xFFFFFF80  }
0x4f: {  	_ =	swait.ge [sflag:s15], $0x80  }
0x50: {  	[sflag:s15] =	ssyncset.done $0x0  }
0x51: {  	[sflag:s15] =	ssyncadd.s32 $0xFFFFFF80  }
0x52: {  	_ =	swait.ge [sflag:s15], $0x80  }
0x53: {  	[sflag:s15] =	ssyncset.done $0x0  }
0x54: {  	[sflag:s15] =	ssyncadd.s32 $0xFFFFFF80  }
0x55: {  	_ =	swait.ge [sflag:s15], $0x80  }
0x56: {  	[sflag:s15] =	ssyncset.done $0x0  }
0x57: {  	[sflag:s15] =	ssyncadd.s32 $0xFFFFFF80  }
0x58: {  	_ =	swait.ge [sflag:s15], $0x80  }
0x59: {  	[sflag:s15] =	ssyncset.done $0x0  }
0x5a: {  	[sflag:s15] =	ssyncadd.s32 $0xFFFFFF80  }
0x5b: {  	_ =	swait.ge [sflag:s15], $0x80  }
0x5c: {  	s19 =	simm.s32 $0xE00;
	[sflag:s15] =	ssyncset.done $0x0  }
0x5d: {  	v0 =	vimm.f32 $0.0e+00;
	s21 =	simm.s32 $0x4E00;
	s23 =	simm.s32 $0x0;
	[sflag:s15] =	ssyncadd.s32 $0xFFFFFF80  }
.LBB2_2:
0x5e: {  	v1 =	vld [tilespmem:s19+$0xFFFFFE00]  }
0x5f: {  	v2 =	vld [tilespmem:s21+$0xFFFFFE00]  }
0x60: {  	v3 =	vld [tilespmem:s19+$0xFFFFFE10]  }
0x61: {  	v4 =	vld [tilespmem:s21+$0xFFFFFE10]  }
0x62: {  	v5 =	vld [tilespmem:s19+$0xFFFFFE20]  }
0x63: {  	v6 =	vld [tilespmem:s21+$0xFFFFFE20]  }
0x64: {  	v7 =	vld [tilespmem:s19+$0xFFFFFE30]  }
0x65: {  	v8 =	vld [tilespmem:s21+$0xFFFFFE30]  }
0x66: {  	v1 =	vmul.f32 v2, v1;
	v2 =	vmul.f32 v4, v3;
	_ =	sdelay $0x1  }
0x67: {  	v1 =	vadd.f32 v2, v1;
	v2 =	vmul.f32 v6, v5;
	_ =	sdelay $0x1  }
0x68: {  	v1 =	vadd.f32 v2, v1;
	v2 =	vmul.f32 v8, v7;
	_ =	sdelay $0x1  }
0x69: {  	v1 =	vadd.f32 v2, v1;
	_ =	sdelay $0x1  }
0x6a: {  	[tilespmem:$0x8C08] =	vst v1  }
0x6b: {  	v2 =	vld [tilespmem:s19+$0x0]  }
0x6c: {  	v3 =	vld [tilespmem:s21+$0x0]  }
0x6d: {  	v55 =	vld [tilespmem:s19+$0x10]  }
0x6e: {  	v56 =	vld [tilespmem:s21+$0x10]  }
0x6f: {  	v57 =	vld [tilespmem:s19+$0x20]  }
0x70: {  	v58 =	vld [tilespmem:s21+$0x20]  }
0x71: {  	v59 =	vld [tilespmem:s19+$0x30]  }
0x72: {  	v9 =	vld [tilespmem:s21+$0x30]  }
0x73: {  	v2 =	vmul.f32 v3, v2;
	v3 =	vmul.f32 v56, v55;
	_ =	sdelay $0x1  }
0x74: {  	v2 =	vadd.f32 v3, v2;
	v3 =	vmul.f32 v58, v57;
	_ =	sdelay $0x1  }
0x75: {  	v2 =	vadd.f32 v3, v2;
	v3 =	vmul.f32 v9, v59;
	_ =	sdelay $0x1  }
0x76: {  	v2 =	vadd.f32 v3, v2;
	_ =	sdelay $0x1  }
0x77: {  	[tilespmem:$0x8C28] =	vst v2  }
0x78: {  	v3 =	vld [tilespmem:s19+$0xFFFFFF00]  }
0x79: {  	v60 =	vld [tilespmem:s21+$0xFFFFFF00]  }
0x7a: {  	v61 =	vld [tilespmem:s19+$0xFFFFFF10]  }
0x7b: {  	v62 =	vld [tilespmem:s21+$0xFFFFFF10]  }
0x7c: {  	v63 =	vld [tilespmem:s19+$0xFFFFFF20]  }
0x7d: {  	v12 =	vld [tilespmem:s21+$0xFFFFFF20]  }
0x7e: {  	v13 =	vld [tilespmem:s19+$0xFFFFFF30]  }
0x7f: {  	v10 =	vld [tilespmem:s21+$0xFFFFFF30]  }
0x80: {  	v3 =	vmul.f32 v60, v3;
	v14 =	vmul.f32 v62, v61;
	_ =	sdelay $0x1  }
0x81: {  	v15 =	vmul.f32 v12, v63;
	v3 =	vadd.f32 v14, v3;
	_ =	sdelay $0x1  }
0x82: {  	v16 =	vmul.f32 v10, v13;
	v3 =	vadd.f32 v15, v3;
	_ =	sdelay $0x1  }
0x83: {  	v3 =	vadd.f32 v16, v3;
	_ =	sdelay $0x1  }
0x84: {  	[tilespmem:$0x8C48] =	vst v3  }
0x85: {  	v17 =	vld [tilespmem:s19+$0x100]  }
0x86: {  	v18 =	vld [tilespmem:s21+$0x100]  }
0x87: {  	v19 =	vld [tilespmem:s19+$0x110]  }
0x88: {  	v20 =	vld [tilespmem:s21+$0x110]  }
0x89: {  	v21 =	vld [tilespmem:s19+$0x120]  }
0x8a: {  	v22 =	vld [tilespmem:s21+$0x120]  }
0x8b: {  	v23 =	vld [tilespmem:s19+$0x130]  }
0x8c: {  	v11 =	vld [tilespmem:s21+$0x130]  }
0x8d: {  	v4 =	vmul.f32 v18, v17;
	v24 =	vmul.f32 v20, v19;
	_ =	sdelay $0x1  }
0x8e: {  	v25 =	vmul.f32 v22, v21;
	v4 =	vadd.f32 v24, v4;
	_ =	sdelay $0x1  }
0x8f: {  	v26 =	vmul.f32 v11, v23;
	v4 =	vadd.f32 v25, v4;
	_ =	sdelay $0x1  }
0x90: {  	v4 =	vadd.f32 v26, v4;
	_ =	sdelay $0x1  }
0x91: {  	[tilespmem:$0x8C68] =	vst v4  }
0x92: {  	v27 =	vld [tilespmem:s19+$0xFFFFFE80]  }
0x93: {  	v28 =	vld [tilespmem:s21+$0xFFFFFE80]  }
0x94: {  	v29 =	vld [tilespmem:s19+$0xFFFFFE90]  }
0x95: {  	v30 =	vld [tilespmem:s21+$0xFFFFFE90]  }
0x96: {  	v31 =	vld [tilespmem:s19+$0xFFFFFEA0]  }
0x97: {  	v32 =	vld [tilespmem:s21+$0xFFFFFEA0]  }
0x98: {  	v33 =	vld [tilespmem:s19+$0xFFFFFEB0]  }
0x99: {  	v12 =	vld [tilespmem:s21+$0xFFFFFEB0]  }
0x9a: {  	v5 =	vmul.f32 v28, v27;
	v34 =	vmul.f32 v30, v29;
	_ =	sdelay $0x1  }
0x9b: {  	v35 =	vmul.f32 v32, v31;
	v5 =	vadd.f32 v34, v5;
	_ =	sdelay $0x1  }
0x9c: {  	v36 =	vmul.f32 v12, v33;
	v5 =	vadd.f32 v35, v5;
	_ =	sdelay $0x1  }
0x9d: {  	v5 =	vadd.f32 v36, v5;
	_ =	sdelay $0x1  }
0x9e: {  	[tilespmem:$0x8C88] =	vst v5  }
0x9f: {  	v37 =	vld [tilespmem:s19+$0x80]  }
0xa0: {  	v38 =	vld [tilespmem:s21+$0x80]  }
0xa1: {  	v39 =	vld [tilespmem:s19+$0x90]  }
0xa2: {  	v40 =	vld [tilespmem:s21+$0x90]  }
0xa3: {  	v41 =	vld [tilespmem:s19+$0xA0]  }
0xa4: {  	v42 =	vld [tilespmem:s21+$0xA0]  }
0xa5: {  	v43 =	vld [tilespmem:s19+$0xB0]  }
0xa6: {  	v13 =	vld [tilespmem:s21+$0xB0]  }
0xa7: {  	v6 =	vmul.f32 v38, v37;
	v44 =	vmul.f32 v40, v39;
	_ =	sdelay $0x1  }
0xa8: {  	v45 =	vmul.f32 v42, v41;
	v6 =	vadd.f32 v44, v6;
	_ =	sdelay $0x1  }
0xa9: {  	v46 =	vmul.f32 v13, v43;
	v6 =	vadd.f32 v45, v6;
	_ =	sdelay $0x1  }
0xaa: {  	v6 =	vadd.f32 v46, v6;
	_ =	sdelay $0x1  }
0xab: {  	[tilespmem:$0x8CA8] =	vst v6  }
0xac: {  	v47 =	vld [tilespmem:s19+$0xFFFFFF80]  }
0xad: {  	v48 =	vld [tilespmem:s21+$0xFFFFFF80]  }
0xae: {  	v49 =	vld [tilespmem:s19+$0xFFFFFF90]  }
0xaf: {  	v50 =	vld [tilespmem:s21+$0xFFFFFF90]  }
0xb0: {  	v51 =	vld [tilespmem:s19+$0xFFFFFFA0]  }
0xb1: {  	v52 =	vld [tilespmem:s21+$0xFFFFFFA0]  }
0xb2: {  	v53 =	vld [tilespmem:s19+$0xFFFFFFB0]  }
0xb3: {  	v14 =	vld [tilespmem:s21+$0xFFFFFFB0]  }
0xb4: {  	v7 =	vmul.f32 v48, v47;
	v54 =	vmul.f32 v50, v49;
	_ =	sdelay $0x1  }
0xb5: {  	v55 =	vmul.f32 v52, v51;
	v7 =	vadd.f32 v54, v7;
	_ =	sdelay $0x1  }
0xb6: {  	v56 =	vmul.f32 v14, v53;
	v7 =	vadd.f32 v55, v7;
	_ =	sdelay $0x1  }
0xb7: {  	v7 =	vadd.f32 v56, v7;
	_ =	sdelay $0x1  }
0xb8: {  	[tilespmem:$0x8CC8] =	vst v7  }
0xb9: {  	v57 =	vld [tilespmem:s19+$0x180]  }
0xba: {  	v58 =	vld [tilespmem:s21+$0x180]  }
0xbb: {  	v59 =	vld [tilespmem:s19+$0x190]  }
0xbc: {  	v60 =	vld [tilespmem:s21+$0x190]  }
0xbd: {  	v61 =	vld [tilespmem:s19+$0x1A0]  }
0xbe: {  	v62 =	vld [tilespmem:s21+$0x1A0]  }
0xbf: {  	v63 =	vld [tilespmem:s19+$0x1B0]  }
0xc0: {  	v15 =	vld [tilespmem:s21+$0x1B0]  }
0xc1: {  	v8 =	vmul.f32 v58, v57;
	v18 =	vmul.f32 v60, v59;
	_ =	sdelay $0x1  }
0xc2: {  	v19 =	vmul.f32 v62, v61;
	v8 =	vadd.f32 v18, v8;
	_ =	sdelay $0x1  }
0xc3: {  	v20 =	vmul.f32 v15, v63;
	v8 =	vadd.f32 v19, v8;
	_ =	sdelay $0x1  }
0xc4: {  	v8 =	vadd.f32 v20, v8;
	_ =	sdelay $0x1  }
0xc5: {  	[tilespmem:$0x8CE8] =	vst v8  }
0xc6: {  	v21 =	vld [tilespmem:s19+$0xFFFFFE40]  }
0xc7: {  	v22 =	vld [tilespmem:s21+$0xFFFFFE40]  }
0xc8: {  	v23 =	vld [tilespmem:s19+$0xFFFFFE50]  }
0xc9: {  	v24 =	vld [tilespmem:s21+$0xFFFFFE50]  }
0xca: {  	v25 =	vld [tilespmem:s19+$0xFFFFFE60]  }
0xcb: {  	v26 =	vld [tilespmem:s21+$0xFFFFFE60]  }
0xcc: {  	v27 =	vld [tilespmem:s19+$0xFFFFFE70]  }
0xcd: {  	v16 =	vld [tilespmem:s21+$0xFFFFFE70]  }
0xce: {  	v9 =	vmul.f32 v22, v21;
	v28 =	vmul.f32 v24, v23;
	_ =	sdelay $0x1  }
0xcf: {  	v29 =	vmul.f32 v26, v25;
	v9 =	vadd.f32 v28, v9;
	_ =	sdelay $0x1  }
0xd0: {  	v30 =	vmul.f32 v16, v27;
	v9 =	vadd.f32 v29, v9;
	_ =	sdelay $0x1  }
0xd1: {  	v9 =	vadd.f32 v30, v9;
	_ =	sdelay $0x1  }
0xd2: {  	[tilespmem:$0x8D08] =	vst v9  }
0xd3: {  	v31 =	vld [tilespmem:s19+$0x40]  }
0xd4: {  	v32 =	vld [tilespmem:s21+$0x40]  }
0xd5: {  	v33 =	vld [tilespmem:s19+$0x50]  }
0xd6: {  	v34 =	vld [tilespmem:s21+$0x50]  }
0xd7: {  	v35 =	vld [tilespmem:s19+$0x60]  }
0xd8: {  	v36 =	vld [tilespmem:s21+$0x60]  }
0xd9: {  	v37 =	vld [tilespmem:s19+$0x70]  }
0xda: {  	v17 =	vld [tilespmem:s21+$0x70]  }
0xdb: {  	v10 =	vmul.f32 v32, v31;
	v38 =	vmul.f32 v34, v33;
	_ =	sdelay $0x1  }
0xdc: {  	v39 =	vmul.f32 v36, v35;
	v10 =	vadd.f32 v38, v10;
	_ =	sdelay $0x1  }
0xdd: {  	v40 =	vmul.f32 v17, v37;
	v10 =	vadd.f32 v39, v10;
	_ =	sdelay $0x1  }
0xde: {  	v10 =	vadd.f32 v40, v10;
	_ =	sdelay $0x1  }
0xdf: {  	[tilespmem:$0x8D28] =	vst v10  }
0xe0: {  	v41 =	vld [tilespmem:s19+$0xFFFFFF40]  }
0xe1: {  	v42 =	vld [tilespmem:s21+$0xFFFFFF40]  }
0xe2: {  	v43 =	vld [tilespmem:s19+$0xFFFFFF50]  }
0xe3: {  	v44 =	vld [tilespmem:s21+$0xFFFFFF50]  }
0xe4: {  	v45 =	vld [tilespmem:s19+$0xFFFFFF60]  }
0xe5: {  	v46 =	vld [tilespmem:s21+$0xFFFFFF60]  }
0xe6: {  	v47 =	vld [tilespmem:s19+$0xFFFFFF70]  }
0xe7: {  	v18 =	vld [tilespmem:s21+$0xFFFFFF70]  }
0xe8: {  	v11 =	vmul.f32 v42, v41;
	v48 =	vmul.f32 v44, v43;
	_ =	sdelay $0x1  }
0xe9: {  	v49 =	vmul.f32 v46, v45;
	v11 =	vadd.f32 v48, v11;
	_ =	sdelay $0x1  }
0xea: {  	v50 =	vmul.f32 v18, v47;
	v11 =	vadd.f32 v49, v11;
	_ =	sdelay $0x1  }
0xeb: {  	v11 =	vadd.f32 v50, v11;
	_ =	sdelay $0x1  }
0xec: {  	[tilespmem:$0x8D48] =	vst v11  }
0xed: {  	v51 =	vld [tilespmem:s19+$0x140]  }
0xee: {  	v52 =	vld [tilespmem:s21+$0x140]  }
0xef: {  	v53 =	vld [tilespmem:s19+$0x150]  }
0xf0: {  	v54 =	vld [tilespmem:s21+$0x150]  }
0xf1: {  	v55 =	vld [tilespmem:s19+$0x160]  }
0xf2: {  	v56 =	vld [tilespmem:s21+$0x160]  }
0xf3: {  	v57 =	vld [tilespmem:s19+$0x170]  }
0xf4: {  	v19 =	vld [tilespmem:s21+$0x170]  }
0xf5: {  	v12 =	vmul.f32 v52, v51;
	v58 =	vmul.f32 v54, v53;
	_ =	sdelay $0x1  }
0xf6: {  	v59 =	vmul.f32 v56, v55;
	v12 =	vadd.f32 v58, v12;
	_ =	sdelay $0x1  }
0xf7: {  	v60 =	vmul.f32 v19, v57;
	v12 =	vadd.f32 v59, v12;
	_ =	sdelay $0x1  }
0xf8: {  	v12 =	vadd.f32 v60, v12;
	_ =	sdelay $0x1  }
0xf9: {  	[tilespmem:$0x8D68] =	vst v12  }
0xfa: {  	v61 =	vld [tilespmem:s19+$0xFFFFFEC0]  }
0xfb: {  	v62 =	vld [tilespmem:s21+$0xFFFFFEC0]  }
0xfc: {  	v63 =	vld [tilespmem:s19+$0xFFFFFED0]  }
0xfd: {  	v24 =	vld [tilespmem:s21+$0xFFFFFED0]  }
0xfe: {  	v25 =	vld [tilespmem:s19+$0xFFFFFEE0]  }
0xff: {  	v26 =	vld [tilespmem:s21+$0xFFFFFEE0]  }
0x100: {  	v27 =	vld [tilespmem:s19+$0xFFFFFEF0]  }
0x101: {  	v20 =	vld [tilespmem:s21+$0xFFFFFEF0]  }
0x102: {  	v13 =	vmul.f32 v62, v61;
	v28 =	vmul.f32 v24, v63;
	_ =	sdelay $0x1  }
0x103: {  	v29 =	vmul.f32 v26, v25;
	v13 =	vadd.f32 v28, v13;
	_ =	sdelay $0x1  }
0x104: {  	v30 =	vmul.f32 v20, v27;
	v13 =	vadd.f32 v29, v13;
	_ =	sdelay $0x1  }
0x105: {  	v13 =	vadd.f32 v30, v13;
	_ =	sdelay $0x1  }
0x106: {  	[tilespmem:$0x8D88] =	vst v13  }
0x107: {  	v31 =	vld [tilespmem:s19+$0xC0]  }
0x108: {  	v32 =	vld [tilespmem:s21+$0xC0]  }
0x109: {  	v33 =	vld [tilespmem:s19+$0xD0]  }
0x10a: {  	v34 =	vld [tilespmem:s21+$0xD0]  }
0x10b: {  	v35 =	vld [tilespmem:s19+$0xE0]  }
0x10c: {  	v36 =	vld [tilespmem:s21+$0xE0]  }
0x10d: {  	v37 =	vld [tilespmem:s19+$0xF0]  }
0x10e: {  	v21 =	vld [tilespmem:s21+$0xF0]  }
0x10f: {  	v14 =	vmul.f32 v32, v31;
	v38 =	vmul.f32 v34, v33;
	_ =	sdelay $0x1  }
0x110: {  	v39 =	vmul.f32 v36, v35;
	v14 =	vadd.f32 v38, v14;
	_ =	sdelay $0x1  }
0x111: {  	v40 =	vmul.f32 v21, v37;
	v14 =	vadd.f32 v39, v14;
	_ =	sdelay $0x1  }
0x112: {  	v14 =	vadd.f32 v40, v14;
	_ =	sdelay $0x1  }
0x113: {  	[tilespmem:$0x8DA8] =	vst v14  }
0x114: {  	v41 =	vld [tilespmem:s19+$0xFFFFFFC0]  }
0x115: {  	v42 =	vld [tilespmem:s21+$0xFFFFFFC0]  }
0x116: {  	v43 =	vld [tilespmem:s19+$0xFFFFFFD0]  }
0x117: {  	v44 =	vld [tilespmem:s21+$0xFFFFFFD0]  }
0x118: {  	v45 =	vld [tilespmem:s19+$0xFFFFFFE0]  }
0x119: {  	v46 =	vld [tilespmem:s21+$0xFFFFFFE0]  }
0x11a: {  	v47 =	vld [tilespmem:s19+$0xFFFFFFF0]  }
0x11b: {  	v22 =	vld [tilespmem:s21+$0xFFFFFFF0]  }
0x11c: {  	v15 =	vmul.f32 v42, v41;
	v48 =	vmul.f32 v44, v43;
	_ =	sdelay $0x1  }
0x11d: {  	v49 =	vmul.f32 v46, v45;
	v15 =	vadd.f32 v48, v15  }
0x11e: {  	v59 =	vld [tilespmem:$0x8CD0]  }
0x11f: {  	v60 =	vld [tilespmem:$0x8CE0];
	v50 =	vmul.f32 v22, v47;
	v15 =	vadd.f32 v49, v15  }
0x120: {  	v24 =	vld [tilespmem:$0x8C10]  }
0x121: {  	v25 =	vld [tilespmem:$0x8C20];
	v15 =	vadd.f32 v50, v15  }
0x122: {  	v26 =	vld [tilespmem:$0x8C50]  }
0x123: {  	v27 =	vld [tilespmem:$0x8C60];
	[tilespmem:$0x8DC8] =	vst v15  }
0x124: {  	v51 =	vld [tilespmem:s19+$0x1C0]  }
0x125: {  	v52 =	vld [tilespmem:s21+$0x1C0]  }
0x126: {  	v53 =	vld [tilespmem:s19+$0x1D0]  }
0x127: {  	v54 =	vld [tilespmem:s21+$0x1D0]  }
0x128: {  	v55 =	vld [tilespmem:s19+$0x1E0]  }
0x129: {  	v56 =	vld [tilespmem:s21+$0x1E0]  }
0x12a: {  	v57 =	vld [tilespmem:s19+$0x1F0]  }
0x12b: {  	v23 =	vld [tilespmem:s21+$0x1F0]  }
0x12c: {  	v62 =	vld [tilespmem:$0x8D10];
	v16 =	vmul.f32 v52, v51;
	v58 =	vmul.f32 v54, v53  }
0x12d: {  	v63 =	vld [tilespmem:$0x8D20]  }
0x12e: {  	v28 =	vld [tilespmem:$0x8C90];
	v61 =	vmul.f32 v56, v55;
	v16 =	vadd.f32 v58, v16  }
0x12f: {  	v29 =	vld [tilespmem:$0x8CA0]  }
0x130: {  	v31 =	vld [tilespmem:$0x8D50];
	v30 =	vmul.f32 v23, v57;
	v16 =	vadd.f32 v61, v16  }
0x131: {  	v32 =	vld [tilespmem:$0x8D60]  }
0x132: {  	v33 =	vld [tilespmem:$0x8D90];
	v16 =	vadd.f32 v30, v16  }
0x133: {  	v1 =	vadd.f32 v24, v1;
	v2 =	vadd.f32 v25, v2;
	v34 =	vld [tilespmem:$0x8DA0]  }
0x134: {  	v3 =	vadd.f32 v26, v3;
	v4 =	vadd.f32 v27, v4;
	v35 =	vld [tilespmem:$0x8DD0];
	[tilespmem:$0x8DE8] =	vst v16  }
0x135: {  	v1 =	vsel vm2, v1, v2;
	v2 =	vadd.f32 v28, v5;
	v36 =	vadd.f32 v29, v6;
	v37 =	vld [tilespmem:$0x8DE0]  }
0x136: {  	v3 =	vsel vm2, v3, v4;
	v38 =	vadd.f32 v59, v7;
	v39 =	vadd.f32 v60, v8;
	[tilespmem:$0x8E08] =	vst v1  }
0x137: {  	v2 =	vsel vm2, v2, v36;
	v40 =	vadd.f32 v62, v9;
	v41 =	vadd.f32 v63, v10;
	[tilespmem:$0x8E28] =	vst v3;
	v42 =	vld [tilespmem:$0x8E0C]  }
0x138: {  	v4 =	vsel vm2, v38, v39;
	v43 =	vadd.f32 v31, v11;
	v44 =	vadd.f32 v32, v12;
	[tilespmem:$0x8E48] =	vst v2;
	v45 =	vld [tilespmem:$0x8E24]  }
0x139: {  	v46 =	vadd.f32 v33, v13;
	v47 =	vadd.f32 v34, v14;
	v5 =	vsel vm2, v40, v41;
	[tilespmem:$0x8E68] =	vst v4;
	v48 =	vld [tilespmem:$0x8E4C]  }
0x13a: {  	v7 =	vsel vm2, v43, v44;
	[tilespmem:$0x8E88] =	vst v5;
	v50 =	vld [tilespmem:$0x8E64];
	v49 =	vadd.f32 v35, v15;
	v6 =	vadd.f32 v37, v16  }
0x13b: {  	v8 =	vsel vm2, v46, v47;
	[tilespmem:$0x8EA8] =	vst v7;
	v51 =	vld [tilespmem:$0x8E8C]  }
0x13c: {  	[tilespmem:$0x8EC8] =	vst v8;
	v52 =	vld [tilespmem:$0x8EA4];
	v6 =	vsel vm2, v49, v6  }
0x13d: {  	v53 =	vld [tilespmem:$0x8ECC];
	[tilespmem:$0x8EE8] =	vst v6  }
0x13e: {  	v54 =	vld [tilespmem:$0x8EE4];
	_ =	sdelay $0x1  }
0x13f: {  	v1 =	vadd.f32 v42, v1;
	v3 =	vadd.f32 v45, v3  }
0x140: {  	v2 =	vadd.f32 v48, v2;
	v4 =	vadd.f32 v50, v4  }
0x141: {  	v1 =	vsel vm0, v1, v3;
	v3 =	vadd.f32 v51, v5;
	v55 =	vadd.f32 v52, v7  }
0x142: {  	v2 =	vsel vm0, v2, v4;
	[tilespmem:$0x8F08] =	vst v1;
	v56 =	vadd.f32 v53, v8;
	v6 =	vadd.f32 v54, v6  }
0x143: {  	[tilespmem:$0x8F28] =	vst v2;
	v57 =	vld [tilespmem:$0x8F0A];
	v3 =	vsel vm0, v3, v55  }
0x144: {  	v58 =	vld [tilespmem:$0x8F26];
	[tilespmem:$0x8F48] =	vst v3;
	v4 =	vsel vm0, v56, v6  }
0x145: {  	v59 =	vld [tilespmem:$0x8F4A];
	[tilespmem:$0x8F68] =	vst v4  }
0x146: {  	v60 =	vld [tilespmem:$0x8F66];
	_ =	sdelay $0x3  }
0x147: {  	v1 =	vadd.f32 v57, v1;
	v2 =	vadd.f32 v58, v2  }
0x148: {  	v3 =	vadd.f32 v59, v3;
	v4 =	vadd.f32 v60, v4  }
0x149: {  	v1 =	vsel vm1, v1, v2  }
0x14a: {  	[tilespmem:$0x8F88] =	vst v1;
	v2 =	vsel vm1, v3, v4  }
0x14b: {  	v3 =	vld [tilespmem:$0x8F89];
	[tilespmem:$0x8FA8] =	vst v2  }
0x14c: {  	v61 =	vld [tilespmem:$0x8FA7];
	_ =	sdelay $0x1  }
0x14d: {  	s25 =	sshra.s32 s23, $0x2  }
0x14e: {  	v62 =	vld [tilespmem:s25+$0x800];
	_ =	sdelay $0x1  }
0x14f: {  	v1 =	vadd.f32 v3, v1;
	v3 =	vld [tilespmem:s25+$0xA00];
	v2 =	vadd.f32 v61, v2;
	_ =	sdelay $0x1  }
0x150: {  	v1 =	vsel vm3, v1, v2;
	v2 =	vld [tilespmem:s25+$0x400]  }
0x151: {  	v1 =	vadd.f32 v1, v62  }
0x152: {  	v63 =	vld [tilespmem:s25+$0x600]  }
0x153: {  	v1 =	vadd.f32 v1, v3;
	_ =	sdelay $0x1  }
0x154: {  	v1 =	vsub.f32 v1, v2  }
0x155: {  	p0 =	sne.s32 s23, $0x3C0  }
.Ltmp0:
0x156: {  	v2 =	vmul.f32 v1, v63;
	(pc) =	sbr.rel @p0 .LBB2_2-.Ltmp0, $3  }
0x157: {  	_ = 	snop  }
0x158: {  	v1 =	vmul.f32 v2, v1;
	_ =	sdelay $0x1  }
0x159: {  	s23 =	sadd.s32 $0x40, s23;
	s19 =	sadd.s32 $0x400, s19;
	s21 =	sadd.s32 $0x400, s21;
	v0 =	vadd.f32 v1, v0  }
0x15a: {  	[tilespmem:s31], [sflag:$0x1] =	stream.indirect.gather [hbm4b:s3+s16], $0x40, s22, s16, $0xb8;
	[tilespmem:$0x9010] =	vst v63  }
0x15b: {  	_ = 	snop  }
0x15c: {  	[tilespmem:s0], [sflag:$0x1] =	stream.indirect.gather [hbm4b:s4+s16], $0x40, s24, s16, $0xb8;
	[tilespmem:$0x9010] =	vst v63  }
0x15d: {  	_ = 	snop  }
0x15e: {  	[tilespmem:s2], [sflag:$0x1] =	stream.indirect.gather [hbm4b:s3+s16], $0x40, s26, s16, $0xb8;
	[tilespmem:$0x9010] =	vst v63  }
0x15f: {  	_ = 	snop  }
0x160: {  	[tilespmem:s14], [sflag:$0x1] =	stream.indirect.gather [hbm4b:s4+s16], $0x40, s29, s16, $0xb8;
	[tilespmem:$0x9010] =	vst v63  }
0x161: {  	_ =	swait.ge [sflag:s15], $0x2000  }
0x162: {  	[sflag:s15] =	ssyncset.done $0x0  }
0x163: {  	[sflag:s15] =	ssyncadd.s32 $0xFFFFE000  }
0x164: {  	_ =	swait.ge [sflag:s15], $0x2000  }
0x165: {  	[sflag:s15] =	ssyncset.done $0x0  }
0x166: {  	[sflag:s15] =	ssyncadd.s32 $0xFFFFE000  }
0x167: {  	_ =	swait.ge [sflag:s15], $0x2000  }
0x168: {  	[sflag:s15] =	ssyncset.done $0x0  }
0x169: {  	[sflag:s15] =	ssyncadd.s32 $0xFFFFE000  }
0x16a: {  	_ =	swait.ge [sflag:s15], $0x2000  }
0x16b: {  	s19 =	simm.s32 $0x0;
	[sflag:s15] =	ssyncset.done $0x0  }
0x16c: {  	s21 =	simm.s32 $0xE00;
	s23 =	simm.s32 $0x4E00;
	[sflag:s15] =	ssyncadd.s32 $0xFFFFE000  }
.LBB2_4:
0x16d: {  	v1 =	vld [tilespmem:s21+$0xFFFFFE00]  }
0x16e: {  	v2 =	vld [tilespmem:s23+$0xFFFFFE00]  }
0x16f: {  	v3 =	vld [tilespmem:s21+$0xFFFFFE10]  }
0x170: {  	v4 =	vld [tilespmem:s23+$0xFFFFFE10]  }
0x171: {  	v5 =	vld [tilespmem:s21+$0xFFFFFE20]  }
0x172: {  	v6 =	vld [tilespmem:s23+$0xFFFFFE20]  }
0x173: {  	v7 =	vld [tilespmem:s21+$0xFFFFFE30]  }
0x174: {  	v8 =	vld [tilespmem:s23+$0xFFFFFE30]  }
0x175: {  	v1 =	vmul.f32 v2, v1;
	v2 =	vmul.f32 v4, v3;
	_ =	sdelay $0x1  }
0x176: {  	v1 =	vadd.f32 v2, v1;
	v2 =	vmul.f32 v6, v5;
	_ =	sdelay $0x1  }
0x177: {  	v1 =	vadd.f32 v2, v1;
	v2 =	vmul.f32 v8, v7;
	_ =	sdelay $0x1  }
0x178: {  	v1 =	vadd.f32 v2, v1;
	_ =	sdelay $0x1  }
0x179: {  	[tilespmem:$0x8C08] =	vst v1  }
0x17a: {  	v2 =	vld [tilespmem:s21+$0x0]  }
0x17b: {  	v3 =	vld [tilespmem:s23+$0x0]  }
0x17c: {  	v55 =	vld [tilespmem:s21+$0x10]  }
0x17d: {  	v56 =	vld [tilespmem:s23+$0x10]  }
0x17e: {  	v57 =	vld [tilespmem:s21+$0x20]  }
0x17f: {  	v58 =	vld [tilespmem:s23+$0x20]  }
0x180: {  	v59 =	vld [tilespmem:s21+$0x30]  }
0x181: {  	v9 =	vld [tilespmem:s23+$0x30]  }
0x182: {  	v2 =	vmul.f32 v3, v2;
	v3 =	vmul.f32 v56, v55;
	_ =	sdelay $0x1  }
0x183: {  	v2 =	vadd.f32 v3, v2;
	v3 =	vmul.f32 v58, v57;
	_ =	sdelay $0x1  }
0x184: {  	v2 =	vadd.f32 v3, v2;
	v3 =	vmul.f32 v9, v59;
	_ =	sdelay $0x1  }
0x185: {  	v2 =	vadd.f32 v3, v2;
	_ =	sdelay $0x1  }
0x186: {  	[tilespmem:$0x8C28] =	vst v2  }
0x187: {  	v3 =	vld [tilespmem:s21+$0xFFFFFF00]  }
0x188: {  	v60 =	vld [tilespmem:s23+$0xFFFFFF00]  }
0x189: {  	v61 =	vld [tilespmem:s21+$0xFFFFFF10]  }
0x18a: {  	v62 =	vld [tilespmem:s23+$0xFFFFFF10]  }
0x18b: {  	v63 =	vld [tilespmem:s21+$0xFFFFFF20]  }
0x18c: {  	v12 =	vld [tilespmem:s23+$0xFFFFFF20]  }
0x18d: {  	v13 =	vld [tilespmem:s21+$0xFFFFFF30]  }
0x18e: {  	v10 =	vld [tilespmem:s23+$0xFFFFFF30]  }
0x18f: {  	v3 =	vmul.f32 v60, v3;
	v14 =	vmul.f32 v62, v61;
	_ =	sdelay $0x1  }
0x190: {  	v15 =	vmul.f32 v12, v63;
	v3 =	vadd.f32 v14, v3;
	_ =	sdelay $0x1  }
0x191: {  	v16 =	vmul.f32 v10, v13;
	v3 =	vadd.f32 v15, v3;
	_ =	sdelay $0x1  }
0x192: {  	v3 =	vadd.f32 v16, v3;
	_ =	sdelay $0x1  }
0x193: {  	[tilespmem:$0x8C48] =	vst v3  }
0x194: {  	v17 =	vld [tilespmem:s21+$0x100]  }
0x195: {  	v18 =	vld [tilespmem:s23+$0x100]  }
0x196: {  	v19 =	vld [tilespmem:s21+$0x110]  }
0x197: {  	v20 =	vld [tilespmem:s23+$0x110]  }
0x198: {  	v21 =	vld [tilespmem:s21+$0x120]  }
0x199: {  	v22 =	vld [tilespmem:s23+$0x120]  }
0x19a: {  	v23 =	vld [tilespmem:s21+$0x130]  }
0x19b: {  	v11 =	vld [tilespmem:s23+$0x130]  }
0x19c: {  	v4 =	vmul.f32 v18, v17;
	v24 =	vmul.f32 v20, v19;
	_ =	sdelay $0x1  }
0x19d: {  	v25 =	vmul.f32 v22, v21;
	v4 =	vadd.f32 v24, v4;
	_ =	sdelay $0x1  }
0x19e: {  	v26 =	vmul.f32 v11, v23;
	v4 =	vadd.f32 v25, v4;
	_ =	sdelay $0x1  }
0x19f: {  	v4 =	vadd.f32 v26, v4;
	_ =	sdelay $0x1  }
0x1a0: {  	[tilespmem:$0x8C68] =	vst v4  }
0x1a1: {  	v27 =	vld [tilespmem:s21+$0xFFFFFE80]  }
0x1a2: {  	v28 =	vld [tilespmem:s23+$0xFFFFFE80]  }
0x1a3: {  	v29 =	vld [tilespmem:s21+$0xFFFFFE90]  }
0x1a4: {  	v30 =	vld [tilespmem:s23+$0xFFFFFE90]  }
0x1a5: {  	v31 =	vld [tilespmem:s21+$0xFFFFFEA0]  }
0x1a6: {  	v32 =	vld [tilespmem:s23+$0xFFFFFEA0]  }
0x1a7: {  	v33 =	vld [tilespmem:s21+$0xFFFFFEB0]  }
0x1a8: {  	v12 =	vld [tilespmem:s23+$0xFFFFFEB0]  }
0x1a9: {  	v5 =	vmul.f32 v28, v27;
	v34 =	vmul.f32 v30, v29;
	_ =	sdelay $0x1  }
0x1aa: {  	v35 =	vmul.f32 v32, v31;
	v5 =	vadd.f32 v34, v5;
	_ =	sdelay $0x1  }
0x1ab: {  	v36 =	vmul.f32 v12, v33;
	v5 =	vadd.f32 v35, v5;
	_ =	sdelay $0x1  }
0x1ac: {  	v5 =	vadd.f32 v36, v5;
	_ =	sdelay $0x1  }
0x1ad: {  	[tilespmem:$0x8C88] =	vst v5  }
0x1ae: {  	v37 =	vld [tilespmem:s21+$0x80]  }
0x1af: {  	v38 =	vld [tilespmem:s23+$0x80]  }
0x1b0: {  	v39 =	vld [tilespmem:s21+$0x90]  }
0x1b1: {  	v40 =	vld [tilespmem:s23+$0x90]  }
0x1b2: {  	v41 =	vld [tilespmem:s21+$0xA0]  }
0x1b3: {  	v42 =	vld [tilespmem:s23+$0xA0]  }
0x1b4: {  	v43 =	vld [tilespmem:s21+$0xB0]  }
0x1b5: {  	v13 =	vld [tilespmem:s23+$0xB0]  }
0x1b6: {  	v6 =	vmul.f32 v38, v37;
	v44 =	vmul.f32 v40, v39;
	_ =	sdelay $0x1  }
0x1b7: {  	v45 =	vmul.f32 v42, v41;
	v6 =	vadd.f32 v44, v6;
	_ =	sdelay $0x1  }
0x1b8: {  	v46 =	vmul.f32 v13, v43;
	v6 =	vadd.f32 v45, v6;
	_ =	sdelay $0x1  }
0x1b9: {  	v6 =	vadd.f32 v46, v6;
	_ =	sdelay $0x1  }
0x1ba: {  	[tilespmem:$0x8CA8] =	vst v6  }
0x1bb: {  	v47 =	vld [tilespmem:s21+$0xFFFFFF80]  }
0x1bc: {  	v48 =	vld [tilespmem:s23+$0xFFFFFF80]  }
0x1bd: {  	v49 =	vld [tilespmem:s21+$0xFFFFFF90]  }
0x1be: {  	v50 =	vld [tilespmem:s23+$0xFFFFFF90]  }
0x1bf: {  	v51 =	vld [tilespmem:s21+$0xFFFFFFA0]  }
0x1c0: {  	v52 =	vld [tilespmem:s23+$0xFFFFFFA0]  }
0x1c1: {  	v53 =	vld [tilespmem:s21+$0xFFFFFFB0]  }
0x1c2: {  	v14 =	vld [tilespmem:s23+$0xFFFFFFB0]  }
0x1c3: {  	v7 =	vmul.f32 v48, v47;
	v54 =	vmul.f32 v50, v49;
	_ =	sdelay $0x1  }
0x1c4: {  	v55 =	vmul.f32 v52, v51;
	v7 =	vadd.f32 v54, v7;
	_ =	sdelay $0x1  }
0x1c5: {  	v56 =	vmul.f32 v14, v53;
	v7 =	vadd.f32 v55, v7;
	_ =	sdelay $0x1  }
0x1c6: {  	v7 =	vadd.f32 v56, v7;
	_ =	sdelay $0x1  }
0x1c7: {  	[tilespmem:$0x8CC8] =	vst v7  }
0x1c8: {  	v57 =	vld [tilespmem:s21+$0x180]  }
0x1c9: {  	v58 =	vld [tilespmem:s23+$0x180]  }
0x1ca: {  	v59 =	vld [tilespmem:s21+$0x190]  }
0x1cb: {  	v60 =	vld [tilespmem:s23+$0x190]  }
0x1cc: {  	v61 =	vld [tilespmem:s21+$0x1A0]  }
0x1cd: {  	v62 =	vld [tilespmem:s23+$0x1A0]  }
0x1ce: {  	v63 =	vld [tilespmem:s21+$0x1B0]  }
0x1cf: {  	v15 =	vld [tilespmem:s23+$0x1B0]  }
0x1d0: {  	v8 =	vmul.f32 v58, v57;
	v18 =	vmul.f32 v60, v59;
	_ =	sdelay $0x1  }
0x1d1: {  	v19 =	vmul.f32 v62, v61;
	v8 =	vadd.f32 v18, v8;
	_ =	sdelay $0x1  }
0x1d2: {  	v20 =	vmul.f32 v15, v63;
	v8 =	vadd.f32 v19, v8;
	_ =	sdelay $0x1  }
0x1d3: {  	v8 =	vadd.f32 v20, v8;
	_ =	sdelay $0x1  }
0x1d4: {  	[tilespmem:$0x8CE8] =	vst v8  }
0x1d5: {  	v21 =	vld [tilespmem:s21+$0xFFFFFE40]  }
0x1d6: {  	v22 =	vld [tilespmem:s23+$0xFFFFFE40]  }
0x1d7: {  	v23 =	vld [tilespmem:s21+$0xFFFFFE50]  }
0x1d8: {  	v24 =	vld [tilespmem:s23+$0xFFFFFE50]  }
0x1d9: {  	v25 =	vld [tilespmem:s21+$0xFFFFFE60]  }
0x1da: {  	v26 =	vld [tilespmem:s23+$0xFFFFFE60]  }
0x1db: {  	v27 =	vld [tilespmem:s21+$0xFFFFFE70]  }
0x1dc: {  	v16 =	vld [tilespmem:s23+$0xFFFFFE70]  }
0x1dd: {  	v9 =	vmul.f32 v22, v21;
	v28 =	vmul.f32 v24, v23;
	_ =	sdelay $0x1  }
0x1de: {  	v29 =	vmul.f32 v26, v25;
	v9 =	vadd.f32 v28, v9;
	_ =	sdelay $0x1  }
0x1df: {  	v30 =	vmul.f32 v16, v27;
	v9 =	vadd.f32 v29, v9;
	_ =	sdelay $0x1  }
0x1e0: {  	v9 =	vadd.f32 v30, v9;
	_ =	sdelay $0x1  }
0x1e1: {  	[tilespmem:$0x8D08] =	vst v9  }
0x1e2: {  	v31 =	vld [tilespmem:s21+$0x40]  }
0x1e3: {  	v32 =	vld [tilespmem:s23+$0x40]  }
0x1e4: {  	v33 =	vld [tilespmem:s21+$0x50]  }
0x1e5: {  	v34 =	vld [tilespmem:s23+$0x50]  }
0x1e6: {  	v35 =	vld [tilespmem:s21+$0x60]  }
0x1e7: {  	v36 =	vld [tilespmem:s23+$0x60]  }
0x1e8: {  	v37 =	vld [tilespmem:s21+$0x70]  }
0x1e9: {  	v17 =	vld [tilespmem:s23+$0x70]  }
0x1ea: {  	v10 =	vmul.f32 v32, v31;
	v38 =	vmul.f32 v34, v33;
	_ =	sdelay $0x1  }
0x1eb: {  	v39 =	vmul.f32 v36, v35;
	v10 =	vadd.f32 v38, v10;
	_ =	sdelay $0x1  }
0x1ec: {  	v40 =	vmul.f32 v17, v37;
	v10 =	vadd.f32 v39, v10;
	_ =	sdelay $0x1  }
0x1ed: {  	v10 =	vadd.f32 v40, v10;
	_ =	sdelay $0x1  }
0x1ee: {  	[tilespmem:$0x8D28] =	vst v10  }
0x1ef: {  	v41 =	vld [tilespmem:s21+$0xFFFFFF40]  }
0x1f0: {  	v42 =	vld [tilespmem:s23+$0xFFFFFF40]  }
0x1f1: {  	v43 =	vld [tilespmem:s21+$0xFFFFFF50]  }
0x1f2: {  	v44 =	vld [tilespmem:s23+$0xFFFFFF50]  }
0x1f3: {  	v45 =	vld [tilespmem:s21+$0xFFFFFF60]  }
0x1f4: {  	v46 =	vld [tilespmem:s23+$0xFFFFFF60]  }
0x1f5: {  	v47 =	vld [tilespmem:s21+$0xFFFFFF70]  }
0x1f6: {  	v18 =	vld [tilespmem:s23+$0xFFFFFF70]  }
0x1f7: {  	v11 =	vmul.f32 v42, v41;
	v48 =	vmul.f32 v44, v43;
	_ =	sdelay $0x1  }
0x1f8: {  	v49 =	vmul.f32 v46, v45;
	v11 =	vadd.f32 v48, v11;
	_ =	sdelay $0x1  }
0x1f9: {  	v50 =	vmul.f32 v18, v47;
	v11 =	vadd.f32 v49, v11;
	_ =	sdelay $0x1  }
0x1fa: {  	v11 =	vadd.f32 v50, v11;
	_ =	sdelay $0x1  }
0x1fb: {  	[tilespmem:$0x8D48] =	vst v11  }
0x1fc: {  	v51 =	vld [tilespmem:s21+$0x140]  }
0x1fd: {  	v52 =	vld [tilespmem:s23+$0x140]  }
0x1fe: {  	v53 =	vld [tilespmem:s21+$0x150]  }
0x1ff: {  	v54 =	vld [tilespmem:s23+$0x150]  }
0x200: {  	v55 =	vld [tilespmem:s21+$0x160]  }
0x201: {  	v56 =	vld [tilespmem:s23+$0x160]  }
0x202: {  	v57 =	vld [tilespmem:s21+$0x170]  }
0x203: {  	v19 =	vld [tilespmem:s23+$0x170]  }
0x204: {  	v12 =	vmul.f32 v52, v51;
	v58 =	vmul.f32 v54, v53;
	_ =	sdelay $0x1  }
0x205: {  	v59 =	vmul.f32 v56, v55;
	v12 =	vadd.f32 v58, v12;
	_ =	sdelay $0x1  }
0x206: {  	v60 =	vmul.f32 v19, v57;
	v12 =	vadd.f32 v59, v12;
	_ =	sdelay $0x1  }
0x207: {  	v12 =	vadd.f32 v60, v12;
	_ =	sdelay $0x1  }
0x208: {  	[tilespmem:$0x8D68] =	vst v12  }
0x209: {  	v61 =	vld [tilespmem:s21+$0xFFFFFEC0]  }
0x20a: {  	v62 =	vld [tilespmem:s23+$0xFFFFFEC0]  }
0x20b: {  	v63 =	vld [tilespmem:s21+$0xFFFFFED0]  }
0x20c: {  	v24 =	vld [tilespmem:s23+$0xFFFFFED0]  }
0x20d: {  	v25 =	vld [tilespmem:s21+$0xFFFFFEE0]  }
0x20e: {  	v26 =	vld [tilespmem:s23+$0xFFFFFEE0]  }
0x20f: {  	v27 =	vld [tilespmem:s21+$0xFFFFFEF0]  }
0x210: {  	v20 =	vld [tilespmem:s23+$0xFFFFFEF0]  }
0x211: {  	v13 =	vmul.f32 v62, v61;
	v28 =	vmul.f32 v24, v63;
	_ =	sdelay $0x1  }
0x212: {  	v29 =	vmul.f32 v26, v25;
	v13 =	vadd.f32 v28, v13;
	_ =	sdelay $0x1  }
0x213: {  	v30 =	vmul.f32 v20, v27;
	v13 =	vadd.f32 v29, v13;
	_ =	sdelay $0x1  }
0x214: {  	v13 =	vadd.f32 v30, v13;
	_ =	sdelay $0x1  }
0x215: {  	[tilespmem:$0x8D88] =	vst v13  }
0x216: {  	v31 =	vld [tilespmem:s21+$0xC0]  }
0x217: {  	v32 =	vld [tilespmem:s23+$0xC0]  }
0x218: {  	v33 =	vld [tilespmem:s21+$0xD0]  }
0x219: {  	v34 =	vld [tilespmem:s23+$0xD0]  }
0x21a: {  	v35 =	vld [tilespmem:s21+$0xE0]  }
0x21b: {  	v36 =	vld [tilespmem:s23+$0xE0]  }
0x21c: {  	v37 =	vld [tilespmem:s21+$0xF0]  }
0x21d: {  	v21 =	vld [tilespmem:s23+$0xF0]  }
0x21e: {  	v14 =	vmul.f32 v32, v31;
	v38 =	vmul.f32 v34, v33;
	_ =	sdelay $0x1  }
0x21f: {  	v39 =	vmul.f32 v36, v35;
	v14 =	vadd.f32 v38, v14;
	_ =	sdelay $0x1  }
0x220: {  	v40 =	vmul.f32 v21, v37;
	v14 =	vadd.f32 v39, v14;
	_ =	sdelay $0x1  }
0x221: {  	v14 =	vadd.f32 v40, v14;
	_ =	sdelay $0x1  }
0x222: {  	[tilespmem:$0x8DA8] =	vst v14  }
0x223: {  	v41 =	vld [tilespmem:s21+$0xFFFFFFC0]  }
0x224: {  	v42 =	vld [tilespmem:s23+$0xFFFFFFC0]  }
0x225: {  	v43 =	vld [tilespmem:s21+$0xFFFFFFD0]  }
0x226: {  	v44 =	vld [tilespmem:s23+$0xFFFFFFD0]  }
0x227: {  	v45 =	vld [tilespmem:s21+$0xFFFFFFE0]  }
0x228: {  	v46 =	vld [tilespmem:s23+$0xFFFFFFE0]  }
0x229: {  	v47 =	vld [tilespmem:s21+$0xFFFFFFF0]  }
0x22a: {  	v22 =	vld [tilespmem:s23+$0xFFFFFFF0]  }
0x22b: {  	v15 =	vmul.f32 v42, v41;
	v48 =	vmul.f32 v44, v43;
	_ =	sdelay $0x1  }
0x22c: {  	v49 =	vmul.f32 v46, v45;
	v15 =	vadd.f32 v48, v15  }
0x22d: {  	v59 =	vld [tilespmem:$0x8CD0]  }
0x22e: {  	v60 =	vld [tilespmem:$0x8CE0];
	v50 =	vmul.f32 v22, v47;
	v15 =	vadd.f32 v49, v15  }
0x22f: {  	v24 =	vld [tilespmem:$0x8C10]  }
0x230: {  	v25 =	vld [tilespmem:$0x8C20];
	v15 =	vadd.f32 v50, v15  }
0x231: {  	v26 =	vld [tilespmem:$0x8C50]  }
0x232: {  	v27 =	vld [tilespmem:$0x8C60];
	[tilespmem:$0x8DC8] =	vst v15  }
0x233: {  	v51 =	vld [tilespmem:s21+$0x1C0]  }
0x234: {  	v52 =	vld [tilespmem:s23+$0x1C0]  }
0x235: {  	v53 =	vld [tilespmem:s21+$0x1D0]  }
0x236: {  	v54 =	vld [tilespmem:s23+$0x1D0]  }
0x237: {  	v55 =	vld [tilespmem:s21+$0x1E0]  }
0x238: {  	v56 =	vld [tilespmem:s23+$0x1E0]  }
0x239: {  	v57 =	vld [tilespmem:s21+$0x1F0]  }
0x23a: {  	v23 =	vld [tilespmem:s23+$0x1F0]  }
0x23b: {  	v62 =	vld [tilespmem:$0x8D10];
	v16 =	vmul.f32 v52, v51;
	v58 =	vmul.f32 v54, v53  }
0x23c: {  	v63 =	vld [tilespmem:$0x8D20]  }
0x23d: {  	v28 =	vld [tilespmem:$0x8C90];
	v61 =	vmul.f32 v56, v55;
	v16 =	vadd.f32 v58, v16  }
0x23e: {  	v29 =	vld [tilespmem:$0x8CA0]  }
0x23f: {  	v31 =	vld [tilespmem:$0x8D50];
	v30 =	vmul.f32 v23, v57;
	v16 =	vadd.f32 v61, v16  }
0x240: {  	v32 =	vld [tilespmem:$0x8D60]  }
0x241: {  	v33 =	vld [tilespmem:$0x8D90];
	v16 =	vadd.f32 v30, v16  }
0x242: {  	v1 =	vadd.f32 v24, v1;
	v2 =	vadd.f32 v25, v2;
	v34 =	vld [tilespmem:$0x8DA0]  }
0x243: {  	v3 =	vadd.f32 v26, v3;
	v4 =	vadd.f32 v27, v4;
	v35 =	vld [tilespmem:$0x8DD0];
	[tilespmem:$0x8DE8] =	vst v16  }
0x244: {  	v1 =	vsel vm2, v1, v2;
	v2 =	vadd.f32 v28, v5;
	v36 =	vadd.f32 v29, v6;
	v37 =	vld [tilespmem:$0x8DE0]  }
0x245: {  	v3 =	vsel vm2, v3, v4;
	v38 =	vadd.f32 v59, v7;
	v39 =	vadd.f32 v60, v8;
	[tilespmem:$0x8E08] =	vst v1  }
0x246: {  	v2 =	vsel vm2, v2, v36;
	v40 =	vadd.f32 v62, v9;
	v41 =	vadd.f32 v63, v10;
	[tilespmem:$0x8E28] =	vst v3;
	v42 =	vld [tilespmem:$0x8E0C]  }
0x247: {  	v4 =	vsel vm2, v38, v39;
	v43 =	vadd.f32 v31, v11;
	v44 =	vadd.f32 v32, v12;
	[tilespmem:$0x8E48] =	vst v2;
	v45 =	vld [tilespmem:$0x8E24]  }
0x248: {  	v46 =	vadd.f32 v33, v13;
	v47 =	vadd.f32 v34, v14;
	v5 =	vsel vm2, v40, v41;
	[tilespmem:$0x8E68] =	vst v4;
	v48 =	vld [tilespmem:$0x8E4C]  }
0x249: {  	v7 =	vsel vm2, v43, v44;
	[tilespmem:$0x8E88] =	vst v5;
	v50 =	vld [tilespmem:$0x8E64];
	v49 =	vadd.f32 v35, v15;
	v6 =	vadd.f32 v37, v16  }
0x24a: {  	v8 =	vsel vm2, v46, v47;
	[tilespmem:$0x8EA8] =	vst v7;
	v51 =	vld [tilespmem:$0x8E8C]  }
0x24b: {  	[tilespmem:$0x8EC8] =	vst v8;
	v52 =	vld [tilespmem:$0x8EA4];
	v6 =	vsel vm2, v49, v6  }
0x24c: {  	v53 =	vld [tilespmem:$0x8ECC];
	[tilespmem:$0x8EE8] =	vst v6  }
0x24d: {  	v54 =	vld [tilespmem:$0x8EE4];
	_ =	sdelay $0x1  }
0x24e: {  	v1 =	vadd.f32 v42, v1;
	v3 =	vadd.f32 v45, v3  }
0x24f: {  	v2 =	vadd.f32 v48, v2;
	v4 =	vadd.f32 v50, v4  }
0x250: {  	v1 =	vsel vm0, v1, v3;
	v3 =	vadd.f32 v51, v5;
	v55 =	vadd.f32 v52, v7  }
0x251: {  	v2 =	vsel vm0, v2, v4;
	[tilespmem:$0x8F08] =	vst v1;
	v56 =	vadd.f32 v53, v8;
	v6 =	vadd.f32 v54, v6  }
0x252: {  	[tilespmem:$0x8F28] =	vst v2;
	v57 =	vld [tilespmem:$0x8F0A];
	v3 =	vsel vm0, v3, v55  }
0x253: {  	v58 =	vld [tilespmem:$0x8F26];
	[tilespmem:$0x8F48] =	vst v3;
	v4 =	vsel vm0, v56, v6  }
0x254: {  	v59 =	vld [tilespmem:$0x8F4A];
	[tilespmem:$0x8F68] =	vst v4  }
0x255: {  	v60 =	vld [tilespmem:$0x8F66];
	_ =	sdelay $0x3  }
0x256: {  	v1 =	vadd.f32 v57, v1;
	v2 =	vadd.f32 v58, v2  }
0x257: {  	v3 =	vadd.f32 v59, v3;
	v4 =	vadd.f32 v60, v4  }
0x258: {  	v1 =	vsel vm1, v1, v2  }
0x259: {  	[tilespmem:$0x8F88] =	vst v1;
	v2 =	vsel vm1, v3, v4  }
0x25a: {  	v3 =	vld [tilespmem:$0x8F89];
	[tilespmem:$0x8FA8] =	vst v2  }
0x25b: {  	v61 =	vld [tilespmem:$0x8FA7];
	_ =	sdelay $0x1  }
0x25c: {  	s25 =	sshra.s32 s19, $0x2  }
0x25d: {  	v62 =	vld [tilespmem:s25+$0x900];
	_ =	sdelay $0x1  }
0x25e: {  	v1 =	vadd.f32 v3, v1;
	v3 =	vld [tilespmem:s25+$0xB00];
	v2 =	vadd.f32 v61, v2;
	_ =	sdelay $0x1  }
0x25f: {  	v1 =	vsel vm3, v1, v2;
	v2 =	vld [tilespmem:s25+$0x500]  }
0x260: {  	v1 =	vadd.f32 v1, v62  }
0x261: {  	v63 =	vld [tilespmem:s25+$0x700]  }
0x262: {  	v1 =	vadd.f32 v1, v3;
	_ =	sdelay $0x1  }
0x263: {  	v1 =	vsub.f32 v1, v2  }
0x264: {  	p0 =	sne.s32 s19, $0x3C0  }
.Ltmp1:
0x265: {  	v2 =	vmul.f32 v1, v63;
	(pc) =	sbr.rel @p0 .LBB2_4-.Ltmp1, $3  }
0x266: {  	_ = 	snop  }
0x267: {  	v1 =	vmul.f32 v2, v1;
	_ =	sdelay $0x1  }
0x268: {  	s19 =	sadd.s32 $0x40, s19;
	s21 =	sadd.s32 $0x400, s21;
	s23 =	sadd.s32 $0x400, s23;
	v0 =	vadd.f32 v1, v0  }
0x269: {  	s18 =	sadd.s32 $0x1, s18  }
0x26a: {  	p0 =	sne.s32 s18, s11  }
.Ltmp2:
0x26b: {  	[tilespmem:$0x9000] =	vst v0;
	(pc) =	sbr.rel @p0 .LBB2_1-.Ltmp2, $4  }
0x26c: {  	[hbm4b:s10+s1] =	stream.linear.scatter [tilespmem:s17], [sflag:$0x2], $0x10, $0x38;
	[tilespmem:$0x9010] =	vst v63  }
0x26d: {  	_ =	swait.ge [sflag:s12], $0x10  }
0x26e: {  	[sflag:s12] =	ssyncset.done $0x0  }
0x26f: {  	[sflag:s12] =	ssyncadd.s32 $0xFFFFFFF0  }
0x270: {  	_ =	sfence.sel $0x180000  }
0x271: {  	[bflag:$0x0] =	sbarrier.arrive $0xFFFF  }
0x272: {  	_ =	strace $0x90000047  }
0x273: {  	s0 =	stileid.u32;
	[bflag:$0x2] =	sbarrier.arrive $0xFFFF  }
0x274: {  	p0 =	sne.s32 s0, $0x0;
	s0 =	rddreg [dreg:$0x5]  }
0x275: {  	s0 =	sadd.s32 @!p0 $0x100000, s0  }
0x276: {  	[sflag:s0] =	ssyncadd.tile.s32 @!p0 $0x1;
	_ =	shalt  }
.Lfunc_end2:
_tile_overlayer_lowered:
.L_overlay_start_2:
0x277: {  	(tag) =	ssettag $0x2  }
0x278: {  	s0 =	rddreg [dreg:$0x0];
	s2 =	stileid.u32  }
0x279: {  	s1 =	rddreg [dreg:$0x1];
	p0 =	sne.s32 s2, $0x0  }
0x27a: {  	s3 =	rddreg [dreg:$0x2];
	[bflag:$0x3] =	sbarrier.arrive $0xFFFF;
	s2 =	simm.s32 @!p0 $0x1C02  }
0x27b: {  	[timem:s3], [sflag:s2] =	dma.local @!p0 [hbm:s0], s1  }
0x27c: {  	s0 =	simm.s32 @!p0 $0x2  }
0x27d: {  	_ =	swait.ge @!p0 [sflag:s0], s1  }
0x27e: {  	s1 =	ssub.s32 @!p0 $0x0, s1;
	[sflag:s0] =	ssyncset.done @!p0 $0x0  }
0x27f: {  	[sflag:s0] =	ssyncadd.s32 @!p0 s1  }
0x280: {  	[bflag:$0x3] =	sbarrier.arrive $0xFFFF  }
0x281: {  	_ =	shalt  }

</sc_bundles>
